<compile_context>
chip_gen: v7x
topology: tpu7x:2x2x1
jax: 0.10.2.dev20260603
libtpu: 0.0.44.dev20260713+nightly
codegen_flags: <defaults>
</compile_context>

<pallas_src>
import jax
import jax.numpy as jnp
from jax import lax
from jax.experimental import pallas as pl
from jax.experimental.pallas import tpu as pltpu
from jax.experimental.pallas import tpu_sc as plsc

N = 10000
E = 160000
D_IN = 256
D_H1 = 256
D_H2 = 128
D_OUT = 64

NPAD = 10240
DUMMY = NPAD
ACC_ROWS = 10368
CHUNK = 128
NCHUNK = 80
EPAD = 16 * NCHUNK * CHUNK
R_BLK = 1024

_mesh = plsc.VectorSubcoreMesh(core_axis_name="c", subcore_axis_name="s")



def _hist_body(dst_hbm, ones_hbm, zeros_hbm, degp_hbm, idx_v, ones_v, acc_sh,
               hsem):
    c = lax.axis_index("c")
    t = lax.axis_index("s")
    pltpu.sync_copy(zeros_hbm.at[pl.ds(t * 648, 648)],
                    acc_sh.at[pl.ds(t * 648, 648)])
    pltpu.sync_copy(ones_hbm, ones_v)
    pltpu.sync_copy(dst_hbm.at[t, pl.ds(c * 40, 40)], idx_v)
    plsc.subcore_barrier()

    def step(j, carry):
        pltpu.async_copy(ones_v, acc_sh.at[idx_v.at[j]], hsem, add=True)
        return carry

    lax.fori_loop(0, 40, step, 0)

    def drain(j, carry):
        pltpu.make_async_copy(ones_v, acc_sh.at[idx_v.at[j]], hsem).wait()
        return carry

    lax.fori_loop(0, 40, drain, 0)
    plsc.subcore_barrier()
    pltpu.sync_copy(acc_sh.at[pl.ds(t * 640, 640)],
                    degp_hbm.at[c, pl.ds(t * 640, 640)])


_hist = pl.kernel(
    _hist_body,
    out_type=jax.ShapeDtypeStruct((2, NPAD, 128), jnp.float32),
    mesh=_mesh,
    scratch_types=[
        pltpu.VMEM((40, CHUNK), jnp.int32),
        pltpu.VMEM((CHUNK, 128), jnp.float32),
        pltpu.VMEM_SHARED((ACC_ROWS, 128), jnp.float32),
        pltpu.SemaphoreType.DMA,
    ],
)


def _make_scatter(edge_split, chunk, nbuf):
    nh = 2
    per_tile = (EPAD // 32) if edge_split else (EPAD // 16)
    nc = per_tile // nh // chunk
    del edge_split
    ngrp = nc // nbuf

    def body(tbl_hbm, src_hbm, dst_hbm, zeros_hbm, out_hbm, *scr):
        idx_s, idx_d = scr[0], scr[1]
        bufs = scr[2:2 + nbuf]
        acc_sh = scr[2 + nbuf]
        gsems = scr[3 + nbuf:3 + 2 * nbuf]
        ssems = scr[3 + 2 * nbuf:3 + 3 * nbuf]
        c = lax.axis_index("c")
        t = lax.axis_index("s")
        zcp = pltpu.async_copy(zeros_hbm.at[pl.ds(t * 648, 648)],
                               acc_sh.at[pl.ds(t * 648, 648)], gsems[0])
        first = True

        for h in range(nh):
            scp = pltpu.async_copy(src_hbm.at[c, t, pl.ds(h * nc, nc)],
                                   idx_s, ssems[0])
            dcp = pltpu.async_copy(dst_hbm.at[c, t, pl.ds(h * nc, nc)],
                                   idx_d, ssems[1])
            scp.wait()
            dcp.wait()
            if first:
                zcp.wait()
                plsc.subcore_barrier()
                first = False

            for k in range(nbuf):
                pltpu.async_copy(tbl_hbm.at[idx_s.at[k]], bufs[k], gsems[k])

            def grp(g, carry):
                base = g * nbuf
                for k in range(nbuf):
                    pltpu.make_async_copy(tbl_hbm.at[idx_s.at[base + k]],
                                          bufs[k], gsems[k]).wait()
                    pltpu.async_copy(bufs[k], acc_sh.at[idx_d.at[base + k]],
                                     ssems[k], add=True)

                @pl.when(g < ngrp - 1)
                def _():
                    for k in range(nbuf):
                        pltpu.make_async_copy(bufs[k],
                                              acc_sh.at[idx_d.at[base + k]],
                                              ssems[k]).wait()
                        pltpu.async_copy(tbl_hbm.at[idx_s.at[base + nbuf + k]],
                                         bufs[k], gsems[k])

                return carry

            lax.fori_loop(0, ngrp, grp, 0)
            last = (ngrp - 1) * nbuf
            for k in range(nbuf):
                pltpu.make_async_copy(bufs[k], acc_sh.at[idx_d.at[last + k]],
                                      ssems[k]).wait()

        plsc.subcore_barrier()
        pltpu.sync_copy(acc_sh.at[pl.ds(t * 640, 640)],
                        out_hbm.at[c, pl.ds(t * 640, 640)])

    return pl.kernel(
        body,
        out_type=jax.ShapeDtypeStruct((2, NPAD, 128), jnp.float32),
        mesh=_mesh,
        scratch_types=(
            [pltpu.VMEM((nc, chunk), jnp.int32),
             pltpu.VMEM((nc, chunk), jnp.int32)]
            + [pltpu.VMEM((chunk, 128), jnp.float32) for _ in range(nbuf)]
            + [pltpu.VMEM_SHARED((ACC_ROWS, 128), jnp.float32)]
            + [pltpu.SemaphoreType.DMA for _ in range(2 * nbuf)]
        ),
    )


_scatter1 = _make_scatter(edge_split=False, chunk=128, nbuf=2)
_scatter2 = _make_scatter(edge_split=True, chunk=64, nbuf=4)



def _dinv(dr):
    deg = dr[0, :, 0:1] + dr[1, :, 0:1] + 1.0
    return lax.rsqrt(jnp.maximum(deg, 1.0))


def _tcv_body(xr, dr, vr, dvr):
    dinv = _dinv(dr)
    v = xr[...] * dinv
    vr[0] = v[:, :128]
    vr[1] = v[:, 128:]
    dvr[...] = dinv.reshape(1, R_BLK)


def _tc2_body(sr, vr, dr, br, w1r, w2r, ur):
    dinv = dr[...].reshape(R_BLK, 1)
    p = jnp.concatenate([sr[0] + vr[0], sr[1] + vr[1]], axis=1)
    q = jnp.dot(p, w1r[...], preferred_element_type=jnp.float32) * dinv + br[...]
    z = jnp.maximum(q, 0.0)
    m = jnp.dot(z, w2r[...], preferred_element_type=jnp.float32) * dinv
    rows = lax.broadcasted_iota(jnp.int32, (R_BLK, 1), 0) + pl.program_id(0) * R_BLK
    m = jnp.where(rows < N, m, 0.0)
    ur[0] = m
    ur[1] = m


def _tc3_body(sr, upr, dr, br, wr, bfr, outr):
    dinv = dr[...].reshape(R_BLK, 1)
    z = sr[0] + sr[1] + upr[0]
    z = jnp.maximum(z * dinv + br[...], 0.0)
    outr[...] = jnp.dot(z, wr[...], preferred_element_type=jnp.float32) + bfr[...]


def _row_spec(k):
    return pl.BlockSpec((2, R_BLK, k), lambda i: (0, i, 0))


def _flat_spec(k):
    return pl.BlockSpec((R_BLK, k), lambda i: (i, 0))


def _full_spec(shape):
    nd = len(shape)
    return pl.BlockSpec(shape, lambda i: (0,) * nd)


_GRID = NPAD // R_BLK

_tcv = pl.pallas_call(
    _tcv_body,
    grid=(_GRID,),
    in_specs=[
        _flat_spec(D_IN),
        _row_spec(128),
    ],
    out_specs=[
        _row_spec(128),
        pl.BlockSpec((1, R_BLK), lambda i: (0, i)),
    ],
    out_shape=[
        jax.ShapeDtypeStruct((2, NPAD, 128), jnp.float32),
        jax.ShapeDtypeStruct((1, NPAD), jnp.float32),
    ],
)

_tc2 = pl.pallas_call(
    _tc2_body,
    grid=(_GRID,),
    in_specs=[
        _row_spec(128),
        _row_spec(128),
        pl.BlockSpec((1, R_BLK), lambda i: (0, i)),
        _full_spec((1, D_H1)),
        _full_spec((D_IN, D_H1)),
        _full_spec((D_H1, D_H2)),
    ],
    out_specs=_row_spec(128),
    out_shape=jax.ShapeDtypeStruct((2, NPAD, D_H2), jnp.float32),
)

_tc3 = pl.pallas_call(
    _tc3_body,
    grid=(_GRID,),
    in_specs=[
        _row_spec(128),
        _row_spec(128),
        pl.BlockSpec((1, R_BLK), lambda i: (0, i)),
        _full_spec((1, D_H2)),
        _full_spec((D_H2, D_OUT)),
        _full_spec((1, D_OUT)),
    ],
    out_specs=_flat_spec(D_OUT),
    out_shape=jax.ShapeDtypeStruct((NPAD, D_OUT), jnp.float32),
)



@jax.jit
def kernel(x, edge_index, W1, b1, W2, b2, Wfc, bfc):
    x_pad = jnp.zeros((NPAD, D_IN), jnp.float32).at[:N].set(x)
    src = edge_index[0]
    dst = edge_index[1]
    pad = EPAD - E
    src_p = jnp.concatenate([src, jnp.full((pad,), N, jnp.int32)])
    dst_p = jnp.concatenate([dst, jnp.full((pad,), DUMMY, jnp.int32)])
    src3 = src_p.reshape(16, NCHUNK, CHUNK)
    src_off = src3[None] + (jnp.arange(2, dtype=jnp.int32) * NPAD)[:, None, None, None]
    dst3 = dst_p.reshape(16, NCHUNK, CHUNK)

    ones128 = jnp.ones((CHUNK, 128), jnp.float32)
    zeros128 = jnp.zeros((ACC_ROWS, 128), jnp.float32)

    dst4_1 = jnp.stack([dst3, dst3])
    src64 = src_p.reshape(16, 160, 64)
    dst64 = dst_p.reshape(16, 160, 64)
    off = (jnp.arange(2, dtype=jnp.int32) * NPAD)[:, None, None, None]
    src4_2 = jnp.stack([src64[:, 0::2], src64[:, 1::2]]) + off
    dst4_2 = jnp.stack([dst64[:, 0::2], dst64[:, 1::2]])

    degp = _hist(dst3, ones128, zeros128)
    v, dinv = _tcv(x_pad, degp)
    s1 = _scatter1(v.reshape(2 * NPAD, 128), src_off, dst4_1, zeros128)
    u2 = _tc2(s1, v, dinv, b1.reshape(1, D_H1), W1, W2)
    s2 = _scatter2(u2.reshape(2 * NPAD, 128), src4_2, dst4_2, zeros128)
    out = _tc3(s2, u2, dinv, b2.reshape(1, D_H2), Wfc, bfc.reshape(1, D_OUT))
    return out[:N]

# --- scband reference (transcript-rebuilt; emitter-appended) ---
"""Pipeline reference for scband-two-graph-convolution-65755949302356 (READ-ONLY COPY).

The authoritative reference and input builder live on the scoring server;
editing this copy changes nothing except your own understanding.
"""

import jax, jax.numpy as jnp
import numpy as np

N = 10000
E = 160000
D_IN = 256
D_H1 = 256
D_H2 = 128
D_OUT = 64


def setup_inputs(seed: int = 0) -> dict:
    key = jax.random.key(seed)
    ks = jax.random.split(key, 8)
    x = jax.random.normal(ks[0], (N, D_IN), dtype=jnp.float32)
    edge_index = jax.random.randint(ks[1], (2, E), 0, N, dtype=jnp.int32)
    W1 = jax.random.normal(ks[2], (D_IN, D_H1), dtype=jnp.float32) * (1.0 / np.sqrt(D_IN))
    b1 = jnp.zeros((D_H1,), dtype=jnp.float32)
    W2 = jax.random.normal(ks[3], (D_H1, D_H2), dtype=jnp.float32) * (1.0 / np.sqrt(D_H1))
    b2 = jnp.zeros((D_H2,), dtype=jnp.float32)
    Wfc = jax.random.normal(ks[4], (D_H2, D_OUT), dtype=jnp.float32) * (1.0 / np.sqrt(D_H2))
    bfc = jnp.zeros((D_OUT,), dtype=jnp.float32)
    return {"x": x, "edge_index": edge_index, "W1": W1, "b1": b1, "W2": W2, "b2": b2, "Wfc": Wfc, "bfc": bfc}


def reference(x, edge_index, W1, b1, W2, b2, Wfc, bfc):
    # GCN-style convolution: symmetric-normalized adjacency with self loops.
    src = edge_index[0]
    dst = edge_index[1]
    loop = jnp.arange(N, dtype=src.dtype)
    src = jnp.concatenate([src, loop])
    dst = jnp.concatenate([dst, loop])
    deg = jax.ops.segment_sum(jnp.ones(src.shape[0], dtype=jnp.float32), dst, num_segments=N)
    dinv = jax.lax.rsqrt(jnp.maximum(deg, 1.0))
    norm = dinv[src] * dinv[dst]

    def conv(h, W, b):
        h = h @ W
        msg = h[src] * norm[:, None]
        agg = jax.ops.segment_sum(msg, dst, num_segments=N)
        return agg + b

    h = jax.nn.relu(conv(x, W1, b1))
    h = jax.nn.relu(conv(h, W2, b2))
    return h @ Wfc + bfc

if __name__ == "__main__":
    import jax
    _d = setup_inputs()
    print(jax.jit(kernel)(*tuple(_d.values())))

</pallas_src>

<mosaic_0001>
#map = affine_map<(d0, d1) -> (0, 0, 0)>
#map1 = affine_map<(d0, d1) -> (0, 0)>
module attributes {stable_mosaic.version = 14 : i64} {
  func.func @_hist_body(%arg0: i32, %arg1: i32, %arg2: memref<16x80x128xi32, #tpu.memory_space<hbm>>, %arg3: memref<128x128xf32, #tpu.memory_space<hbm>>, %arg4: memref<10368x128xf32, #tpu.memory_space<hbm>>, %arg5: memref<2x10240x128xf32, #tpu.memory_space<hbm>>, %arg6: memref<40x128xi32, #tpu.memory_space<vmem>>, %arg7: memref<128x128xf32, #tpu.memory_space<vmem>>, %arg8: memref<10368x128xf32, #tpu.memory_space<vmem_shared>>, %arg9: memref<!tpu.dma_semaphore, #tpu.memory_space<semaphore_mem>>) attributes {dimension_semantics = [#tpu.dimension_semantics<core_parallel>, #tpu.dimension_semantics<subcore_parallel>], iteration_bounds = array<i64: 2, 16>, scalar_prefetch = 0 : i64, scratch_operands = 4 : i64, tpu.core_type = #tpu.core_type<sc_vector_subcore>, window_params = [{transform_indices = #map}, {transform_indices = #map1}, {transform_indices = #map1}, {transform_indices = #map}]} {
    %mul3A = arith.constant 648 : i32
    %mul3A_0 = arith.muli %arg1, %mul3A : i32
    %mul3A_1 = arith.constant 648 : i32
    %mul3A_2 = arith.muli %arg1, %mul3A_1 : i32
    "tpu.region"() ({
      %run_scoped3A = tpu.sem_alloc : memref<!tpu.dma_semaphore, #tpu.memory_space<semaphore_mem>>
      %dma_start3A = arith.constant 0 : i32
      %dma_start3A_21 = tpu.memref_slice %arg8[%mul3A_2, %dma_start3A] : memref<10368x128xf32, #tpu.memory_space<vmem_shared>> -> memref<648x128xf32, #tpu.memory_space<vmem_shared>>
      %dma_start3A_22 = arith.constant 0 : i32
      %dma_start3A_23 = tpu.memref_slice %arg4[%mul3A_0, %dma_start3A_22] : memref<10368x128xf32, #tpu.memory_space<hbm>> -> memref<648x128xf32, #tpu.memory_space<hbm>>
      tpu.enqueue_dma source(%dma_start3A_23 : memref<648x128xf32, #tpu.memory_space<hbm>>) target(%dma_start3A_21 : memref<648x128xf32, #tpu.memory_space<vmem_shared>>) target_semaphore(%run_scoped3A : memref<!tpu.dma_semaphore, #tpu.memory_space<semaphore_mem>>)
      %dma_wait3A = arith.constant 0 : i32
      %dma_wait3A_24 = tpu.memref_slice %arg8[%mul3A_2, %dma_wait3A] : memref<10368x128xf32, #tpu.memory_space<vmem_shared>> -> memref<648x128xf32, #tpu.memory_space<vmem_shared>>
      %dma_wait3A_25 = arith.constant 0 : i32
      %dma_wait3A_26 = tpu.memref_slice %arg4[%mul3A_0, %dma_wait3A_25] : memref<10368x128xf32, #tpu.memory_space<hbm>> -> memref<648x128xf32, #tpu.memory_space<hbm>>
      tpu.wait_dma2 semaphore(%run_scoped3A : memref<!tpu.dma_semaphore, #tpu.memory_space<semaphore_mem>>) src(%dma_wait3A_26 : memref<648x128xf32, #tpu.memory_space<hbm>>) dst(%dma_wait3A_24 : memref<648x128xf32, #tpu.memory_space<vmem_shared>>)
      tpu.yield
    }) : () -> ()
    "tpu.region"() ({
      %run_scoped3A = tpu.sem_alloc : memref<!tpu.dma_semaphore, #tpu.memory_space<semaphore_mem>>
      tpu.enqueue_dma source(%arg3 : memref<128x128xf32, #tpu.memory_space<hbm>>) target(%arg7 : memref<128x128xf32, #tpu.memory_space<vmem>>) target_semaphore(%run_scoped3A : memref<!tpu.dma_semaphore, #tpu.memory_space<semaphore_mem>>)
      tpu.wait_dma2 semaphore(%run_scoped3A : memref<!tpu.dma_semaphore, #tpu.memory_space<semaphore_mem>>) src(%arg3 : memref<128x128xf32, #tpu.memory_space<hbm>>) dst(%arg7 : memref<128x128xf32, #tpu.memory_space<vmem>>)
      tpu.yield
    }) : () -> ()
    %mul3A_3 = arith.constant 40 : i32
    %mul3A_4 = arith.muli %arg0, %mul3A_3 : i32
    "tpu.region"() ({
      %run_scoped3A = tpu.sem_alloc : memref<!tpu.dma_semaphore, #tpu.memory_space<semaphore_mem>>
      %dma_start3A = arith.constant 0 : i32
      %dma_start3A_21 = tpu.memref_slice %arg2[%arg1, %mul3A_4, %dma_start3A] : memref<16x80x128xi32, #tpu.memory_space<hbm>> -> memref<1x40x128xi32, #tpu.memory_space<hbm>>
      %dma_start3A_22 = tpu.memref_squeeze %dma_start3A_21 : memref<1x40x128xi32, #tpu.memory_space<hbm>> -> memref<40x128xi32, #tpu.memory_space<hbm>>
      %dma_start3A_23 = arith.constant 0 : i32
      %dma_start3A_24 = tpu.memref_slice %arg2[%arg1, %mul3A_4, %dma_start3A_23] : memref<16x80x128xi32, #tpu.memory_space<hbm>> -> memref<1x40x128xi32, #tpu.memory_space<hbm>>
      %dma_start3A_25 = tpu.memref_squeeze %dma_start3A_24 : memref<1x40x128xi32, #tpu.memory_space<hbm>> -> memref<40x128xi32, #tpu.memory_space<hbm>>
      tpu.enqueue_dma source(%dma_start3A_25 : memref<40x128xi32, #tpu.memory_space<hbm>>) target(%arg6 : memref<40x128xi32, #tpu.memory_space<vmem>>) target_semaphore(%run_scoped3A : memref<!tpu.dma_semaphore, #tpu.memory_space<semaphore_mem>>)
      %dma_wait3A = arith.constant 0 : i32
      %dma_wait3A_26 = tpu.memref_slice %arg2[%arg1, %mul3A_4, %dma_wait3A] : memref<16x80x128xi32, #tpu.memory_space<hbm>> -> memref<1x40x128xi32, #tpu.memory_space<hbm>>
      %dma_wait3A_27 = tpu.memref_squeeze %dma_wait3A_26 : memref<1x40x128xi32, #tpu.memory_space<hbm>> -> memref<40x128xi32, #tpu.memory_space<hbm>>
      %dma_wait3A_28 = arith.constant 0 : i32
      %dma_wait3A_29 = tpu.memref_slice %arg2[%arg1, %mul3A_4, %dma_wait3A_28] : memref<16x80x128xi32, #tpu.memory_space<hbm>> -> memref<1x40x128xi32, #tpu.memory_space<hbm>>
      %dma_wait3A_30 = tpu.memref_squeeze %dma_wait3A_29 : memref<1x40x128xi32, #tpu.memory_space<hbm>> -> memref<40x128xi32, #tpu.memory_space<hbm>>
      tpu.wait_dma2 semaphore(%run_scoped3A : memref<!tpu.dma_semaphore, #tpu.memory_space<semaphore_mem>>) src(%dma_wait3A_30 : memref<40x128xi32, #tpu.memory_space<hbm>>) dst(%arg6 : memref<40x128xi32, #tpu.memory_space<vmem>>)
      tpu.yield
    }) : () -> ()
    %barrier3A = arith.constant 0 : index
    tpu.barrier barrier_id(%barrier3A)
    %scan3A = arith.constant 0 : i32
    %scan3A_5 = arith.constant 0 : i32
    %scan3A_6 = arith.constant 40 : i32
    %scan3A_7 = arith.addi %scan3A_5, %scan3A_6 : i32
    %scan3A_8 = arith.constant 1 : i32
    scf.for %scan3A_21 = %scan3A_5 to %scan3A_7 step %scan3A_8  : i32 {
      %dma_start3A = arith.constant 0 : i32
      %dma_start3A_22 = tpu.memref_slice %arg6[%scan3A_21, %dma_start3A] : memref<40x128xi32, #tpu.memory_space<vmem>> -> memref<1x128xi32, #tpu.memory_space<vmem>>
      %dma_start3A_23 = tpu.memref_squeeze %dma_start3A_22 : memref<1x128xi32, #tpu.memory_space<vmem>> -> memref<128xi32, #tpu.memory_space<vmem>>
      %dma_start3A_24 = arith.constant 0 : i32
      %dma_start3A_25 = arith.constant 0 : i32
      %dma_start3A_26 = tpu.memref_slice %arg8[%dma_start3A_24, %dma_start3A_25] : memref<10368x128xf32, #tpu.memory_space<vmem_shared>> -> memref<10368x128xf32, #tpu.memory_space<vmem_shared>>
      tpu.enqueue_indirect_dma source(%arg7 : memref<128x128xf32, #tpu.memory_space<vmem>>) target(%dma_start3A_26 : memref<10368x128xf32, #tpu.memory_space<vmem_shared>>) offsets(%dma_start3A_23 : memref<128xi32, #tpu.memory_space<vmem>>) semaphore(%arg9 : memref<!tpu.dma_semaphore, #tpu.memory_space<semaphore_mem>>) {add = true}
    }
    %scan3A_9 = arith.constant 40 : i32
    %scan3A_10 = arith.constant 0 : i32
    %scan3A_11 = arith.constant 0 : i32
    %scan3A_12 = arith.constant 40 : i32
    %scan3A_13 = arith.addi %scan3A_11, %scan3A_12 : i32
    %scan3A_14 = arith.constant 1 : i32
    scf.for %scan3A_21 = %scan3A_11 to %scan3A_13 step %scan3A_14  : i32 {
      %dma_wait3A = arith.constant 0 : i32
      %dma_wait3A_22 = tpu.memref_slice %arg6[%scan3A_21, %dma_wait3A] : memref<40x128xi32, #tpu.memory_space<vmem>> -> memref<1x128xi32, #tpu.memory_space<vmem>>
      %dma_wait3A_23 = tpu.memref_squeeze %dma_wait3A_22 : memref<1x128xi32, #tpu.memory_space<vmem>> -> memref<128xi32, #tpu.memory_space<vmem>>
      %dma_wait3A_24 = arith.constant 0 : i32
      %dma_wait3A_25 = arith.constant 0 : i32
      %dma_wait3A_26 = tpu.memref_slice %arg8[%dma_wait3A_24, %dma_wait3A_25] : memref<10368x128xf32, #tpu.memory_space<vmem_shared>> -> memref<10368x128xf32, #tpu.memory_space<vmem_shared>>
      tpu.wait_indirect_dma semaphore(%arg9 : memref<!tpu.dma_semaphore, #tpu.memory_space<semaphore_mem>>) src(%arg7 : memref<128x128xf32, #tpu.memory_space<vmem>>) dst(%dma_wait3A_26 : memref<10368x128xf32, #tpu.memory_space<vmem_shared>>)
    }
    %scan3A_15 = arith.constant 40 : i32
    %barrier3A_16 = arith.constant 0 : index
    tpu.barrier barrier_id(%barrier3A_16)
    %mul3A_17 = arith.constant 640 : i32
    %mul3A_18 = arith.muli %arg1, %mul3A_17 : i32
    %mul3A_19 = arith.constant 640 : i32
    %mul3A_20 = arith.muli %arg1, %mul3A_19 : i32
    "tpu.region"() ({
      %run_scoped3A = tpu.sem_alloc : memref<!tpu.dma_semaphore, #tpu.memory_space<semaphore_mem>>
      %dma_start3A = arith.constant 0 : i32
      %dma_start3A_21 = tpu.memref_slice %arg5[%arg0, %mul3A_20, %dma_start3A] : memref<2x10240x128xf32, #tpu.memory_space<hbm>> -> memref<1x640x128xf32, #tpu.memory_space<hbm>>
      %dma_start3A_22 = tpu.memref_squeeze %dma_start3A_21 : memref<1x640x128xf32, #tpu.memory_space<hbm>> -> memref<640x128xf32, #tpu.memory_space<hbm>>
      %dma_start3A_23 = arith.constant 0 : i32
      %dma_start3A_24 = tpu.memref_slice %arg8[%mul3A_18, %dma_start3A_23] : memref<10368x128xf32, #tpu.memory_space<vmem_shared>> -> memref<640x128xf32, #tpu.memory_space<vmem_shared>>
      tpu.enqueue_dma source(%dma_start3A_24 : memref<640x128xf32, #tpu.memory_space<vmem_shared>>) target(%dma_start3A_22 : memref<640x128xf32, #tpu.memory_space<hbm>>) target_semaphore(%run_scoped3A : memref<!tpu.dma_semaphore, #tpu.memory_space<semaphore_mem>>)
      %dma_wait3A = arith.constant 0 : i32
      %dma_wait3A_25 = tpu.memref_slice %arg5[%arg0, %mul3A_20, %dma_wait3A] : memref<2x10240x128xf32, #tpu.memory_space<hbm>> -> memref<1x640x128xf32, #tpu.memory_space<hbm>>
      %dma_wait3A_26 = tpu.memref_squeeze %dma_wait3A_25 : memref<1x640x128xf32, #tpu.memory_space<hbm>> -> memref<640x128xf32, #tpu.memory_space<hbm>>
      %dma_wait3A_27 = arith.constant 0 : i32
      %dma_wait3A_28 = tpu.memref_slice %arg8[%mul3A_18, %dma_wait3A_27] : memref<10368x128xf32, #tpu.memory_space<vmem_shared>> -> memref<640x128xf32, #tpu.memory_space<vmem_shared>>
      tpu.wait_dma2 semaphore(%run_scoped3A : memref<!tpu.dma_semaphore, #tpu.memory_space<semaphore_mem>>) src(%dma_wait3A_28 : memref<640x128xf32, #tpu.memory_space<vmem_shared>>) dst(%dma_wait3A_26 : memref<640x128xf32, #tpu.memory_space<hbm>>)
      tpu.yield
    }) : () -> ()
    return
  }
}

#map = affine_map<(d0, d1) -> (0, 0)>
#map1 = affine_map<(d0, d1) -> (0, 0, 0, 0)>
#map2 = affine_map<(d0, d1) -> (0, 0, 0)>
module attributes {stable_mosaic.version = 14 : i64} {
  func.func @body(%arg0: i32, %arg1: i32, %arg2: memref<20480x128xf32, #tpu.memory_space<hbm>>, %arg3: memref<2x16x80x64xi32, #tpu.memory_space<hbm>>, %arg4: memref<2x16x80x64xi32, #tpu.memory_space<hbm>>, %arg5: memref<10368x128xf32, #tpu.memory_space<hbm>>, %arg6: memref<2x10240x128xf32, #tpu.memory_space<hbm>>, %arg7: memref<40x64xi32, #tpu.memory_space<vmem>>, %arg8: memref<40x64xi32, #tpu.memory_space<vmem>>, %arg9: memref<64x128xf32, #tpu.memory_space<vmem>>, %arg10: memref<64x128xf32, #tpu.memory_space<vmem>>, %arg11: memref<64x128xf32, #tpu.memory_space<vmem>>, %arg12: memref<64x128xf32, #tpu.memory_space<vmem>>, %arg13: memref<10368x128xf32, #tpu.memory_space<vmem_shared>>, %arg14: memref<!tpu.dma_semaphore, #tpu.memory_space<semaphore_mem>>, %arg15: memref<!tpu.dma_semaphore, #tpu.memory_space<semaphore_mem>>, %arg16: memref<!tpu.dma_semaphore, #tpu.memory_space<semaphore_mem>>, %arg17: memref<!tpu.dma_semaphore, #tpu.memory_space<semaphore_mem>>, %arg18: memref<!tpu.dma_semaphore, #tpu.memory_space<semaphore_mem>>, %arg19: memref<!tpu.dma_semaphore, #tpu.memory_space<semaphore_mem>>, %arg20: memref<!tpu.dma_semaphore, #tpu.memory_space<semaphore_mem>>, %arg21: memref<!tpu.dma_semaphore, #tpu.memory_space<semaphore_mem>>) attributes {dimension_semantics = [#tpu.dimension_semantics<core_parallel>, #tpu.dimension_semantics<subcore_parallel>], iteration_bounds = array<i64: 2, 16>, scalar_prefetch = 0 : i64, scratch_operands = 15 : i64, tpu.core_type = #tpu.core_type<sc_vector_subcore>, window_params = [{transform_indices = #map}, {transform_indices = #map1}, {transform_indices = #map1}, {transform_indices = #map}, {transform_indices = #map2}]} {
    %mul3A = arith.constant 648 : i32
    %mul3A_0 = arith.muli %arg1, %mul3A : i32
    %mul3A_1 = arith.constant 648 : i32
    %mul3A_2 = arith.muli %arg1, %mul3A_1 : i32
    %dma_start3A = arith.constant 0 : i32
    %dma_start3A_3 = tpu.memref_slice %arg13[%mul3A_2, %dma_start3A] : memref<10368x128xf32, #tpu.memory_space<vmem_shared>> -> memref<648x128xf32, #tpu.memory_space<vmem_shared>>
    %dma_start3A_4 = arith.constant 0 : i32
    %dma_start3A_5 = tpu.memref_slice %arg5[%mul3A_0, %dma_start3A_4] : memref<10368x128xf32, #tpu.memory_space<hbm>> -> memref<648x128xf32, #tpu.memory_space<hbm>>
    tpu.enqueue_dma source(%dma_start3A_5 : memref<648x128xf32, #tpu.memory_space<hbm>>) target(%dma_start3A_3 : memref<648x128xf32, #tpu.memory_space<vmem_shared>>) target_semaphore(%arg14 : memref<!tpu.dma_semaphore, #tpu.memory_space<semaphore_mem>>)
    %dma_start3A_6 = arith.constant 0 : i32
    %dma_start3A_7 = arith.constant 0 : i32
    %dma_start3A_8 = tpu.memref_slice %arg3[%arg0, %arg1, %dma_start3A_6, %dma_start3A_7] : memref<2x16x80x64xi32, #tpu.memory_space<hbm>> -> memref<1x1x40x64xi32, #tpu.memory_space<hbm>>
    %dma_start3A_9 = tpu.memref_squeeze %dma_start3A_8 : memref<1x1x40x64xi32, #tpu.memory_space<hbm>> -> memref<40x64xi32, #tpu.memory_space<hbm>>
    %dma_start3A_10 = arith.constant 0 : i32
    %dma_start3A_11 = arith.constant 0 : i32
    %dma_start3A_12 = tpu.memref_slice %arg3[%arg0, %arg1, %dma_start3A_10, %dma_start3A_11] : memref<2x16x80x64xi32, #tpu.memory_space<hbm>> -> memref<1x1x40x64xi32, #tpu.memory_space<hbm>>
    %dma_start3A_13 = tpu.memref_squeeze %dma_start3A_12 : memref<1x1x40x64xi32, #tpu.memory_space<hbm>> -> memref<40x64xi32, #tpu.memory_space<hbm>>
    tpu.enqueue_dma source(%dma_start3A_13 : memref<40x64xi32, #tpu.memory_space<hbm>>) target(%arg7 : memref<40x64xi32, #tpu.memory_space<vmem>>) target_semaphore(%arg18 : memref<!tpu.dma_semaphore, #tpu.memory_space<semaphore_mem>>)
    %dma_start3A_14 = arith.constant 0 : i32
    %dma_start3A_15 = arith.constant 0 : i32
    %dma_start3A_16 = tpu.memref_slice %arg4[%arg0, %arg1, %dma_start3A_14, %dma_start3A_15] : memref<2x16x80x64xi32, #tpu.memory_space<hbm>> -> memref<1x1x40x64xi32, #tpu.memory_space<hbm>>
    %dma_start3A_17 = tpu.memref_squeeze %dma_start3A_16 : memref<1x1x40x64xi32, #tpu.memory_space<hbm>> -> memref<40x64xi32, #tpu.memory_space<hbm>>
    %dma_start3A_18 = arith.constant 0 : i32
    %dma_start3A_19 = arith.constant 0 : i32
    %dma_start3A_20 = tpu.memref_slice %arg4[%arg0, %arg1, %dma_start3A_18, %dma_start3A_19] : memref<2x16x80x64xi32, #tpu.memory_space<hbm>> -> memref<1x1x40x64xi32, #tpu.memory_space<hbm>>
    %dma_start3A_21 = tpu.memref_squeeze %dma_start3A_20 : memref<1x1x40x64xi32, #tpu.memory_space<hbm>> -> memref<40x64xi32, #tpu.memory_space<hbm>>
    tpu.enqueue_dma source(%dma_start3A_21 : memref<40x64xi32, #tpu.memory_space<hbm>>) target(%arg8 : memref<40x64xi32, #tpu.memory_space<vmem>>) target_semaphore(%arg19 : memref<!tpu.dma_semaphore, #tpu.memory_space<semaphore_mem>>)
    %dma_wait3A = arith.constant 0 : i32
    %dma_wait3A_22 = arith.constant 0 : i32
    %dma_wait3A_23 = tpu.memref_slice %arg3[%arg0, %arg1, %dma_wait3A, %dma_wait3A_22] : memref<2x16x80x64xi32, #tpu.memory_space<hbm>> -> memref<1x1x40x64xi32, #tpu.memory_space<hbm>>
    %dma_wait3A_24 = tpu.memref_squeeze %dma_wait3A_23 : memref<1x1x40x64xi32, #tpu.memory_space<hbm>> -> memref<40x64xi32, #tpu.memory_space<hbm>>
    %dma_wait3A_25 = arith.constant 0 : i32
    %dma_wait3A_26 = arith.constant 0 : i32
    %dma_wait3A_27 = tpu.memref_slice %arg3[%arg0, %arg1, %dma_wait3A_25, %dma_wait3A_26] : memref<2x16x80x64xi32, #tpu.memory_space<hbm>> -> memref<1x1x40x64xi32, #tpu.memory_space<hbm>>
    %dma_wait3A_28 = tpu.memref_squeeze %dma_wait3A_27 : memref<1x1x40x64xi32, #tpu.memory_space<hbm>> -> memref<40x64xi32, #tpu.memory_space<hbm>>
    tpu.wait_dma2 semaphore(%arg18 : memref<!tpu.dma_semaphore, #tpu.memory_space<semaphore_mem>>) src(%dma_wait3A_28 : memref<40x64xi32, #tpu.memory_space<hbm>>) dst(%arg7 : memref<40x64xi32, #tpu.memory_space<vmem>>)
    %dma_wait3A_29 = arith.constant 0 : i32
    %dma_wait3A_30 = arith.constant 0 : i32
    %dma_wait3A_31 = tpu.memref_slice %arg4[%arg0, %arg1, %dma_wait3A_29, %dma_wait3A_30] : memref<2x16x80x64xi32, #tpu.memory_space<hbm>> -> memref<1x1x40x64xi32, #tpu.memory_space<hbm>>
    %dma_wait3A_32 = tpu.memref_squeeze %dma_wait3A_31 : memref<1x1x40x64xi32, #tpu.memory_space<hbm>> -> memref<40x64xi32, #tpu.memory_space<hbm>>
    %dma_wait3A_33 = arith.constant 0 : i32
    %dma_wait3A_34 = arith.constant 0 : i32
    %dma_wait3A_35 = tpu.memref_slice %arg4[%arg0, %arg1, %dma_wait3A_33, %dma_wait3A_34] : memref<2x16x80x64xi32, #tpu.memory_space<hbm>> -> memref<1x1x40x64xi32, #tpu.memory_space<hbm>>
    %dma_wait3A_36 = tpu.memref_squeeze %dma_wait3A_35 : memref<1x1x40x64xi32, #tpu.memory_space<hbm>> -> memref<40x64xi32, #tpu.memory_space<hbm>>
    tpu.wait_dma2 semaphore(%arg19 : memref<!tpu.dma_semaphore, #tpu.memory_space<semaphore_mem>>) src(%dma_wait3A_36 : memref<40x64xi32, #tpu.memory_space<hbm>>) dst(%arg8 : memref<40x64xi32, #tpu.memory_space<vmem>>)
    %dma_wait3A_37 = arith.constant 0 : i32
    %dma_wait3A_38 = tpu.memref_slice %arg13[%mul3A_2, %dma_wait3A_37] : memref<10368x128xf32, #tpu.memory_space<vmem_shared>> -> memref<648x128xf32, #tpu.memory_space<vmem_shared>>
    %dma_wait3A_39 = arith.constant 0 : i32
    %dma_wait3A_40 = tpu.memref_slice %arg5[%mul3A_0, %dma_wait3A_39] : memref<10368x128xf32, #tpu.memory_space<hbm>> -> memref<648x128xf32, #tpu.memory_space<hbm>>
    tpu.wait_dma2 semaphore(%arg14 : memref<!tpu.dma_semaphore, #tpu.memory_space<semaphore_mem>>) src(%dma_wait3A_40 : memref<648x128xf32, #tpu.memory_space<hbm>>) dst(%dma_wait3A_38 : memref<648x128xf32, #tpu.memory_space<vmem_shared>>)
    %barrier3A = arith.constant 0 : index
    tpu.barrier barrier_id(%barrier3A)
    %dma_start3A_41 = arith.constant 0 : i32
    %dma_start3A_42 = arith.constant 0 : i32
    %dma_start3A_43 = tpu.memref_slice %arg7[%dma_start3A_41, %dma_start3A_42] : memref<40x64xi32, #tpu.memory_space<vmem>> -> memref<1x64xi32, #tpu.memory_space<vmem>>
    %dma_start3A_44 = tpu.memref_squeeze %dma_start3A_43 : memref<1x64xi32, #tpu.memory_space<vmem>> -> memref<64xi32, #tpu.memory_space<vmem>>
    %dma_start3A_45 = arith.constant 0 : i32
    %dma_start3A_46 = arith.constant 0 : i32
    %dma_start3A_47 = tpu.memref_slice %arg2[%dma_start3A_45, %dma_start3A_46] : memref<20480x128xf32, #tpu.memory_space<hbm>> -> memref<20480x128xf32, #tpu.memory_space<hbm>>
    tpu.enqueue_indirect_dma source(%dma_start3A_47 : memref<20480x128xf32, #tpu.memory_space<hbm>>) target(%arg9 : memref<64x128xf32, #tpu.memory_space<vmem>>) offsets(%dma_start3A_44 : memref<64xi32, #tpu.memory_space<vmem>>) semaphore(%arg14 : memref<!tpu.dma_semaphore, #tpu.memory_space<semaphore_mem>>)
    %dma_start3A_48 = arith.constant 1 : i32
    %dma_start3A_49 = arith.constant 0 : i32
    %dma_start3A_50 = tpu.memref_slice %arg7[%dma_start3A_48, %dma_start3A_49] : memref<40x64xi32, #tpu.memory_space<vmem>> -> memref<1x64xi32, #tpu.memory_space<vmem>>
    %dma_start3A_51 = tpu.memref_squeeze %dma_start3A_50 : memref<1x64xi32, #tpu.memory_space<vmem>> -> memref<64xi32, #tpu.memory_space<vmem>>
    %dma_start3A_52 = arith.constant 0 : i32
    %dma_start3A_53 = arith.constant 0 : i32
    %dma_start3A_54 = tpu.memref_slice %arg2[%dma_start3A_52, %dma_start3A_53] : memref<20480x128xf32, #tpu.memory_space<hbm>> -> memref<20480x128xf32, #tpu.memory_space<hbm>>
    tpu.enqueue_indirect_dma source(%dma_start3A_54 : memref<20480x128xf32, #tpu.memory_space<hbm>>) target(%arg10 : memref<64x128xf32, #tpu.memory_space<vmem>>) offsets(%dma_start3A_51 : memref<64xi32, #tpu.memory_space<vmem>>) semaphore(%arg15 : memref<!tpu.dma_semaphore, #tpu.memory_space<semaphore_mem>>)
    %dma_start3A_55 = arith.constant 2 : i32
    %dma_start3A_56 = arith.constant 0 : i32
    %dma_start3A_57 = tpu.memref_slice %arg7[%dma_start3A_55, %dma_start3A_56] : memref<40x64xi32, #tpu.memory_space<vmem>> -> memref<1x64xi32, #tpu.memory_space<vmem>>
    %dma_start3A_58 = tpu.memref_squeeze %dma_start3A_57 : memref<1x64xi32, #tpu.memory_space<vmem>> -> memref<64xi32, #tpu.memory_space<vmem>>
    %dma_start3A_59 = arith.constant 0 : i32
    %dma_start3A_60 = arith.constant 0 : i32
    %dma_start3A_61 = tpu.memref_slice %arg2[%dma_start3A_59, %dma_start3A_60] : memref<20480x128xf32, #tpu.memory_space<hbm>> -> memref<20480x128xf32, #tpu.memory_space<hbm>>
    tpu.enqueue_indirect_dma source(%dma_start3A_61 : memref<20480x128xf32, #tpu.memory_space<hbm>>) target(%arg11 : memref<64x128xf32, #tpu.memory_space<vmem>>) offsets(%dma_start3A_58 : memref<64xi32, #tpu.memory_space<vmem>>) semaphore(%arg16 : memref<!tpu.dma_semaphore, #tpu.memory_space<semaphore_mem>>)
    %dma_start3A_62 = arith.constant 3 : i32
    %dma_start3A_63 = arith.constant 0 : i32
    %dma_start3A_64 = tpu.memref_slice %arg7[%dma_start3A_62, %dma_start3A_63] : memref<40x64xi32, #tpu.memory_space<vmem>> -> memref<1x64xi32, #tpu.memory_space<vmem>>
    %dma_start3A_65 = tpu.memref_squeeze %dma_start3A_64 : memref<1x64xi32, #tpu.memory_space<vmem>> -> memref<64xi32, #tpu.memory_space<vmem>>
    %dma_start3A_66 = arith.constant 0 : i32
    %dma_start3A_67 = arith.constant 0 : i32
    %dma_start3A_68 = tpu.memref_slice %arg2[%dma_start3A_66, %dma_start3A_67] : memref<20480x128xf32, #tpu.memory_space<hbm>> -> memref<20480x128xf32, #tpu.memory_space<hbm>>
    tpu.enqueue_indirect_dma source(%dma_start3A_68 : memref<20480x128xf32, #tpu.memory_space<hbm>>) target(%arg12 : memref<64x128xf32, #tpu.memory_space<vmem>>) offsets(%dma_start3A_65 : memref<64xi32, #tpu.memory_space<vmem>>) semaphore(%arg17 : memref<!tpu.dma_semaphore, #tpu.memory_space<semaphore_mem>>)
    %scan3A = arith.constant 0 : i32
    %scan3A_69 = arith.constant 0 : i32
    %scan3A_70 = arith.constant 10 : i32
    %scan3A_71 = arith.addi %scan3A_69, %scan3A_70 : i32
    %scan3A_72 = arith.constant 1 : i32
    scf.for %scan3A_201 = %scan3A_69 to %scan3A_71 step %scan3A_72  : i32 {
      %mul3A_202 = arith.constant 4 : i32
      %mul3A_203 = arith.muli %scan3A_201, %mul3A_202 : i32
      %add3A = arith.constant 0 : i32
      %add3A_204 = arith.addi %mul3A_203, %add3A : i32
      %dma_wait3A_205 = arith.constant 0 : i32
      %dma_wait3A_206 = tpu.memref_slice %arg7[%add3A_204, %dma_wait3A_205] : memref<40x64xi32, #tpu.memory_space<vmem>> -> memref<1x64xi32, #tpu.memory_space<vmem>>
      %dma_wait3A_207 = tpu.memref_squeeze %dma_wait3A_206 : memref<1x64xi32, #tpu.memory_space<vmem>> -> memref<64xi32, #tpu.memory_space<vmem>>
      %dma_wait3A_208 = arith.constant 0 : i32
      %dma_wait3A_209 = arith.constant 0 : i32
      %dma_wait3A_210 = tpu.memref_slice %arg2[%dma_wait3A_208, %dma_wait3A_209] : memref<20480x128xf32, #tpu.memory_space<hbm>> -> memref<20480x128xf32, #tpu.memory_space<hbm>>
      tpu.wait_indirect_dma semaphore(%arg14 : memref<!tpu.dma_semaphore, #tpu.memory_space<semaphore_mem>>) src(%dma_wait3A_210 : memref<20480x128xf32, #tpu.memory_space<hbm>>) dst(%arg9 : memref<64x128xf32, #tpu.memory_space<vmem>>)
      %add3A_211 = arith.constant 0 : i32
      %add3A_212 = arith.addi %mul3A_203, %add3A_211 : i32
      %dma_start3A_213 = arith.constant 0 : i32
      %dma_start3A_214 = tpu.memref_slice %arg8[%add3A_212, %dma_start3A_213] : memref<40x64xi32, #tpu.memory_space<vmem>> -> memref<1x64xi32, #tpu.memory_space<vmem>>
      %dma_start3A_215 = tpu.memref_squeeze %dma_start3A_214 : memref<1x64xi32, #tpu.memory_space<vmem>> -> memref<64xi32, #tpu.memory_space<vmem>>
      %dma_start3A_216 = arith.constant 0 : i32
      %dma_start3A_217 = arith.constant 0 : i32
      %dma_start3A_218 = tpu.memref_slice %arg13[%dma_start3A_216, %dma_start3A_217] : memref<10368x128xf32, #tpu.memory_space<vmem_shared>> -> memref<10368x128xf32, #tpu.memory_space<vmem_shared>>
      tpu.enqueue_indirect_dma source(%arg9 : memref<64x128xf32, #tpu.memory_space<vmem>>) target(%dma_start3A_218 : memref<10368x128xf32, #tpu.memory_space<vmem_shared>>) offsets(%dma_start3A_215 : memref<64xi32, #tpu.memory_space<vmem>>) semaphore(%arg18 : memref<!tpu.dma_semaphore, #tpu.memory_space<semaphore_mem>>) {add = true}
      %add3A_219 = arith.constant 1 : i32
      %add3A_220 = arith.addi %mul3A_203, %add3A_219 : i32
      %dma_wait3A_221 = arith.constant 0 : i32
      %dma_wait3A_222 = tpu.memref_slice %arg7[%add3A_220, %dma_wait3A_221] : memref<40x64xi32, #tpu.memory_space<vmem>> -> memref<1x64xi32, #tpu.memory_space<vmem>>
      %dma_wait3A_223 = tpu.memref_squeeze %dma_wait3A_222 : memref<1x64xi32, #tpu.memory_space<vmem>> -> memref<64xi32, #tpu.memory_space<vmem>>
      %dma_wait3A_224 = arith.constant 0 : i32
      %dma_wait3A_225 = arith.constant 0 : i32
      %dma_wait3A_226 = tpu.memref_slice %arg2[%dma_wait3A_224, %dma_wait3A_225] : memref<20480x128xf32, #tpu.memory_space<hbm>> -> memref<20480x128xf32, #tpu.memory_space<hbm>>
      tpu.wait_indirect_dma semaphore(%arg15 : memref<!tpu.dma_semaphore, #tpu.memory_space<semaphore_mem>>) src(%dma_wait3A_226 : memref<20480x128xf32, #tpu.memory_space<hbm>>) dst(%arg10 : memref<64x128xf32, #tpu.memory_space<vmem>>)
      %add3A_227 = arith.constant 1 : i32
      %add3A_228 = arith.addi %mul3A_203, %add3A_227 : i32
      %dma_start3A_229 = arith.constant 0 : i32
      %dma_start3A_230 = tpu.memref_slice %arg8[%add3A_228, %dma_start3A_229] : memref<40x64xi32, #tpu.memory_space<vmem>> -> memref<1x64xi32, #tpu.memory_space<vmem>>
      %dma_start3A_231 = tpu.memref_squeeze %dma_start3A_230 : memref<1x64xi32, #tpu.memory_space<vmem>> -> memref<64xi32, #tpu.memory_space<vmem>>
      %dma_start3A_232 = arith.constant 0 : i32
      %dma_start3A_233 = arith.constant 0 : i32
      %dma_start3A_234 = tpu.memref_slice %arg13[%dma_start3A_232, %dma_start3A_233] : memref<10368x128xf32, #tpu.memory_space<vmem_shared>> -> memref<10368x128xf32, #tpu.memory_space<vmem_shared>>
      tpu.enqueue_indirect_dma source(%arg10 : memref<64x128xf32, #tpu.memory_space<vmem>>) target(%dma_start3A_234 : memref<10368x128xf32, #tpu.memory_space<vmem_shared>>) offsets(%dma_start3A_231 : memref<64xi32, #tpu.memory_space<vmem>>) semaphore(%arg19 : memref<!tpu.dma_semaphore, #tpu.memory_space<semaphore_mem>>) {add = true}
      %add3A_235 = arith.constant 2 : i32
      %add3A_236 = arith.addi %mul3A_203, %add3A_235 : i32
      %dma_wait3A_237 = arith.constant 0 : i32
      %dma_wait3A_238 = tpu.memref_slice %arg7[%add3A_236, %dma_wait3A_237] : memref<40x64xi32, #tpu.memory_space<vmem>> -> memref<1x64xi32, #tpu.memory_space<vmem>>
      %dma_wait3A_239 = tpu.memref_squeeze %dma_wait3A_238 : memref<1x64xi32, #tpu.memory_space<vmem>> -> memref<64xi32, #tpu.memory_space<vmem>>
      %dma_wait3A_240 = arith.constant 0 : i32
      %dma_wait3A_241 = arith.constant 0 : i32
      %dma_wait3A_242 = tpu.memref_slice %arg2[%dma_wait3A_240, %dma_wait3A_241] : memref<20480x128xf32, #tpu.memory_space<hbm>> -> memref<20480x128xf32, #tpu.memory_space<hbm>>
      tpu.wait_indirect_dma semaphore(%arg16 : memref<!tpu.dma_semaphore, #tpu.memory_space<semaphore_mem>>) src(%dma_wait3A_242 : memref<20480x128xf32, #tpu.memory_space<hbm>>) dst(%arg11 : memref<64x128xf32, #tpu.memory_space<vmem>>)
      %add3A_243 = arith.constant 2 : i32
      %add3A_244 = arith.addi %mul3A_203, %add3A_243 : i32
      %dma_start3A_245 = arith.constant 0 : i32
      %dma_start3A_246 = tpu.memref_slice %arg8[%add3A_244, %dma_start3A_245] : memref<40x64xi32, #tpu.memory_space<vmem>> -> memref<1x64xi32, #tpu.memory_space<vmem>>
      %dma_start3A_247 = tpu.memref_squeeze %dma_start3A_246 : memref<1x64xi32, #tpu.memory_space<vmem>> -> memref<64xi32, #tpu.memory_space<vmem>>
      %dma_start3A_248 = arith.constant 0 : i32
      %dma_start3A_249 = arith.constant 0 : i32
      %dma_start3A_250 = tpu.memref_slice %arg13[%dma_start3A_248, %dma_start3A_249] : memref<10368x128xf32, #tpu.memory_space<vmem_shared>> -> memref<10368x128xf32, #tpu.memory_space<vmem_shared>>
      tpu.enqueue_indirect_dma source(%arg11 : memref<64x128xf32, #tpu.memory_space<vmem>>) target(%dma_start3A_250 : memref<10368x128xf32, #tpu.memory_space<vmem_shared>>) offsets(%dma_start3A_247 : memref<64xi32, #tpu.memory_space<vmem>>) semaphore(%arg20 : memref<!tpu.dma_semaphore, #tpu.memory_space<semaphore_mem>>) {add = true}
      %add3A_251 = arith.constant 3 : i32
      %add3A_252 = arith.addi %mul3A_203, %add3A_251 : i32
      %dma_wait3A_253 = arith.constant 0 : i32
      %dma_wait3A_254 = tpu.memref_slice %arg7[%add3A_252, %dma_wait3A_253] : memref<40x64xi32, #tpu.memory_space<vmem>> -> memref<1x64xi32, #tpu.memory_space<vmem>>
      %dma_wait3A_255 = tpu.memref_squeeze %dma_wait3A_254 : memref<1x64xi32, #tpu.memory_space<vmem>> -> memref<64xi32, #tpu.memory_space<vmem>>
      %dma_wait3A_256 = arith.constant 0 : i32
      %dma_wait3A_257 = arith.constant 0 : i32
      %dma_wait3A_258 = tpu.memref_slice %arg2[%dma_wait3A_256, %dma_wait3A_257] : memref<20480x128xf32, #tpu.memory_space<hbm>> -> memref<20480x128xf32, #tpu.memory_space<hbm>>
      tpu.wait_indirect_dma semaphore(%arg17 : memref<!tpu.dma_semaphore, #tpu.memory_space<semaphore_mem>>) src(%dma_wait3A_258 : memref<20480x128xf32, #tpu.memory_space<hbm>>) dst(%arg12 : memref<64x128xf32, #tpu.memory_space<vmem>>)
      %add3A_259 = arith.constant 3 : i32
      %add3A_260 = arith.addi %mul3A_203, %add3A_259 : i32
      %dma_start3A_261 = arith.constant 0 : i32
      %dma_start3A_262 = tpu.memref_slice %arg8[%add3A_260, %dma_start3A_261] : memref<40x64xi32, #tpu.memory_space<vmem>> -> memref<1x64xi32, #tpu.memory_space<vmem>>
      %dma_start3A_263 = tpu.memref_squeeze %dma_start3A_262 : memref<1x64xi32, #tpu.memory_space<vmem>> -> memref<64xi32, #tpu.memory_space<vmem>>
      %dma_start3A_264 = arith.constant 0 : i32
      %dma_start3A_265 = arith.constant 0 : i32
      %dma_start3A_266 = tpu.memref_slice %arg13[%dma_start3A_264, %dma_start3A_265] : memref<10368x128xf32, #tpu.memory_space<vmem_shared>> -> memref<10368x128xf32, #tpu.memory_space<vmem_shared>>
      tpu.enqueue_indirect_dma source(%arg12 : memref<64x128xf32, #tpu.memory_space<vmem>>) target(%dma_start3A_266 : memref<10368x128xf32, #tpu.memory_space<vmem_shared>>) offsets(%dma_start3A_263 : memref<64xi32, #tpu.memory_space<vmem>>) semaphore(%arg21 : memref<!tpu.dma_semaphore, #tpu.memory_space<semaphore_mem>>) {add = true}
      %lt3A = arith.constant 9 : i32
      %lt3A_267 = arith.cmpi slt, %scan3A_201, %lt3A : i32
      %convert_element_type3A = arith.extui %lt3A_267 : i1 to i32
      %cond3A = arith.constant 0 : i32
      %cond3A_268 = arith.cmpi ne, %convert_element_type3A, %cond3A : i32
      scf.if %cond3A_268 {
        %add3A_269 = arith.constant 0 : i32
        %add3A_270 = arith.addi %mul3A_203, %add3A_269 : i32
        %dma_wait3A_271 = arith.constant 0 : i32
        %dma_wait3A_272 = tpu.memref_slice %arg8[%add3A_270, %dma_wait3A_271] : memref<40x64xi32, #tpu.memory_space<vmem>> -> memref<1x64xi32, #tpu.memory_space<vmem>>
        %dma_wait3A_273 = tpu.memref_squeeze %dma_wait3A_272 : memref<1x64xi32, #tpu.memory_space<vmem>> -> memref<64xi32, #tpu.memory_space<vmem>>
        %dma_wait3A_274 = arith.constant 0 : i32
        %dma_wait3A_275 = arith.constant 0 : i32
        %dma_wait3A_276 = tpu.memref_slice %arg13[%dma_wait3A_274, %dma_wait3A_275] : memref<10368x128xf32, #tpu.memory_space<vmem_shared>> -> memref<10368x128xf32, #tpu.memory_space<vmem_shared>>
        tpu.wait_indirect_dma semaphore(%arg18 : memref<!tpu.dma_semaphore, #tpu.memory_space<semaphore_mem>>) src(%arg9 : memref<64x128xf32, #tpu.memory_space<vmem>>) dst(%dma_wait3A_276 : memref<10368x128xf32, #tpu.memory_space<vmem_shared>>)
        %add3A_277 = arith.constant 4 : i32
        %add3A_278 = arith.addi %mul3A_203, %add3A_277 : i32
        %add3A_279 = arith.constant 0 : i32
        %add3A_280 = arith.addi %add3A_278, %add3A_279 : i32
        %dma_start3A_281 = arith.constant 0 : i32
        %dma_start3A_282 = tpu.memref_slice %arg7[%add3A_280, %dma_start3A_281] : memref<40x64xi32, #tpu.memory_space<vmem>> -> memref<1x64xi32, #tpu.memory_space<vmem>>
        %dma_start3A_283 = tpu.memref_squeeze %dma_start3A_282 : memref<1x64xi32, #tpu.memory_space<vmem>> -> memref<64xi32, #tpu.memory_space<vmem>>
        %dma_start3A_284 = arith.constant 0 : i32
        %dma_start3A_285 = arith.constant 0 : i32
        %dma_start3A_286 = tpu.memref_slice %arg2[%dma_start3A_284, %dma_start3A_285] : memref<20480x128xf32, #tpu.memory_space<hbm>> -> memref<20480x128xf32, #tpu.memory_space<hbm>>
        tpu.enqueue_indirect_dma source(%dma_start3A_286 : memref<20480x128xf32, #tpu.memory_space<hbm>>) target(%arg9 : memref<64x128xf32, #tpu.memory_space<vmem>>) offsets(%dma_start3A_283 : memref<64xi32, #tpu.memory_space<vmem>>) semaphore(%arg14 : memref<!tpu.dma_semaphore, #tpu.memory_space<semaphore_mem>>)
        %add3A_287 = arith.constant 1 : i32
        %add3A_288 = arith.addi %mul3A_203, %add3A_287 : i32
        %dma_wait3A_289 = arith.constant 0 : i32
        %dma_wait3A_290 = tpu.memref_slice %arg8[%add3A_288, %dma_wait3A_289] : memref<40x64xi32, #tpu.memory_space<vmem>> -> memref<1x64xi32, #tpu.memory_space<vmem>>
        %dma_wait3A_291 = tpu.memref_squeeze %dma_wait3A_290 : memref<1x64xi32, #tpu.memory_space<vmem>> -> memref<64xi32, #tpu.memory_space<vmem>>
        %dma_wait3A_292 = arith.constant 0 : i32
        %dma_wait3A_293 = arith.constant 0 : i32
        %dma_wait3A_294 = tpu.memref_slice %arg13[%dma_wait3A_292, %dma_wait3A_293] : memref<10368x128xf32, #tpu.memory_space<vmem_shared>> -> memref<10368x128xf32, #tpu.memory_space<vmem_shared>>
        tpu.wait_indirect_dma semaphore(%arg19 : memref<!tpu.dma_semaphore, #tpu.memory_space<semaphore_mem>>) src(%arg10 : memref<64x128xf32, #tpu.memory_space<vmem>>) dst(%dma_wait3A_294 : memref<10368x128xf32, #tpu.memory_space<vmem_shared>>)
        %add3A_295 = arith.constant 4 : i32
        %add3A_296 = arith.addi %mul3A_203, %add3A_295 : i32
        %add3A_297 = arith.constant 1 : i32
        %add3A_298 = arith.addi %add3A_296, %add3A_297 : i32
        %dma_start3A_299 = arith.constant 0 : i32
        %dma_start3A_300 = tpu.memref_slice %arg7[%add3A_298, %dma_start3A_299] : memref<40x64xi32, #tpu.memory_space<vmem>> -> memref<1x64xi32, #tpu.memory_space<vmem>>
        %dma_start3A_301 = tpu.memref_squeeze %dma_start3A_300 : memref<1x64xi32, #tpu.memory_space<vmem>> -> memref<64xi32, #tpu.memory_space<vmem>>
        %dma_start3A_302 = arith.constant 0 : i32
        %dma_start3A_303 = arith.constant 0 : i32
        %dma_start3A_304 = tpu.memref_slice %arg2[%dma_start3A_302, %dma_start3A_303] : memref<20480x128xf32, #tpu.memory_space<hbm>> -> memref<20480x128xf32, #tpu.memory_space<hbm>>
        tpu.enqueue_indirect_dma source(%dma_start3A_304 : memref<20480x128xf32, #tpu.memory_space<hbm>>) target(%arg10 : memref<64x128xf32, #tpu.memory_space<vmem>>) offsets(%dma_start3A_301 : memref<64xi32, #tpu.memory_space<vmem>>) semaphore(%arg15 : memref<!tpu.dma_semaphore, #tpu.memory_space<semaphore_mem>>)
        %add3A_305 = arith.constant 2 : i32
        %add3A_306 = arith.addi %mul3A_203, %add3A_305 : i32
        %dma_wait3A_307 = arith.constant 0 : i32
        %dma_wait3A_308 = tpu.memref_slice %arg8[%add3A_306, %dma_wait3A_307] : memref<40x64xi32, #tpu.memory_space<vmem>> -> memref<1x64xi32, #tpu.memory_space<vmem>>
        %dma_wait3A_309 = tpu.memref_squeeze %dma_wait3A_308 : memref<1x64xi32, #tpu.memory_space<vmem>> -> memref<64xi32, #tpu.memory_space<vmem>>
        %dma_wait3A_310 = arith.constant 0 : i32
        %dma_wait3A_311 = arith.constant 0 : i32
        %dma_wait3A_312 = tpu.memref_slice %arg13[%dma_wait3A_310, %dma_wait3A_311] : memref<10368x128xf32, #tpu.memory_space<vmem_shared>> -> memref<10368x128xf32, #tpu.memory_space<vmem_shared>>
        tpu.wait_indirect_dma semaphore(%arg20 : memref<!tpu.dma_semaphore, #tpu.memory_space<semaphore_mem>>) src(%arg11 : memref<64x128xf32, #tpu.memory_space<vmem>>) dst(%dma_wait3A_312 : memref<10368x128xf32, #tpu.memory_space<vmem_shared>>)
        %add3A_313 = arith.constant 4 : i32
        %add3A_314 = arith.addi %mul3A_203, %add3A_313 : i32
        %add3A_315 = arith.constant 2 : i32
        %add3A_316 = arith.addi %add3A_314, %add3A_315 : i32
        %dma_start3A_317 = arith.constant 0 : i32
        %dma_start3A_318 = tpu.memref_slice %arg7[%add3A_316, %dma_start3A_317] : memref<40x64xi32, #tpu.memory_space<vmem>> -> memref<1x64xi32, #tpu.memory_space<vmem>>
        %dma_start3A_319 = tpu.memref_squeeze %dma_start3A_318 : memref<1x64xi32, #tpu.memory_space<vmem>> -> memref<64xi32, #tpu.memory_space<vmem>>
        %dma_start3A_320 = arith.constant 0 : i32
        %dma_start3A_321 = arith.constant 0 : i32
        %dma_start3A_322 = tpu.memref_slice %arg2[%dma_start3A_320, %dma_start3A_321] : memref<20480x128xf32, #tpu.memory_space<hbm>> -> memref<20480x128xf32, #tpu.memory_space<hbm>>
        tpu.enqueue_indirect_dma source(%dma_start3A_322 : memref<20480x128xf32, #tpu.memory_space<hbm>>) target(%arg11 : memref<64x128xf32, #tpu.memory_space<vmem>>) offsets(%dma_start3A_319 : memref<64xi32, #tpu.memory_space<vmem>>) semaphore(%arg16 : memref<!tpu.dma_semaphore, #tpu.memory_space<semaphore_mem>>)
        %add3A_323 = arith.constant 3 : i32
        %add3A_324 = arith.addi %mul3A_203, %add3A_323 : i32
        %dma_wait3A_325 = arith.constant 0 : i32
        %dma_wait3A_326 = tpu.memref_slice %arg8[%add3A_324, %dma_wait3A_325] : memref<40x64xi32, #tpu.memory_space<vmem>> -> memref<1x64xi32, #tpu.memory_space<vmem>>
        %dma_wait3A_327 = tpu.memref_squeeze %dma_wait3A_326 : memref<1x64xi32, #tpu.memory_space<vmem>> -> memref<64xi32, #tpu.memory_space<vmem>>
        %dma_wait3A_328 = arith.constant 0 : i32
        %dma_wait3A_329 = arith.constant 0 : i32
        %dma_wait3A_330 = tpu.memref_slice %arg13[%dma_wait3A_328, %dma_wait3A_329] : memref<10368x128xf32, #tpu.memory_space<vmem_shared>> -> memref<10368x128xf32, #tpu.memory_space<vmem_shared>>
        tpu.wait_indirect_dma semaphore(%arg21 : memref<!tpu.dma_semaphore, #tpu.memory_space<semaphore_mem>>) src(%arg12 : memref<64x128xf32, #tpu.memory_space<vmem>>) dst(%dma_wait3A_330 : memref<10368x128xf32, #tpu.memory_space<vmem_shared>>)
        %add3A_331 = arith.constant 4 : i32
        %add3A_332 = arith.addi %mul3A_203, %add3A_331 : i32
        %add3A_333 = arith.constant 3 : i32
        %add3A_334 = arith.addi %add3A_332, %add3A_333 : i32
        %dma_start3A_335 = arith.constant 0 : i32
        %dma_start3A_336 = tpu.memref_slice %arg7[%add3A_334, %dma_start3A_335] : memref<40x64xi32, #tpu.memory_space<vmem>> -> memref<1x64xi32, #tpu.memory_space<vmem>>
        %dma_start3A_337 = tpu.memref_squeeze %dma_start3A_336 : memref<1x64xi32, #tpu.memory_space<vmem>> -> memref<64xi32, #tpu.memory_space<vmem>>
        %dma_start3A_338 = arith.constant 0 : i32
        %dma_start3A_339 = arith.constant 0 : i32
        %dma_start3A_340 = tpu.memref_slice %arg2[%dma_start3A_338, %dma_start3A_339] : memref<20480x128xf32, #tpu.memory_space<hbm>> -> memref<20480x128xf32, #tpu.memory_space<hbm>>
        tpu.enqueue_indirect_dma source(%dma_start3A_340 : memref<20480x128xf32, #tpu.memory_space<hbm>>) target(%arg12 : memref<64x128xf32, #tpu.memory_space<vmem>>) offsets(%dma_start3A_337 : memref<64xi32, #tpu.memory_space<vmem>>) semaphore(%arg17 : memref<!tpu.dma_semaphore, #tpu.memory_space<semaphore_mem>>)
      } else {
      }
    }
    %scan3A_73 = arith.constant 10 : i32
    %dma_wait3A_74 = arith.constant 36 : i32
    %dma_wait3A_75 = arith.constant 0 : i32
    %dma_wait3A_76 = tpu.memref_slice %arg8[%dma_wait3A_74, %dma_wait3A_75] : memref<40x64xi32, #tpu.memory_space<vmem>> -> memref<1x64xi32, #tpu.memory_space<vmem>>
    %dma_wait3A_77 = tpu.memref_squeeze %dma_wait3A_76 : memref<1x64xi32, #tpu.memory_space<vmem>> -> memref<64xi32, #tpu.memory_space<vmem>>
    %dma_wait3A_78 = arith.constant 0 : i32
    %dma_wait3A_79 = arith.constant 0 : i32
    %dma_wait3A_80 = tpu.memref_slice %arg13[%dma_wait3A_78, %dma_wait3A_79] : memref<10368x128xf32, #tpu.memory_space<vmem_shared>> -> memref<10368x128xf32, #tpu.memory_space<vmem_shared>>
    tpu.wait_indirect_dma semaphore(%arg18 : memref<!tpu.dma_semaphore, #tpu.memory_space<semaphore_mem>>) src(%arg9 : memref<64x128xf32, #tpu.memory_space<vmem>>) dst(%dma_wait3A_80 : memref<10368x128xf32, #tpu.memory_space<vmem_shared>>)
    %dma_wait3A_81 = arith.constant 37 : i32
    %dma_wait3A_82 = arith.constant 0 : i32
    %dma_wait3A_83 = tpu.memref_slice %arg8[%dma_wait3A_81, %dma_wait3A_82] : memref<40x64xi32, #tpu.memory_space<vmem>> -> memref<1x64xi32, #tpu.memory_space<vmem>>
    %dma_wait3A_84 = tpu.memref_squeeze %dma_wait3A_83 : memref<1x64xi32, #tpu.memory_space<vmem>> -> memref<64xi32, #tpu.memory_space<vmem>>
    %dma_wait3A_85 = arith.constant 0 : i32
    %dma_wait3A_86 = arith.constant 0 : i32
    %dma_wait3A_87 = tpu.memref_slice %arg13[%dma_wait3A_85, %dma_wait3A_86] : memref<10368x128xf32, #tpu.memory_space<vmem_shared>> -> memref<10368x128xf32, #tpu.memory_space<vmem_shared>>
    tpu.wait_indirect_dma semaphore(%arg19 : memref<!tpu.dma_semaphore, #tpu.memory_space<semaphore_mem>>) src(%arg10 : memref<64x128xf32, #tpu.memory_space<vmem>>) dst(%dma_wait3A_87 : memref<10368x128xf32, #tpu.memory_space<vmem_shared>>)
    %dma_wait3A_88 = arith.constant 38 : i32
    %dma_wait3A_89 = arith.constant 0 : i32
    %dma_wait3A_90 = tpu.memref_slice %arg8[%dma_wait3A_88, %dma_wait3A_89] : memref<40x64xi32, #tpu.memory_space<vmem>> -> memref<1x64xi32, #tpu.memory_space<vmem>>
    %dma_wait3A_91 = tpu.memref_squeeze %dma_wait3A_90 : memref<1x64xi32, #tpu.memory_space<vmem>> -> memref<64xi32, #tpu.memory_space<vmem>>
    %dma_wait3A_92 = arith.constant 0 : i32
    %dma_wait3A_93 = arith.constant 0 : i32
    %dma_wait3A_94 = tpu.memref_slice %arg13[%dma_wait3A_92, %dma_wait3A_93] : memref<10368x128xf32, #tpu.memory_space<vmem_shared>> -> memref<10368x128xf32, #tpu.memory_space<vmem_shared>>
    tpu.wait_indirect_dma semaphore(%arg20 : memref<!tpu.dma_semaphore, #tpu.memory_space<semaphore_mem>>) src(%arg11 : memref<64x128xf32, #tpu.memory_space<vmem>>) dst(%dma_wait3A_94 : memref<10368x128xf32, #tpu.memory_space<vmem_shared>>)
    %dma_wait3A_95 = arith.constant 39 : i32
    %dma_wait3A_96 = arith.constant 0 : i32
    %dma_wait3A_97 = tpu.memref_slice %arg8[%dma_wait3A_95, %dma_wait3A_96] : memref<40x64xi32, #tpu.memory_space<vmem>> -> memref<1x64xi32, #tpu.memory_space<vmem>>
    %dma_wait3A_98 = tpu.memref_squeeze %dma_wait3A_97 : memref<1x64xi32, #tpu.memory_space<vmem>> -> memref<64xi32, #tpu.memory_space<vmem>>
    %dma_wait3A_99 = arith.constant 0 : i32
    %dma_wait3A_100 = arith.constant 0 : i32
    %dma_wait3A_101 = tpu.memref_slice %arg13[%dma_wait3A_99, %dma_wait3A_100] : memref<10368x128xf32, #tpu.memory_space<vmem_shared>> -> memref<10368x128xf32, #tpu.memory_space<vmem_shared>>
    tpu.wait_indirect_dma semaphore(%arg21 : memref<!tpu.dma_semaphore, #tpu.memory_space<semaphore_mem>>) src(%arg12 : memref<64x128xf32, #tpu.memory_space<vmem>>) dst(%dma_wait3A_101 : memref<10368x128xf32, #tpu.memory_space<vmem_shared>>)
    %dma_start3A_102 = arith.constant 40 : i32
    %dma_start3A_103 = arith.constant 0 : i32
    %dma_start3A_104 = tpu.memref_slice %arg3[%arg0, %arg1, %dma_start3A_102, %dma_start3A_103] : memref<2x16x80x64xi32, #tpu.memory_space<hbm>> -> memref<1x1x40x64xi32, #tpu.memory_space<hbm>>
    %dma_start3A_105 = tpu.memref_squeeze %dma_start3A_104 : memref<1x1x40x64xi32, #tpu.memory_space<hbm>> -> memref<40x64xi32, #tpu.memory_space<hbm>>
    %dma_start3A_106 = arith.constant 40 : i32
    %dma_start3A_107 = arith.constant 0 : i32
    %dma_start3A_108 = tpu.memref_slice %arg3[%arg0, %arg1, %dma_start3A_106, %dma_start3A_107] : memref<2x16x80x64xi32, #tpu.memory_space<hbm>> -> memref<1x1x40x64xi32, #tpu.memory_space<hbm>>
    %dma_start3A_109 = tpu.memref_squeeze %dma_start3A_108 : memref<1x1x40x64xi32, #tpu.memory_space<hbm>> -> memref<40x64xi32, #tpu.memory_space<hbm>>
    tpu.enqueue_dma source(%dma_start3A_109 : memref<40x64xi32, #tpu.memory_space<hbm>>) target(%arg7 : memref<40x64xi32, #tpu.memory_space<vmem>>) target_semaphore(%arg18 : memref<!tpu.dma_semaphore, #tpu.memory_space<semaphore_mem>>)
    %dma_start3A_110 = arith.constant 40 : i32
    %dma_start3A_111 = arith.constant 0 : i32
    %dma_start3A_112 = tpu.memref_slice %arg4[%arg0, %arg1, %dma_start3A_110, %dma_start3A_111] : memref<2x16x80x64xi32, #tpu.memory_space<hbm>> -> memref<1x1x40x64xi32, #tpu.memory_space<hbm>>
    %dma_start3A_113 = tpu.memref_squeeze %dma_start3A_112 : memref<1x1x40x64xi32, #tpu.memory_space<hbm>> -> memref<40x64xi32, #tpu.memory_space<hbm>>
    %dma_start3A_114 = arith.constant 40 : i32
    %dma_start3A_115 = arith.constant 0 : i32
    %dma_start3A_116 = tpu.memref_slice %arg4[%arg0, %arg1, %dma_start3A_114, %dma_start3A_115] : memref<2x16x80x64xi32, #tpu.memory_space<hbm>> -> memref<1x1x40x64xi32, #tpu.memory_space<hbm>>
    %dma_start3A_117 = tpu.memref_squeeze %dma_start3A_116 : memref<1x1x40x64xi32, #tpu.memory_space<hbm>> -> memref<40x64xi32, #tpu.memory_space<hbm>>
    tpu.enqueue_dma source(%dma_start3A_117 : memref<40x64xi32, #tpu.memory_space<hbm>>) target(%arg8 : memref<40x64xi32, #tpu.memory_space<vmem>>) target_semaphore(%arg19 : memref<!tpu.dma_semaphore, #tpu.memory_space<semaphore_mem>>)
    %dma_wait3A_118 = arith.constant 40 : i32
    %dma_wait3A_119 = arith.constant 0 : i32
    %dma_wait3A_120 = tpu.memref_slice %arg3[%arg0, %arg1, %dma_wait3A_118, %dma_wait3A_119] : memref<2x16x80x64xi32, #tpu.memory_space<hbm>> -> memref<1x1x40x64xi32, #tpu.memory_space<hbm>>
    %dma_wait3A_121 = tpu.memref_squeeze %dma_wait3A_120 : memref<1x1x40x64xi32, #tpu.memory_space<hbm>> -> memref<40x64xi32, #tpu.memory_space<hbm>>
    %dma_wait3A_122 = arith.constant 40 : i32
    %dma_wait3A_123 = arith.constant 0 : i32
    %dma_wait3A_124 = tpu.memref_slice %arg3[%arg0, %arg1, %dma_wait3A_122, %dma_wait3A_123] : memref<2x16x80x64xi32, #tpu.memory_space<hbm>> -> memref<1x1x40x64xi32, #tpu.memory_space<hbm>>
    %dma_wait3A_125 = tpu.memref_squeeze %dma_wait3A_124 : memref<1x1x40x64xi32, #tpu.memory_space<hbm>> -> memref<40x64xi32, #tpu.memory_space<hbm>>
    tpu.wait_dma2 semaphore(%arg18 : memref<!tpu.dma_semaphore, #tpu.memory_space<semaphore_mem>>) src(%dma_wait3A_125 : memref<40x64xi32, #tpu.memory_space<hbm>>) dst(%arg7 : memref<40x64xi32, #tpu.memory_space<vmem>>)
    %dma_wait3A_126 = arith.constant 40 : i32
    %dma_wait3A_127 = arith.constant 0 : i32
    %dma_wait3A_128 = tpu.memref_slice %arg4[%arg0, %arg1, %dma_wait3A_126, %dma_wait3A_127] : memref<2x16x80x64xi32, #tpu.memory_space<hbm>> -> memref<1x1x40x64xi32, #tpu.memory_space<hbm>>
    %dma_wait3A_129 = tpu.memref_squeeze %dma_wait3A_128 : memref<1x1x40x64xi32, #tpu.memory_space<hbm>> -> memref<40x64xi32, #tpu.memory_space<hbm>>
    %dma_wait3A_130 = arith.constant 40 : i32
    %dma_wait3A_131 = arith.constant 0 : i32
    %dma_wait3A_132 = tpu.memref_slice %arg4[%arg0, %arg1, %dma_wait3A_130, %dma_wait3A_131] : memref<2x16x80x64xi32, #tpu.memory_space<hbm>> -> memref<1x1x40x64xi32, #tpu.memory_space<hbm>>
    %dma_wait3A_133 = tpu.memref_squeeze %dma_wait3A_132 : memref<1x1x40x64xi32, #tpu.memory_space<hbm>> -> memref<40x64xi32, #tpu.memory_space<hbm>>
    tpu.wait_dma2 semaphore(%arg19 : memref<!tpu.dma_semaphore, #tpu.memory_space<semaphore_mem>>) src(%dma_wait3A_133 : memref<40x64xi32, #tpu.memory_space<hbm>>) dst(%arg8 : memref<40x64xi32, #tpu.memory_space<vmem>>)
    %dma_start3A_134 = arith.constant 0 : i32
    %dma_start3A_135 = arith.constant 0 : i32
    %dma_start3A_136 = tpu.memref_slice %arg7[%dma_start3A_134, %dma_start3A_135] : memref<40x64xi32, #tpu.memory_space<vmem>> -> memref<1x64xi32, #tpu.memory_space<vmem>>
    %dma_start3A_137 = tpu.memref_squeeze %dma_start3A_136 : memref<1x64xi32, #tpu.memory_space<vmem>> -> memref<64xi32, #tpu.memory_space<vmem>>
    %dma_start3A_138 = arith.constant 0 : i32
    %dma_start3A_139 = arith.constant 0 : i32
    %dma_start3A_140 = tpu.memref_slice %arg2[%dma_start3A_138, %dma_start3A_139] : memref<20480x128xf32, #tpu.memory_space<hbm>> -> memref<20480x128xf32, #tpu.memory_space<hbm>>
    tpu.enqueue_indirect_dma source(%dma_start3A_140 : memref<20480x128xf32, #tpu.memory_space<hbm>>) target(%arg9 : memref<64x128xf32, #tpu.memory_space<vmem>>) offsets(%dma_start3A_137 : memref<64xi32, #tpu.memory_space<vmem>>) semaphore(%arg14 : memref<!tpu.dma_semaphore, #tpu.memory_space<semaphore_mem>>)
    %dma_start3A_141 = arith.constant 1 : i32
    %dma_start3A_142 = arith.constant 0 : i32
    %dma_start3A_143 = tpu.memref_slice %arg7[%dma_start3A_141, %dma_start3A_142] : memref<40x64xi32, #tpu.memory_space<vmem>> -> memref<1x64xi32, #tpu.memory_space<vmem>>
    %dma_start3A_144 = tpu.memref_squeeze %dma_start3A_143 : memref<1x64xi32, #tpu.memory_space<vmem>> -> memref<64xi32, #tpu.memory_space<vmem>>
    %dma_start3A_145 = arith.constant 0 : i32
    %dma_start3A_146 = arith.constant 0 : i32
    %dma_start3A_147 = tpu.memref_slice %arg2[%dma_start3A_145, %dma_start3A_146] : memref<20480x128xf32, #tpu.memory_space<hbm>> -> memref<20480x128xf32, #tpu.memory_space<hbm>>
    tpu.enqueue_indirect_dma source(%dma_start3A_147 : memref<20480x128xf32, #tpu.memory_space<hbm>>) target(%arg10 : memref<64x128xf32, #tpu.memory_space<vmem>>) offsets(%dma_start3A_144 : memref<64xi32, #tpu.memory_space<vmem>>) semaphore(%arg15 : memref<!tpu.dma_semaphore, #tpu.memory_space<semaphore_mem>>)
    %dma_start3A_148 = arith.constant 2 : i32
    %dma_start3A_149 = arith.constant 0 : i32
    %dma_start3A_150 = tpu.memref_slice %arg7[%dma_start3A_148, %dma_start3A_149] : memref<40x64xi32, #tpu.memory_space<vmem>> -> memref<1x64xi32, #tpu.memory_space<vmem>>
    %dma_start3A_151 = tpu.memref_squeeze %dma_start3A_150 : memref<1x64xi32, #tpu.memory_space<vmem>> -> memref<64xi32, #tpu.memory_space<vmem>>
    %dma_start3A_152 = arith.constant 0 : i32
    %dma_start3A_153 = arith.constant 0 : i32
    %dma_start3A_154 = tpu.memref_slice %arg2[%dma_start3A_152, %dma_start3A_153] : memref<20480x128xf32, #tpu.memory_space<hbm>> -> memref<20480x128xf32, #tpu.memory_space<hbm>>
    tpu.enqueue_indirect_dma source(%dma_start3A_154 : memref<20480x128xf32, #tpu.memory_space<hbm>>) target(%arg11 : memref<64x128xf32, #tpu.memory_space<vmem>>) offsets(%dma_start3A_151 : memref<64xi32, #tpu.memory_space<vmem>>) semaphore(%arg16 : memref<!tpu.dma_semaphore, #tpu.memory_space<semaphore_mem>>)
    %dma_start3A_155 = arith.constant 3 : i32
    %dma_start3A_156 = arith.constant 0 : i32
    %dma_start3A_157 = tpu.memref_slice %arg7[%dma_start3A_155, %dma_start3A_156] : memref<40x64xi32, #tpu.memory_space<vmem>> -> memref<1x64xi32, #tpu.memory_space<vmem>>
    %dma_start3A_158 = tpu.memref_squeeze %dma_start3A_157 : memref<1x64xi32, #tpu.memory_space<vmem>> -> memref<64xi32, #tpu.memory_space<vmem>>
    %dma_start3A_159 = arith.constant 0 : i32
    %dma_start3A_160 = arith.constant 0 : i32
    %dma_start3A_161 = tpu.memref_slice %arg2[%dma_start3A_159, %dma_start3A_160] : memref<20480x128xf32, #tpu.memory_space<hbm>> -> memref<20480x128xf32, #tpu.memory_space<hbm>>
    tpu.enqueue_indirect_dma source(%dma_start3A_161 : memref<20480x128xf32, #tpu.memory_space<hbm>>) target(%arg12 : memref<64x128xf32, #tpu.memory_space<vmem>>) offsets(%dma_start3A_158 : memref<64xi32, #tpu.memory_space<vmem>>) semaphore(%arg17 : memref<!tpu.dma_semaphore, #tpu.memory_space<semaphore_mem>>)
    %scan3A_162 = arith.constant 0 : i32
    %scan3A_163 = arith.constant 0 : i32
    %scan3A_164 = arith.constant 10 : i32
    %scan3A_165 = arith.addi %scan3A_163, %scan3A_164 : i32
    %scan3A_166 = arith.constant 1 : i32
    scf.for %scan3A_201 = %scan3A_163 to %scan3A_165 step %scan3A_166  : i32 {
      %mul3A_202 = arith.constant 4 : i32
      %mul3A_203 = arith.muli %scan3A_201, %mul3A_202 : i32
      %add3A = arith.constant 0 : i32
      %add3A_204 = arith.addi %mul3A_203, %add3A : i32
      %dma_wait3A_205 = arith.constant 0 : i32
      %dma_wait3A_206 = tpu.memref_slice %arg7[%add3A_204, %dma_wait3A_205] : memref<40x64xi32, #tpu.memory_space<vmem>> -> memref<1x64xi32, #tpu.memory_space<vmem>>
      %dma_wait3A_207 = tpu.memref_squeeze %dma_wait3A_206 : memref<1x64xi32, #tpu.memory_space<vmem>> -> memref<64xi32, #tpu.memory_space<vmem>>
      %dma_wait3A_208 = arith.constant 0 : i32
      %dma_wait3A_209 = arith.constant 0 : i32
      %dma_wait3A_210 = tpu.memref_slice %arg2[%dma_wait3A_208, %dma_wait3A_209] : memref<20480x128xf32, #tpu.memory_space<hbm>> -> memref<20480x128xf32, #tpu.memory_space<hbm>>
      tpu.wait_indirect_dma semaphore(%arg14 : memref<!tpu.dma_semaphore, #tpu.memory_space<semaphore_mem>>) src(%dma_wait3A_210 : memref<20480x128xf32, #tpu.memory_space<hbm>>) dst(%arg9 : memref<64x128xf32, #tpu.memory_space<vmem>>)
      %add3A_211 = arith.constant 0 : i32
      %add3A_212 = arith.addi %mul3A_203, %add3A_211 : i32
      %dma_start3A_213 = arith.constant 0 : i32
      %dma_start3A_214 = tpu.memref_slice %arg8[%add3A_212, %dma_start3A_213] : memref<40x64xi32, #tpu.memory_space<vmem>> -> memref<1x64xi32, #tpu.memory_space<vmem>>
      %dma_start3A_215 = tpu.memref_squeeze %dma_start3A_214 : memref<1x64xi32, #tpu.memory_space<vmem>> -> memref<64xi32, #tpu.memory_space<vmem>>
      %dma_start3A_216 = arith.constant 0 : i32
      %dma_start3A_217 = arith.constant 0 : i32
      %dma_start3A_218 = tpu.memref_slice %arg13[%dma_start3A_216, %dma_start3A_217] : memref<10368x128xf32, #tpu.memory_space<vmem_shared>> -> memref<10368x128xf32, #tpu.memory_space<vmem_shared>>
      tpu.enqueue_indirect_dma source(%arg9 : memref<64x128xf32, #tpu.memory_space<vmem>>) target(%dma_start3A_218 : memref<10368x128xf32, #tpu.memory_space<vmem_shared>>) offsets(%dma_start3A_215 : memref<64xi32, #tpu.memory_space<vmem>>) semaphore(%arg18 : memref<!tpu.dma_semaphore, #tpu.memory_space<semaphore_mem>>) {add = true}
      %add3A_219 = arith.constant 1 : i32
      %add3A_220 = arith.addi %mul3A_203, %add3A_219 : i32
      %dma_wait3A_221 = arith.constant 0 : i32
      %dma_wait3A_222 = tpu.memref_slice %arg7[%add3A_220, %dma_wait3A_221] : memref<40x64xi32, #tpu.memory_space<vmem>> -> memref<1x64xi32, #tpu.memory_space<vmem>>
      %dma_wait3A_223 = tpu.memref_squeeze %dma_wait3A_222 : memref<1x64xi32, #tpu.memory_space<vmem>> -> memref<64xi32, #tpu.memory_space<vmem>>
      %dma_wait3A_224 = arith.constant 0 : i32
      %dma_wait3A_225 = arith.constant 0 : i32
      %dma_wait3A_226 = tpu.memref_slice %arg2[%dma_wait3A_224, %dma_wait3A_225] : memref<20480x128xf32, #tpu.memory_space<hbm>> -> memref<20480x128xf32, #tpu.memory_space<hbm>>
      tpu.wait_indirect_dma semaphore(%arg15 : memref<!tpu.dma_semaphore, #tpu.memory_space<semaphore_mem>>) src(%dma_wait3A_226 : memref<20480x128xf32, #tpu.memory_space<hbm>>) dst(%arg10 : memref<64x128xf32, #tpu.memory_space<vmem>>)
      %add3A_227 = arith.constant 1 : i32
      %add3A_228 = arith.addi %mul3A_203, %add3A_227 : i32
      %dma_start3A_229 = arith.constant 0 : i32
      %dma_start3A_230 = tpu.memref_slice %arg8[%add3A_228, %dma_start3A_229] : memref<40x64xi32, #tpu.memory_space<vmem>> -> memref<1x64xi32, #tpu.memory_space<vmem>>
      %dma_start3A_231 = tpu.memref_squeeze %dma_start3A_230 : memref<1x64xi32, #tpu.memory_space<vmem>> -> memref<64xi32, #tpu.memory_space<vmem>>
      %dma_start3A_232 = arith.constant 0 : i32
      %dma_start3A_233 = arith.constant 0 : i32
      %dma_start3A_234 = tpu.memref_slice %arg13[%dma_start3A_232, %dma_start3A_233] : memref<10368x128xf32, #tpu.memory_space<vmem_shared>> -> memref<10368x128xf32, #tpu.memory_space<vmem_shared>>
      tpu.enqueue_indirect_dma source(%arg10 : memref<64x128xf32, #tpu.memory_space<vmem>>) target(%dma_start3A_234 : memref<10368x128xf32, #tpu.memory_space<vmem_shared>>) offsets(%dma_start3A_231 : memref<64xi32, #tpu.memory_space<vmem>>) semaphore(%arg19 : memref<!tpu.dma_semaphore, #tpu.memory_space<semaphore_mem>>) {add = true}
      %add3A_235 = arith.constant 2 : i32
      %add3A_236 = arith.addi %mul3A_203, %add3A_235 : i32
      %dma_wait3A_237 = arith.constant 0 : i32
      %dma_wait3A_238 = tpu.memref_slice %arg7[%add3A_236, %dma_wait3A_237] : memref<40x64xi32, #tpu.memory_space<vmem>> -> memref<1x64xi32, #tpu.memory_space<vmem>>
      %dma_wait3A_239 = tpu.memref_squeeze %dma_wait3A_238 : memref<1x64xi32, #tpu.memory_space<vmem>> -> memref<64xi32, #tpu.memory_space<vmem>>
      %dma_wait3A_240 = arith.constant 0 : i32
      %dma_wait3A_241 = arith.constant 0 : i32
      %dma_wait3A_242 = tpu.memref_slice %arg2[%dma_wait3A_240, %dma_wait3A_241] : memref<20480x128xf32, #tpu.memory_space<hbm>> -> memref<20480x128xf32, #tpu.memory_space<hbm>>
      tpu.wait_indirect_dma semaphore(%arg16 : memref<!tpu.dma_semaphore, #tpu.memory_space<semaphore_mem>>) src(%dma_wait3A_242 : memref<20480x128xf32, #tpu.memory_space<hbm>>) dst(%arg11 : memref<64x128xf32, #tpu.memory_space<vmem>>)
      %add3A_243 = arith.constant 2 : i32
      %add3A_244 = arith.addi %mul3A_203, %add3A_243 : i32
      %dma_start3A_245 = arith.constant 0 : i32
      %dma_start3A_246 = tpu.memref_slice %arg8[%add3A_244, %dma_start3A_245] : memref<40x64xi32, #tpu.memory_space<vmem>> -> memref<1x64xi32, #tpu.memory_space<vmem>>
      %dma_start3A_247 = tpu.memref_squeeze %dma_start3A_246 : memref<1x64xi32, #tpu.memory_space<vmem>> -> memref<64xi32, #tpu.memory_space<vmem>>
      %dma_start3A_248 = arith.constant 0 : i32
      %dma_start3A_249 = arith.constant 0 : i32
      %dma_start3A_250 = tpu.memref_slice %arg13[%dma_start3A_248, %dma_start3A_249] : memref<10368x128xf32, #tpu.memory_space<vmem_shared>> -> memref<10368x128xf32, #tpu.memory_space<vmem_shared>>
      tpu.enqueue_indirect_dma source(%arg11 : memref<64x128xf32, #tpu.memory_space<vmem>>) target(%dma_start3A_250 : memref<10368x128xf32, #tpu.memory_space<vmem_shared>>) offsets(%dma_start3A_247 : memref<64xi32, #tpu.memory_space<vmem>>) semaphore(%arg20 : memref<!tpu.dma_semaphore, #tpu.memory_space<semaphore_mem>>) {add = true}
      %add3A_251 = arith.constant 3 : i32
      %add3A_252 = arith.addi %mul3A_203, %add3A_251 : i32
      %dma_wait3A_253 = arith.constant 0 : i32
      %dma_wait3A_254 = tpu.memref_slice %arg7[%add3A_252, %dma_wait3A_253] : memref<40x64xi32, #tpu.memory_space<vmem>> -> memref<1x64xi32, #tpu.memory_space<vmem>>
      %dma_wait3A_255 = tpu.memref_squeeze %dma_wait3A_254 : memref<1x64xi32, #tpu.memory_space<vmem>> -> memref<64xi32, #tpu.memory_space<vmem>>
      %dma_wait3A_256 = arith.constant 0 : i32
      %dma_wait3A_257 = arith.constant 0 : i32
      %dma_wait3A_258 = tpu.memref_slice %arg2[%dma_wait3A_256, %dma_wait3A_257] : memref<20480x128xf32, #tpu.memory_space<hbm>> -> memref<20480x128xf32, #tpu.memory_space<hbm>>
      tpu.wait_indirect_dma semaphore(%arg17 : memref<!tpu.dma_semaphore, #tpu.memory_space<semaphore_mem>>) src(%dma_wait3A_258 : memref<20480x128xf32, #tpu.memory_space<hbm>>) dst(%arg12 : memref<64x128xf32, #tpu.memory_space<vmem>>)
      %add3A_259 = arith.constant 3 : i32
      %add3A_260 = arith.addi %mul3A_203, %add3A_259 : i32
      %dma_start3A_261 = arith.constant 0 : i32
      %dma_start3A_262 = tpu.memref_slice %arg8[%add3A_260, %dma_start3A_261] : memref<40x64xi32, #tpu.memory_space<vmem>> -> memref<1x64xi32, #tpu.memory_space<vmem>>
      %dma_start3A_263 = tpu.memref_squeeze %dma_start3A_262 : memref<1x64xi32, #tpu.memory_space<vmem>> -> memref<64xi32, #tpu.memory_space<vmem>>
      %dma_start3A_264 = arith.constant 0 : i32
      %dma_start3A_265 = arith.constant 0 : i32
      %dma_start3A_266 = tpu.memref_slice %arg13[%dma_start3A_264, %dma_start3A_265] : memref<10368x128xf32, #tpu.memory_space<vmem_shared>> -> memref<10368x128xf32, #tpu.memory_space<vmem_shared>>
      tpu.enqueue_indirect_dma source(%arg12 : memref<64x128xf32, #tpu.memory_space<vmem>>) target(%dma_start3A_266 : memref<10368x128xf32, #tpu.memory_space<vmem_shared>>) offsets(%dma_start3A_263 : memref<64xi32, #tpu.memory_space<vmem>>) semaphore(%arg21 : memref<!tpu.dma_semaphore, #tpu.memory_space<semaphore_mem>>) {add = true}
      %lt3A = arith.constant 9 : i32
      %lt3A_267 = arith.cmpi slt, %scan3A_201, %lt3A : i32
      %convert_element_type3A = arith.extui %lt3A_267 : i1 to i32
      %cond3A = arith.constant 0 : i32
      %cond3A_268 = arith.cmpi ne, %convert_element_type3A, %cond3A : i32
      scf.if %cond3A_268 {
        %add3A_269 = arith.constant 0 : i32
        %add3A_270 = arith.addi %mul3A_203, %add3A_269 : i32
        %dma_wait3A_271 = arith.constant 0 : i32
        %dma_wait3A_272 = tpu.memref_slice %arg8[%add3A_270, %dma_wait3A_271] : memref<40x64xi32, #tpu.memory_space<vmem>> -> memref<1x64xi32, #tpu.memory_space<vmem>>
        %dma_wait3A_273 = tpu.memref_squeeze %dma_wait3A_272 : memref<1x64xi32, #tpu.memory_space<vmem>> -> memref<64xi32, #tpu.memory_space<vmem>>
        %dma_wait3A_274 = arith.constant 0 : i32
        %dma_wait3A_275 = arith.constant 0 : i32
        %dma_wait3A_276 = tpu.memref_slice %arg13[%dma_wait3A_274, %dma_wait3A_275] : memref<10368x128xf32, #tpu.memory_space<vmem_shared>> -> memref<10368x128xf32, #tpu.memory_space<vmem_shared>>
        tpu.wait_indirect_dma semaphore(%arg18 : memref<!tpu.dma_semaphore, #tpu.memory_space<semaphore_mem>>) src(%arg9 : memref<64x128xf32, #tpu.memory_space<vmem>>) dst(%dma_wait3A_276 : memref<10368x128xf32, #tpu.memory_space<vmem_shared>>)
        %add3A_277 = arith.constant 4 : i32
        %add3A_278 = arith.addi %mul3A_203, %add3A_277 : i32
        %add3A_279 = arith.constant 0 : i32
        %add3A_280 = arith.addi %add3A_278, %add3A_279 : i32
        %dma_start3A_281 = arith.constant 0 : i32
        %dma_start3A_282 = tpu.memref_slice %arg7[%add3A_280, %dma_start3A_281] : memref<40x64xi32, #tpu.memory_space<vmem>> -> memref<1x64xi32, #tpu.memory_space<vmem>>
        %dma_start3A_283 = tpu.memref_squeeze %dma_start3A_282 : memref<1x64xi32, #tpu.memory_space<vmem>> -> memref<64xi32, #tpu.memory_space<vmem>>
        %dma_start3A_284 = arith.constant 0 : i32
        %dma_start3A_285 = arith.constant 0 : i32
        %dma_start3A_286 = tpu.memref_slice %arg2[%dma_start3A_284, %dma_start3A_285] : memref<20480x128xf32, #tpu.memory_space<hbm>> -> memref<20480x128xf32, #tpu.memory_space<hbm>>
        tpu.enqueue_indirect_dma source(%dma_start3A_286 : memref<20480x128xf32, #tpu.memory_space<hbm>>) target(%arg9 : memref<64x128xf32, #tpu.memory_space<vmem>>) offsets(%dma_start3A_283 : memref<64xi32, #tpu.memory_space<vmem>>) semaphore(%arg14 : memref<!tpu.dma_semaphore, #tpu.memory_space<semaphore_mem>>)
        %add3A_287 = arith.constant 1 : i32
        %add3A_288 = arith.addi %mul3A_203, %add3A_287 : i32
        %dma_wait3A_289 = arith.constant 0 : i32
        %dma_wait3A_290 = tpu.memref_slice %arg8[%add3A_288, %dma_wait3A_289] : memref<40x64xi32, #tpu.memory_space<vmem>> -> memref<1x64xi32, #tpu.memory_space<vmem>>
        %dma_wait3A_291 = tpu.memref_squeeze %dma_wait3A_290 : memref<1x64xi32, #tpu.memory_space<vmem>> -> memref<64xi32, #tpu.memory_space<vmem>>
        %dma_wait3A_292 = arith.constant 0 : i32
        %dma_wait3A_293 = arith.constant 0 : i32
        %dma_wait3A_294 = tpu.memref_slice %arg13[%dma_wait3A_292, %dma_wait3A_293] : memref<10368x128xf32, #tpu.memory_space<vmem_shared>> -> memref<10368x128xf32, #tpu.memory_space<vmem_shared>>
        tpu.wait_indirect_dma semaphore(%arg19 : memref<!tpu.dma_semaphore, #tpu.memory_space<semaphore_mem>>) src(%arg10 : memref<64x128xf32, #tpu.memory_space<vmem>>) dst(%dma_wait3A_294 : memref<10368x128xf32, #tpu.memory_space<vmem_shared>>)
        %add3A_295 = arith.constant 4 : i32
        %add3A_296 = arith.addi %mul3A_203, %add3A_295 : i32
        %add3A_297 = arith.constant 1 : i32
        %add3A_298 = arith.addi %add3A_296, %add3A_297 : i32
        %dma_start3A_299 = arith.constant 0 : i32
        %dma_start3A_300 = tpu.memref_slice %arg7[%add3A_298, %dma_start3A_299] : memref<40x64xi32, #tpu.memory_space<vmem>> -> memref<1x64xi32, #tpu.memory_space<vmem>>
        %dma_start3A_301 = tpu.memref_squeeze %dma_start3A_300 : memref<1x64xi32, #tpu.memory_space<vmem>> -> memref<64xi32, #tpu.memory_space<vmem>>
        %dma_start3A_302 = arith.constant 0 : i32
        %dma_start3A_303 = arith.constant 0 : i32
        %dma_start3A_304 = tpu.memref_slice %arg2[%dma_start3A_302, %dma_start3A_303] : memref<20480x128xf32, #tpu.memory_space<hbm>> -> memref<20480x128xf32, #tpu.memory_space<hbm>>
        tpu.enqueue_indirect_dma source(%dma_start3A_304 : memref<20480x128xf32, #tpu.memory_space<hbm>>) target(%arg10 : memref<64x128xf32, #tpu.memory_space<vmem>>) offsets(%dma_start3A_301 : memref<64xi32, #tpu.memory_space<vmem>>) semaphore(%arg15 : memref<!tpu.dma_semaphore, #tpu.memory_space<semaphore_mem>>)
        %add3A_305 = arith.constant 2 : i32
        %add3A_306 = arith.addi %mul3A_203, %add3A_305 : i32
        %dma_wait3A_307 = arith.constant 0 : i32
        %dma_wait3A_308 = tpu.memref_slice %arg8[%add3A_306, %dma_wait3A_307] : memref<40x64xi32, #tpu.memory_space<vmem>> -> memref<1x64xi32, #tpu.memory_space<vmem>>
        %dma_wait3A_309 = tpu.memref_squeeze %dma_wait3A_308 : memref<1x64xi32, #tpu.memory_space<vmem>> -> memref<64xi32, #tpu.memory_space<vmem>>
        %dma_wait3A_310 = arith.constant 0 : i32
        %dma_wait3A_311 = arith.constant 0 : i32
        %dma_wait3A_312 = tpu.memref_slice %arg13[%dma_wait3A_310, %dma_wait3A_311] : memref<10368x128xf32, #tpu.memory_space<vmem_shared>> -> memref<10368x128xf32, #tpu.memory_space<vmem_shared>>
        tpu.wait_indirect_dma semaphore(%arg20 : memref<!tpu.dma_semaphore, #tpu.memory_space<semaphore_mem>>) src(%arg11 : memref<64x128xf32, #tpu.memory_space<vmem>>) dst(%dma_wait3A_312 : memref<10368x128xf32, #tpu.memory_space<vmem_shared>>)
        %add3A_313 = arith.constant 4 : i32
        %add3A_314 = arith.addi %mul3A_203, %add3A_313 : i32
        %add3A_315 = arith.constant 2 : i32
        %add3A_316 = arith.addi %add3A_314, %add3A_315 : i32
        %dma_start3A_317 = arith.constant 0 : i32
        %dma_start3A_318 = tpu.memref_slice %arg7[%add3A_316, %dma_start3A_317] : memref<40x64xi32, #tpu.memory_space<vmem>> -> memref<1x64xi32, #tpu.memory_space<vmem>>
        %dma_start3A_319 = tpu.memref_squeeze %dma_start3A_318 : memref<1x64xi32, #tpu.memory_space<vmem>> -> memref<64xi32, #tpu.memory_space<vmem>>
        %dma_start3A_320 = arith.constant 0 : i32
        %dma_start3A_321 = arith.constant 0 : i32
        %dma_start3A_322 = tpu.memref_slice %arg2[%dma_start3A_320, %dma_start3A_321] : memref<20480x128xf32, #tpu.memory_space<hbm>> -> memref<20480x128xf32, #tpu.memory_space<hbm>>
        tpu.enqueue_indirect_dma source(%dma_start3A_322 : memref<20480x128xf32, #tpu.memory_space<hbm>>) target(%arg11 : memref<64x128xf32, #tpu.memory_space<vmem>>) offsets(%dma_start3A_319 : memref<64xi32, #tpu.memory_space<vmem>>) semaphore(%arg16 : memref<!tpu.dma_semaphore, #tpu.memory_space<semaphore_mem>>)
        %add3A_323 = arith.constant 3 : i32
        %add3A_324 = arith.addi %mul3A_203, %add3A_323 : i32
        %dma_wait3A_325 = arith.constant 0 : i32
        %dma_wait3A_326 = tpu.memref_slice %arg8[%add3A_324, %dma_wait3A_325] : memref<40x64xi32, #tpu.memory_space<vmem>> -> memref<1x64xi32, #tpu.memory_space<vmem>>
        %dma_wait3A_327 = tpu.memref_squeeze %dma_wait3A_326 : memref<1x64xi32, #tpu.memory_space<vmem>> -> memref<64xi32, #tpu.memory_space<vmem>>
        %dma_wait3A_328 = arith.constant 0 : i32
        %dma_wait3A_329 = arith.constant 0 : i32
        %dma_wait3A_330 = tpu.memref_slice %arg13[%dma_wait3A_328, %dma_wait3A_329] : memref<10368x128xf32, #tpu.memory_space<vmem_shared>> -> memref<10368x128xf32, #tpu.memory_space<vmem_shared>>
        tpu.wait_indirect_dma semaphore(%arg21 : memref<!tpu.dma_semaphore, #tpu.memory_space<semaphore_mem>>) src(%arg12 : memref<64x128xf32, #tpu.memory_space<vmem>>) dst(%dma_wait3A_330 : memref<10368x128xf32, #tpu.memory_space<vmem_shared>>)
        %add3A_331 = arith.constant 4 : i32
        %add3A_332 = arith.addi %mul3A_203, %add3A_331 : i32
        %add3A_333 = arith.constant 3 : i32
        %add3A_334 = arith.addi %add3A_332, %add3A_333 : i32
        %dma_start3A_335 = arith.constant 0 : i32
        %dma_start3A_336 = tpu.memref_slice %arg7[%add3A_334, %dma_start3A_335] : memref<40x64xi32, #tpu.memory_space<vmem>> -> memref<1x64xi32, #tpu.memory_space<vmem>>
        %dma_start3A_337 = tpu.memref_squeeze %dma_start3A_336 : memref<1x64xi32, #tpu.memory_space<vmem>> -> memref<64xi32, #tpu.memory_space<vmem>>
        %dma_start3A_338 = arith.constant 0 : i32
        %dma_start3A_339 = arith.constant 0 : i32
        %dma_start3A_340 = tpu.memref_slice %arg2[%dma_start3A_338, %dma_start3A_339] : memref<20480x128xf32, #tpu.memory_space<hbm>> -> memref<20480x128xf32, #tpu.memory_space<hbm>>
        tpu.enqueue_indirect_dma source(%dma_start3A_340 : memref<20480x128xf32, #tpu.memory_space<hbm>>) target(%arg12 : memref<64x128xf32, #tpu.memory_space<vmem>>) offsets(%dma_start3A_337 : memref<64xi32, #tpu.memory_space<vmem>>) semaphore(%arg17 : memref<!tpu.dma_semaphore, #tpu.memory_space<semaphore_mem>>)
      } else {
      }
    }
    %scan3A_167 = arith.constant 10 : i32
    %dma_wait3A_168 = arith.constant 36 : i32
    %dma_wait3A_169 = arith.constant 0 : i32
    %dma_wait3A_170 = tpu.memref_slice %arg8[%dma_wait3A_168, %dma_wait3A_169] : memref<40x64xi32, #tpu.memory_space<vmem>> -> memref<1x64xi32, #tpu.memory_space<vmem>>
    %dma_wait3A_171 = tpu.memref_squeeze %dma_wait3A_170 : memref<1x64xi32, #tpu.memory_space<vmem>> -> memref<64xi32, #tpu.memory_space<vmem>>
    %dma_wait3A_172 = arith.constant 0 : i32
    %dma_wait3A_173 = arith.constant 0 : i32
    %dma_wait3A_174 = tpu.memref_slice %arg13[%dma_wait3A_172, %dma_wait3A_173] : memref<10368x128xf32, #tpu.memory_space<vmem_shared>> -> memref<10368x128xf32, #tpu.memory_space<vmem_shared>>
    tpu.wait_indirect_dma semaphore(%arg18 : memref<!tpu.dma_semaphore, #tpu.memory_space<semaphore_mem>>) src(%arg9 : memref<64x128xf32, #tpu.memory_space<vmem>>) dst(%dma_wait3A_174 : memref<10368x128xf32, #tpu.memory_space<vmem_shared>>)
    %dma_wait3A_175 = arith.constant 37 : i32
    %dma_wait3A_176 = arith.constant 0 : i32
    %dma_wait3A_177 = tpu.memref_slice %arg8[%dma_wait3A_175, %dma_wait3A_176] : memref<40x64xi32, #tpu.memory_space<vmem>> -> memref<1x64xi32, #tpu.memory_space<vmem>>
    %dma_wait3A_178 = tpu.memref_squeeze %dma_wait3A_177 : memref<1x64xi32, #tpu.memory_space<vmem>> -> memref<64xi32, #tpu.memory_space<vmem>>
    %dma_wait3A_179 = arith.constant 0 : i32
    %dma_wait3A_180 = arith.constant 0 : i32
    %dma_wait3A_181 = tpu.memref_slice %arg13[%dma_wait3A_179, %dma_wait3A_180] : memref<10368x128xf32, #tpu.memory_space<vmem_shared>> -> memref<10368x128xf32, #tpu.memory_space<vmem_shared>>
    tpu.wait_indirect_dma semaphore(%arg19 : memref<!tpu.dma_semaphore, #tpu.memory_space<semaphore_mem>>) src(%arg10 : memref<64x128xf32, #tpu.memory_space<vmem>>) dst(%dma_wait3A_181 : memref<10368x128xf32, #tpu.memory_space<vmem_shared>>)
    %dma_wait3A_182 = arith.constant 38 : i32
    %dma_wait3A_183 = arith.constant 0 : i32
    %dma_wait3A_184 = tpu.memref_slice %arg8[%dma_wait3A_182, %dma_wait3A_183] : memref<40x64xi32, #tpu.memory_space<vmem>> -> memref<1x64xi32, #tpu.memory_space<vmem>>
    %dma_wait3A_185 = tpu.memref_squeeze %dma_wait3A_184 : memref<1x64xi32, #tpu.memory_space<vmem>> -> memref<64xi32, #tpu.memory_space<vmem>>
    %dma_wait3A_186 = arith.constant 0 : i32
    %dma_wait3A_187 = arith.constant 0 : i32
    %dma_wait3A_188 = tpu.memref_slice %arg13[%dma_wait3A_186, %dma_wait3A_187] : memref<10368x128xf32, #tpu.memory_space<vmem_shared>> -> memref<10368x128xf32, #tpu.memory_space<vmem_shared>>
    tpu.wait_indirect_dma semaphore(%arg20 : memref<!tpu.dma_semaphore, #tpu.memory_space<semaphore_mem>>) src(%arg11 : memref<64x128xf32, #tpu.memory_space<vmem>>) dst(%dma_wait3A_188 : memref<10368x128xf32, #tpu.memory_space<vmem_shared>>)
    %dma_wait3A_189 = arith.constant 39 : i32
    %dma_wait3A_190 = arith.constant 0 : i32
    %dma_wait3A_191 = tpu.memref_slice %arg8[%dma_wait3A_189, %dma_wait3A_190] : memref<40x64xi32, #tpu.memory_space<vmem>> -> memref<1x64xi32, #tpu.memory_space<vmem>>
    %dma_wait3A_192 = tpu.memref_squeeze %dma_wait3A_191 : memref<1x64xi32, #tpu.memory_space<vmem>> -> memref<64xi32, #tpu.memory_space<vmem>>
    %dma_wait3A_193 = arith.constant 0 : i32
    %dma_wait3A_194 = arith.constant 0 : i32
    %dma_wait3A_195 = tpu.memref_slice %arg13[%dma_wait3A_193, %dma_wait3A_194] : memref<10368x128xf32, #tpu.memory_space<vmem_shared>> -> memref<10368x128xf32, #tpu.memory_space<vmem_shared>>
    tpu.wait_indirect_dma semaphore(%arg21 : memref<!tpu.dma_semaphore, #tpu.memory_space<semaphore_mem>>) src(%arg12 : memref<64x128xf32, #tpu.memory_space<vmem>>) dst(%dma_wait3A_195 : memref<10368x128xf32, #tpu.memory_space<vmem_shared>>)
    %barrier3A_196 = arith.constant 0 : index
    tpu.barrier barrier_id(%barrier3A_196)
    %mul3A_197 = arith.constant 640 : i32
    %mul3A_198 = arith.muli %arg1, %mul3A_197 : i32
    %mul3A_199 = arith.constant 640 : i32
    %mul3A_200 = arith.muli %arg1, %mul3A_199 : i32
    "tpu.region"() ({
      %run_scoped3A = tpu.sem_alloc : memref<!tpu.dma_semaphore, #tpu.memory_space<semaphore_mem>>
      %dma_start3A_201 = arith.constant 0 : i32
      %dma_start3A_202 = tpu.memref_slice %arg6[%arg0, %mul3A_200, %dma_start3A_201] : memref<2x10240x128xf32, #tpu.memory_space<hbm>> -> memref<1x640x128xf32, #tpu.memory_space<hbm>>
      %dma_start3A_203 = tpu.memref_squeeze %dma_start3A_202 : memref<1x640x128xf32, #tpu.memory_space<hbm>> -> memref<640x128xf32, #tpu.memory_space<hbm>>
      %dma_start3A_204 = arith.constant 0 : i32
      %dma_start3A_205 = tpu.memref_slice %arg13[%mul3A_198, %dma_start3A_204] : memref<10368x128xf32, #tpu.memory_space<vmem_shared>> -> memref<640x128xf32, #tpu.memory_space<vmem_shared>>
      tpu.enqueue_dma source(%dma_start3A_205 : memref<640x128xf32, #tpu.memory_space<vmem_shared>>) target(%dma_start3A_203 : memref<640x128xf32, #tpu.memory_space<hbm>>) target_semaphore(%run_scoped3A : memref<!tpu.dma_semaphore, #tpu.memory_space<semaphore_mem>>)
      %dma_wait3A_206 = arith.constant 0 : i32
      %dma_wait3A_207 = tpu.memref_slice %arg6[%arg0, %mul3A_200, %dma_wait3A_206] : memref<2x10240x128xf32, #tpu.memory_space<hbm>> -> memref<1x640x128xf32, #tpu.memory_space<hbm>>
      %dma_wait3A_208 = tpu.memref_squeeze %dma_wait3A_207 : memref<1x640x128xf32, #tpu.memory_space<hbm>> -> memref<640x128xf32, #tpu.memory_space<hbm>>
      %dma_wait3A_209 = arith.constant 0 : i32
      %dma_wait3A_210 = tpu.memref_slice %arg13[%mul3A_198, %dma_wait3A_209] : memref<10368x128xf32, #tpu.memory_space<vmem_shared>> -> memref<640x128xf32, #tpu.memory_space<vmem_shared>>
      tpu.wait_dma2 semaphore(%run_scoped3A : memref<!tpu.dma_semaphore, #tpu.memory_space<semaphore_mem>>) src(%dma_wait3A_210 : memref<640x128xf32, #tpu.memory_space<vmem_shared>>) dst(%dma_wait3A_208 : memref<640x128xf32, #tpu.memory_space<hbm>>)
      tpu.yield
    }) : () -> ()
    return
  }
}

#map = affine_map<(d0, d1) -> (0, 0)>
#map1 = affine_map<(d0, d1) -> (0, 0, 0, 0)>
#map2 = affine_map<(d0, d1) -> (0, 0, 0)>
module attributes {stable_mosaic.version = 14 : i64} {
  func.func @body(%arg0: i32, %arg1: i32, %arg2: memref<20480x128xf32, #tpu.memory_space<hbm>>, %arg3: memref<2x16x80x128xi32, #tpu.memory_space<hbm>>, %arg4: memref<2x16x80x128xi32, #tpu.memory_space<hbm>>, %arg5: memref<10368x128xf32, #tpu.memory_space<hbm>>, %arg6: memref<2x10240x128xf32, #tpu.memory_space<hbm>>, %arg7: memref<40x128xi32, #tpu.memory_space<vmem>>, %arg8: memref<40x128xi32, #tpu.memory_space<vmem>>, %arg9: memref<128x128xf32, #tpu.memory_space<vmem>>, %arg10: memref<128x128xf32, #tpu.memory_space<vmem>>, %arg11: memref<10368x128xf32, #tpu.memory_space<vmem_shared>>, %arg12: memref<!tpu.dma_semaphore, #tpu.memory_space<semaphore_mem>>, %arg13: memref<!tpu.dma_semaphore, #tpu.memory_space<semaphore_mem>>, %arg14: memref<!tpu.dma_semaphore, #tpu.memory_space<semaphore_mem>>, %arg15: memref<!tpu.dma_semaphore, #tpu.memory_space<semaphore_mem>>) attributes {dimension_semantics = [#tpu.dimension_semantics<core_parallel>, #tpu.dimension_semantics<subcore_parallel>], iteration_bounds = array<i64: 2, 16>, scalar_prefetch = 0 : i64, scratch_operands = 9 : i64, tpu.core_type = #tpu.core_type<sc_vector_subcore>, window_params = [{transform_indices = #map}, {transform_indices = #map1}, {transform_indices = #map1}, {transform_indices = #map}, {transform_indices = #map2}]} {
    %mul3A = arith.constant 648 : i32
    %mul3A_0 = arith.muli %arg1, %mul3A : i32
    %mul3A_1 = arith.constant 648 : i32
    %mul3A_2 = arith.muli %arg1, %mul3A_1 : i32
    %dma_start3A = arith.constant 0 : i32
    %dma_start3A_3 = tpu.memref_slice %arg11[%mul3A_2, %dma_start3A] : memref<10368x128xf32, #tpu.memory_space<vmem_shared>> -> memref<648x128xf32, #tpu.memory_space<vmem_shared>>
    %dma_start3A_4 = arith.constant 0 : i32
    %dma_start3A_5 = tpu.memref_slice %arg5[%mul3A_0, %dma_start3A_4] : memref<10368x128xf32, #tpu.memory_space<hbm>> -> memref<648x128xf32, #tpu.memory_space<hbm>>
    tpu.enqueue_dma source(%dma_start3A_5 : memref<648x128xf32, #tpu.memory_space<hbm>>) target(%dma_start3A_3 : memref<648x128xf32, #tpu.memory_space<vmem_shared>>) target_semaphore(%arg12 : memref<!tpu.dma_semaphore, #tpu.memory_space<semaphore_mem>>)
    %dma_start3A_6 = arith.constant 0 : i32
    %dma_start3A_7 = arith.constant 0 : i32
    %dma_start3A_8 = tpu.memref_slice %arg3[%arg0, %arg1, %dma_start3A_6, %dma_start3A_7] : memref<2x16x80x128xi32, #tpu.memory_space<hbm>> -> memref<1x1x40x128xi32, #tpu.memory_space<hbm>>
    %dma_start3A_9 = tpu.memref_squeeze %dma_start3A_8 : memref<1x1x40x128xi32, #tpu.memory_space<hbm>> -> memref<40x128xi32, #tpu.memory_space<hbm>>
    %dma_start3A_10 = arith.constant 0 : i32
    %dma_start3A_11 = arith.constant 0 : i32
    %dma_start3A_12 = tpu.memref_slice %arg3[%arg0, %arg1, %dma_start3A_10, %dma_start3A_11] : memref<2x16x80x128xi32, #tpu.memory_space<hbm>> -> memref<1x1x40x128xi32, #tpu.memory_space<hbm>>
    %dma_start3A_13 = tpu.memref_squeeze %dma_start3A_12 : memref<1x1x40x128xi32, #tpu.memory_space<hbm>> -> memref<40x128xi32, #tpu.memory_space<hbm>>
    tpu.enqueue_dma source(%dma_start3A_13 : memref<40x128xi32, #tpu.memory_space<hbm>>) target(%arg7 : memref<40x128xi32, #tpu.memory_space<vmem>>) target_semaphore(%arg14 : memref<!tpu.dma_semaphore, #tpu.memory_space<semaphore_mem>>)
    %dma_start3A_14 = arith.constant 0 : i32
    %dma_start3A_15 = arith.constant 0 : i32
    %dma_start3A_16 = tpu.memref_slice %arg4[%arg0, %arg1, %dma_start3A_14, %dma_start3A_15] : memref<2x16x80x128xi32, #tpu.memory_space<hbm>> -> memref<1x1x40x128xi32, #tpu.memory_space<hbm>>
    %dma_start3A_17 = tpu.memref_squeeze %dma_start3A_16 : memref<1x1x40x128xi32, #tpu.memory_space<hbm>> -> memref<40x128xi32, #tpu.memory_space<hbm>>
    %dma_start3A_18 = arith.constant 0 : i32
    %dma_start3A_19 = arith.constant 0 : i32
    %dma_start3A_20 = tpu.memref_slice %arg4[%arg0, %arg1, %dma_start3A_18, %dma_start3A_19] : memref<2x16x80x128xi32, #tpu.memory_space<hbm>> -> memref<1x1x40x128xi32, #tpu.memory_space<hbm>>
    %dma_start3A_21 = tpu.memref_squeeze %dma_start3A_20 : memref<1x1x40x128xi32, #tpu.memory_space<hbm>> -> memref<40x128xi32, #tpu.memory_space<hbm>>
    tpu.enqueue_dma source(%dma_start3A_21 : memref<40x128xi32, #tpu.memory_space<hbm>>) target(%arg8 : memref<40x128xi32, #tpu.memory_space<vmem>>) target_semaphore(%arg15 : memref<!tpu.dma_semaphore, #tpu.memory_space<semaphore_mem>>)
    %dma_wait3A = arith.constant 0 : i32
    %dma_wait3A_22 = arith.constant 0 : i32
    %dma_wait3A_23 = tpu.memref_slice %arg3[%arg0, %arg1, %dma_wait3A, %dma_wait3A_22] : memref<2x16x80x128xi32, #tpu.memory_space<hbm>> -> memref<1x1x40x128xi32, #tpu.memory_space<hbm>>
    %dma_wait3A_24 = tpu.memref_squeeze %dma_wait3A_23 : memref<1x1x40x128xi32, #tpu.memory_space<hbm>> -> memref<40x128xi32, #tpu.memory_space<hbm>>
    %dma_wait3A_25 = arith.constant 0 : i32
    %dma_wait3A_26 = arith.constant 0 : i32
    %dma_wait3A_27 = tpu.memref_slice %arg3[%arg0, %arg1, %dma_wait3A_25, %dma_wait3A_26] : memref<2x16x80x128xi32, #tpu.memory_space<hbm>> -> memref<1x1x40x128xi32, #tpu.memory_space<hbm>>
    %dma_wait3A_28 = tpu.memref_squeeze %dma_wait3A_27 : memref<1x1x40x128xi32, #tpu.memory_space<hbm>> -> memref<40x128xi32, #tpu.memory_space<hbm>>
    tpu.wait_dma2 semaphore(%arg14 : memref<!tpu.dma_semaphore, #tpu.memory_space<semaphore_mem>>) src(%dma_wait3A_28 : memref<40x128xi32, #tpu.memory_space<hbm>>) dst(%arg7 : memref<40x128xi32, #tpu.memory_space<vmem>>)
    %dma_wait3A_29 = arith.constant 0 : i32
    %dma_wait3A_30 = arith.constant 0 : i32
    %dma_wait3A_31 = tpu.memref_slice %arg4[%arg0, %arg1, %dma_wait3A_29, %dma_wait3A_30] : memref<2x16x80x128xi32, #tpu.memory_space<hbm>> -> memref<1x1x40x128xi32, #tpu.memory_space<hbm>>
    %dma_wait3A_32 = tpu.memref_squeeze %dma_wait3A_31 : memref<1x1x40x128xi32, #tpu.memory_space<hbm>> -> memref<40x128xi32, #tpu.memory_space<hbm>>
    %dma_wait3A_33 = arith.constant 0 : i32
    %dma_wait3A_34 = arith.constant 0 : i32
    %dma_wait3A_35 = tpu.memref_slice %arg4[%arg0, %arg1, %dma_wait3A_33, %dma_wait3A_34] : memref<2x16x80x128xi32, #tpu.memory_space<hbm>> -> memref<1x1x40x128xi32, #tpu.memory_space<hbm>>
    %dma_wait3A_36 = tpu.memref_squeeze %dma_wait3A_35 : memref<1x1x40x128xi32, #tpu.memory_space<hbm>> -> memref<40x128xi32, #tpu.memory_space<hbm>>
    tpu.wait_dma2 semaphore(%arg15 : memref<!tpu.dma_semaphore, #tpu.memory_space<semaphore_mem>>) src(%dma_wait3A_36 : memref<40x128xi32, #tpu.memory_space<hbm>>) dst(%arg8 : memref<40x128xi32, #tpu.memory_space<vmem>>)
    %dma_wait3A_37 = arith.constant 0 : i32
    %dma_wait3A_38 = tpu.memref_slice %arg11[%mul3A_2, %dma_wait3A_37] : memref<10368x128xf32, #tpu.memory_space<vmem_shared>> -> memref<648x128xf32, #tpu.memory_space<vmem_shared>>
    %dma_wait3A_39 = arith.constant 0 : i32
    %dma_wait3A_40 = tpu.memref_slice %arg5[%mul3A_0, %dma_wait3A_39] : memref<10368x128xf32, #tpu.memory_space<hbm>> -> memref<648x128xf32, #tpu.memory_space<hbm>>
    tpu.wait_dma2 semaphore(%arg12 : memref<!tpu.dma_semaphore, #tpu.memory_space<semaphore_mem>>) src(%dma_wait3A_40 : memref<648x128xf32, #tpu.memory_space<hbm>>) dst(%dma_wait3A_38 : memref<648x128xf32, #tpu.memory_space<vmem_shared>>)
    %barrier3A = arith.constant 0 : index
    tpu.barrier barrier_id(%barrier3A)
    %dma_start3A_41 = arith.constant 0 : i32
    %dma_start3A_42 = arith.constant 0 : i32
    %dma_start3A_43 = tpu.memref_slice %arg7[%dma_start3A_41, %dma_start3A_42] : memref<40x128xi32, #tpu.memory_space<vmem>> -> memref<1x128xi32, #tpu.memory_space<vmem>>
    %dma_start3A_44 = tpu.memref_squeeze %dma_start3A_43 : memref<1x128xi32, #tpu.memory_space<vmem>> -> memref<128xi32, #tpu.memory_space<vmem>>
    %dma_start3A_45 = arith.constant 0 : i32
    %dma_start3A_46 = arith.constant 0 : i32
    %dma_start3A_47 = tpu.memref_slice %arg2[%dma_start3A_45, %dma_start3A_46] : memref<20480x128xf32, #tpu.memory_space<hbm>> -> memref<20480x128xf32, #tpu.memory_space<hbm>>
    tpu.enqueue_indirect_dma source(%dma_start3A_47 : memref<20480x128xf32, #tpu.memory_space<hbm>>) target(%arg9 : memref<128x128xf32, #tpu.memory_space<vmem>>) offsets(%dma_start3A_44 : memref<128xi32, #tpu.memory_space<vmem>>) semaphore(%arg12 : memref<!tpu.dma_semaphore, #tpu.memory_space<semaphore_mem>>)
    %dma_start3A_48 = arith.constant 1 : i32
    %dma_start3A_49 = arith.constant 0 : i32
    %dma_start3A_50 = tpu.memref_slice %arg7[%dma_start3A_48, %dma_start3A_49] : memref<40x128xi32, #tpu.memory_space<vmem>> -> memref<1x128xi32, #tpu.memory_space<vmem>>
    %dma_start3A_51 = tpu.memref_squeeze %dma_start3A_50 : memref<1x128xi32, #tpu.memory_space<vmem>> -> memref<128xi32, #tpu.memory_space<vmem>>
    %dma_start3A_52 = arith.constant 0 : i32
    %dma_start3A_53 = arith.constant 0 : i32
    %dma_start3A_54 = tpu.memref_slice %arg2[%dma_start3A_52, %dma_start3A_53] : memref<20480x128xf32, #tpu.memory_space<hbm>> -> memref<20480x128xf32, #tpu.memory_space<hbm>>
    tpu.enqueue_indirect_dma source(%dma_start3A_54 : memref<20480x128xf32, #tpu.memory_space<hbm>>) target(%arg10 : memref<128x128xf32, #tpu.memory_space<vmem>>) offsets(%dma_start3A_51 : memref<128xi32, #tpu.memory_space<vmem>>) semaphore(%arg13 : memref<!tpu.dma_semaphore, #tpu.memory_space<semaphore_mem>>)
    %scan3A = arith.constant 0 : i32
    %scan3A_55 = arith.constant 0 : i32
    %scan3A_56 = arith.constant 20 : i32
    %scan3A_57 = arith.addi %scan3A_55, %scan3A_56 : i32
    %scan3A_58 = arith.constant 1 : i32
    scf.for %scan3A_145 = %scan3A_55 to %scan3A_57 step %scan3A_58  : i32 {
      %mul3A_146 = arith.constant 2 : i32
      %mul3A_147 = arith.muli %scan3A_145, %mul3A_146 : i32
      %add3A = arith.constant 0 : i32
      %add3A_148 = arith.addi %mul3A_147, %add3A : i32
      %dma_wait3A_149 = arith.constant 0 : i32
      %dma_wait3A_150 = tpu.memref_slice %arg7[%add3A_148, %dma_wait3A_149] : memref<40x128xi32, #tpu.memory_space<vmem>> -> memref<1x128xi32, #tpu.memory_space<vmem>>
      %dma_wait3A_151 = tpu.memref_squeeze %dma_wait3A_150 : memref<1x128xi32, #tpu.memory_space<vmem>> -> memref<128xi32, #tpu.memory_space<vmem>>
      %dma_wait3A_152 = arith.constant 0 : i32
      %dma_wait3A_153 = arith.constant 0 : i32
      %dma_wait3A_154 = tpu.memref_slice %arg2[%dma_wait3A_152, %dma_wait3A_153] : memref<20480x128xf32, #tpu.memory_space<hbm>> -> memref<20480x128xf32, #tpu.memory_space<hbm>>
      tpu.wait_indirect_dma semaphore(%arg12 : memref<!tpu.dma_semaphore, #tpu.memory_space<semaphore_mem>>) src(%dma_wait3A_154 : memref<20480x128xf32, #tpu.memory_space<hbm>>) dst(%arg9 : memref<128x128xf32, #tpu.memory_space<vmem>>)
      %add3A_155 = arith.constant 0 : i32
      %add3A_156 = arith.addi %mul3A_147, %add3A_155 : i32
      %dma_start3A_157 = arith.constant 0 : i32
      %dma_start3A_158 = tpu.memref_slice %arg8[%add3A_156, %dma_start3A_157] : memref<40x128xi32, #tpu.memory_space<vmem>> -> memref<1x128xi32, #tpu.memory_space<vmem>>
      %dma_start3A_159 = tpu.memref_squeeze %dma_start3A_158 : memref<1x128xi32, #tpu.memory_space<vmem>> -> memref<128xi32, #tpu.memory_space<vmem>>
      %dma_start3A_160 = arith.constant 0 : i32
      %dma_start3A_161 = arith.constant 0 : i32
      %dma_start3A_162 = tpu.memref_slice %arg11[%dma_start3A_160, %dma_start3A_161] : memref<10368x128xf32, #tpu.memory_space<vmem_shared>> -> memref<10368x128xf32, #tpu.memory_space<vmem_shared>>
      tpu.enqueue_indirect_dma source(%arg9 : memref<128x128xf32, #tpu.memory_space<vmem>>) target(%dma_start3A_162 : memref<10368x128xf32, #tpu.memory_space<vmem_shared>>) offsets(%dma_start3A_159 : memref<128xi32, #tpu.memory_space<vmem>>) semaphore(%arg14 : memref<!tpu.dma_semaphore, #tpu.memory_space<semaphore_mem>>) {add = true}
      %add3A_163 = arith.constant 1 : i32
      %add3A_164 = arith.addi %mul3A_147, %add3A_163 : i32
      %dma_wait3A_165 = arith.constant 0 : i32
      %dma_wait3A_166 = tpu.memref_slice %arg7[%add3A_164, %dma_wait3A_165] : memref<40x128xi32, #tpu.memory_space<vmem>> -> memref<1x128xi32, #tpu.memory_space<vmem>>
      %dma_wait3A_167 = tpu.memref_squeeze %dma_wait3A_166 : memref<1x128xi32, #tpu.memory_space<vmem>> -> memref<128xi32, #tpu.memory_space<vmem>>
      %dma_wait3A_168 = arith.constant 0 : i32
      %dma_wait3A_169 = arith.constant 0 : i32
      %dma_wait3A_170 = tpu.memref_slice %arg2[%dma_wait3A_168, %dma_wait3A_169] : memref<20480x128xf32, #tpu.memory_space<hbm>> -> memref<20480x128xf32, #tpu.memory_space<hbm>>
      tpu.wait_indirect_dma semaphore(%arg13 : memref<!tpu.dma_semaphore, #tpu.memory_space<semaphore_mem>>) src(%dma_wait3A_170 : memref<20480x128xf32, #tpu.memory_space<hbm>>) dst(%arg10 : memref<128x128xf32, #tpu.memory_space<vmem>>)
      %add3A_171 = arith.constant 1 : i32
      %add3A_172 = arith.addi %mul3A_147, %add3A_171 : i32
      %dma_start3A_173 = arith.constant 0 : i32
      %dma_start3A_174 = tpu.memref_slice %arg8[%add3A_172, %dma_start3A_173] : memref<40x128xi32, #tpu.memory_space<vmem>> -> memref<1x128xi32, #tpu.memory_space<vmem>>
      %dma_start3A_175 = tpu.memref_squeeze %dma_start3A_174 : memref<1x128xi32, #tpu.memory_space<vmem>> -> memref<128xi32, #tpu.memory_space<vmem>>
      %dma_start3A_176 = arith.constant 0 : i32
      %dma_start3A_177 = arith.constant 0 : i32
      %dma_start3A_178 = tpu.memref_slice %arg11[%dma_start3A_176, %dma_start3A_177] : memref<10368x128xf32, #tpu.memory_space<vmem_shared>> -> memref<10368x128xf32, #tpu.memory_space<vmem_shared>>
      tpu.enqueue_indirect_dma source(%arg10 : memref<128x128xf32, #tpu.memory_space<vmem>>) target(%dma_start3A_178 : memref<10368x128xf32, #tpu.memory_space<vmem_shared>>) offsets(%dma_start3A_175 : memref<128xi32, #tpu.memory_space<vmem>>) semaphore(%arg15 : memref<!tpu.dma_semaphore, #tpu.memory_space<semaphore_mem>>) {add = true}
      %lt3A = arith.constant 19 : i32
      %lt3A_179 = arith.cmpi slt, %scan3A_145, %lt3A : i32
      %convert_element_type3A = arith.extui %lt3A_179 : i1 to i32
      %cond3A = arith.constant 0 : i32
      %cond3A_180 = arith.cmpi ne, %convert_element_type3A, %cond3A : i32
      scf.if %cond3A_180 {
        %add3A_181 = arith.constant 0 : i32
        %add3A_182 = arith.addi %mul3A_147, %add3A_181 : i32
        %dma_wait3A_183 = arith.constant 0 : i32
        %dma_wait3A_184 = tpu.memref_slice %arg8[%add3A_182, %dma_wait3A_183] : memref<40x128xi32, #tpu.memory_space<vmem>> -> memref<1x128xi32, #tpu.memory_space<vmem>>
        %dma_wait3A_185 = tpu.memref_squeeze %dma_wait3A_184 : memref<1x128xi32, #tpu.memory_space<vmem>> -> memref<128xi32, #tpu.memory_space<vmem>>
        %dma_wait3A_186 = arith.constant 0 : i32
        %dma_wait3A_187 = arith.constant 0 : i32
        %dma_wait3A_188 = tpu.memref_slice %arg11[%dma_wait3A_186, %dma_wait3A_187] : memref<10368x128xf32, #tpu.memory_space<vmem_shared>> -> memref<10368x128xf32, #tpu.memory_space<vmem_shared>>
        tpu.wait_indirect_dma semaphore(%arg14 : memref<!tpu.dma_semaphore, #tpu.memory_space<semaphore_mem>>) src(%arg9 : memref<128x128xf32, #tpu.memory_space<vmem>>) dst(%dma_wait3A_188 : memref<10368x128xf32, #tpu.memory_space<vmem_shared>>)
        %add3A_189 = arith.constant 2 : i32
        %add3A_190 = arith.addi %mul3A_147, %add3A_189 : i32
        %add3A_191 = arith.constant 0 : i32
        %add3A_192 = arith.addi %add3A_190, %add3A_191 : i32
        %dma_start3A_193 = arith.constant 0 : i32
        %dma_start3A_194 = tpu.memref_slice %arg7[%add3A_192, %dma_start3A_193] : memref<40x128xi32, #tpu.memory_space<vmem>> -> memref<1x128xi32, #tpu.memory_space<vmem>>
        %dma_start3A_195 = tpu.memref_squeeze %dma_start3A_194 : memref<1x128xi32, #tpu.memory_space<vmem>> -> memref<128xi32, #tpu.memory_space<vmem>>
        %dma_start3A_196 = arith.constant 0 : i32
        %dma_start3A_197 = arith.constant 0 : i32
        %dma_start3A_198 = tpu.memref_slice %arg2[%dma_start3A_196, %dma_start3A_197] : memref<20480x128xf32, #tpu.memory_space<hbm>> -> memref<20480x128xf32, #tpu.memory_space<hbm>>
        tpu.enqueue_indirect_dma source(%dma_start3A_198 : memref<20480x128xf32, #tpu.memory_space<hbm>>) target(%arg9 : memref<128x128xf32, #tpu.memory_space<vmem>>) offsets(%dma_start3A_195 : memref<128xi32, #tpu.memory_space<vmem>>) semaphore(%arg12 : memref<!tpu.dma_semaphore, #tpu.memory_space<semaphore_mem>>)
        %add3A_199 = arith.constant 1 : i32
        %add3A_200 = arith.addi %mul3A_147, %add3A_199 : i32
        %dma_wait3A_201 = arith.constant 0 : i32
        %dma_wait3A_202 = tpu.memref_slice %arg8[%add3A_200, %dma_wait3A_201] : memref<40x128xi32, #tpu.memory_space<vmem>> -> memref<1x128xi32, #tpu.memory_space<vmem>>
        %dma_wait3A_203 = tpu.memref_squeeze %dma_wait3A_202 : memref<1x128xi32, #tpu.memory_space<vmem>> -> memref<128xi32, #tpu.memory_space<vmem>>
        %dma_wait3A_204 = arith.constant 0 : i32
        %dma_wait3A_205 = arith.constant 0 : i32
        %dma_wait3A_206 = tpu.memref_slice %arg11[%dma_wait3A_204, %dma_wait3A_205] : memref<10368x128xf32, #tpu.memory_space<vmem_shared>> -> memref<10368x128xf32, #tpu.memory_space<vmem_shared>>
        tpu.wait_indirect_dma semaphore(%arg15 : memref<!tpu.dma_semaphore, #tpu.memory_space<semaphore_mem>>) src(%arg10 : memref<128x128xf32, #tpu.memory_space<vmem>>) dst(%dma_wait3A_206 : memref<10368x128xf32, #tpu.memory_space<vmem_shared>>)
        %add3A_207 = arith.constant 2 : i32
        %add3A_208 = arith.addi %mul3A_147, %add3A_207 : i32
        %add3A_209 = arith.constant 1 : i32
        %add3A_210 = arith.addi %add3A_208, %add3A_209 : i32
        %dma_start3A_211 = arith.constant 0 : i32
        %dma_start3A_212 = tpu.memref_slice %arg7[%add3A_210, %dma_start3A_211] : memref<40x128xi32, #tpu.memory_space<vmem>> -> memref<1x128xi32, #tpu.memory_space<vmem>>
        %dma_start3A_213 = tpu.memref_squeeze %dma_start3A_212 : memref<1x128xi32, #tpu.memory_space<vmem>> -> memref<128xi32, #tpu.memory_space<vmem>>
        %dma_start3A_214 = arith.constant 0 : i32
        %dma_start3A_215 = arith.constant 0 : i32
        %dma_start3A_216 = tpu.memref_slice %arg2[%dma_start3A_214, %dma_start3A_215] : memref<20480x128xf32, #tpu.memory_space<hbm>> -> memref<20480x128xf32, #tpu.memory_space<hbm>>
        tpu.enqueue_indirect_dma source(%dma_start3A_216 : memref<20480x128xf32, #tpu.memory_space<hbm>>) target(%arg10 : memref<128x128xf32, #tpu.memory_space<vmem>>) offsets(%dma_start3A_213 : memref<128xi32, #tpu.memory_space<vmem>>) semaphore(%arg13 : memref<!tpu.dma_semaphore, #tpu.memory_space<semaphore_mem>>)
      } else {
      }
    }
    %scan3A_59 = arith.constant 20 : i32
    %dma_wait3A_60 = arith.constant 38 : i32
    %dma_wait3A_61 = arith.constant 0 : i32
    %dma_wait3A_62 = tpu.memref_slice %arg8[%dma_wait3A_60, %dma_wait3A_61] : memref<40x128xi32, #tpu.memory_space<vmem>> -> memref<1x128xi32, #tpu.memory_space<vmem>>
    %dma_wait3A_63 = tpu.memref_squeeze %dma_wait3A_62 : memref<1x128xi32, #tpu.memory_space<vmem>> -> memref<128xi32, #tpu.memory_space<vmem>>
    %dma_wait3A_64 = arith.constant 0 : i32
    %dma_wait3A_65 = arith.constant 0 : i32
    %dma_wait3A_66 = tpu.memref_slice %arg11[%dma_wait3A_64, %dma_wait3A_65] : memref<10368x128xf32, #tpu.memory_space<vmem_shared>> -> memref<10368x128xf32, #tpu.memory_space<vmem_shared>>
    tpu.wait_indirect_dma semaphore(%arg14 : memref<!tpu.dma_semaphore, #tpu.memory_space<semaphore_mem>>) src(%arg9 : memref<128x128xf32, #tpu.memory_space<vmem>>) dst(%dma_wait3A_66 : memref<10368x128xf32, #tpu.memory_space<vmem_shared>>)
    %dma_wait3A_67 = arith.constant 39 : i32
    %dma_wait3A_68 = arith.constant 0 : i32
    %dma_wait3A_69 = tpu.memref_slice %arg8[%dma_wait3A_67, %dma_wait3A_68] : memref<40x128xi32, #tpu.memory_space<vmem>> -> memref<1x128xi32, #tpu.memory_space<vmem>>
    %dma_wait3A_70 = tpu.memref_squeeze %dma_wait3A_69 : memref<1x128xi32, #tpu.memory_space<vmem>> -> memref<128xi32, #tpu.memory_space<vmem>>
    %dma_wait3A_71 = arith.constant 0 : i32
    %dma_wait3A_72 = arith.constant 0 : i32
    %dma_wait3A_73 = tpu.memref_slice %arg11[%dma_wait3A_71, %dma_wait3A_72] : memref<10368x128xf32, #tpu.memory_space<vmem_shared>> -> memref<10368x128xf32, #tpu.memory_space<vmem_shared>>
    tpu.wait_indirect_dma semaphore(%arg15 : memref<!tpu.dma_semaphore, #tpu.memory_space<semaphore_mem>>) src(%arg10 : memref<128x128xf32, #tpu.memory_space<vmem>>) dst(%dma_wait3A_73 : memref<10368x128xf32, #tpu.memory_space<vmem_shared>>)
    %dma_start3A_74 = arith.constant 40 : i32
    %dma_start3A_75 = arith.constant 0 : i32
    %dma_start3A_76 = tpu.memref_slice %arg3[%arg0, %arg1, %dma_start3A_74, %dma_start3A_75] : memref<2x16x80x128xi32, #tpu.memory_space<hbm>> -> memref<1x1x40x128xi32, #tpu.memory_space<hbm>>
    %dma_start3A_77 = tpu.memref_squeeze %dma_start3A_76 : memref<1x1x40x128xi32, #tpu.memory_space<hbm>> -> memref<40x128xi32, #tpu.memory_space<hbm>>
    %dma_start3A_78 = arith.constant 40 : i32
    %dma_start3A_79 = arith.constant 0 : i32
    %dma_start3A_80 = tpu.memref_slice %arg3[%arg0, %arg1, %dma_start3A_78, %dma_start3A_79] : memref<2x16x80x128xi32, #tpu.memory_space<hbm>> -> memref<1x1x40x128xi32, #tpu.memory_space<hbm>>
    %dma_start3A_81 = tpu.memref_squeeze %dma_start3A_80 : memref<1x1x40x128xi32, #tpu.memory_space<hbm>> -> memref<40x128xi32, #tpu.memory_space<hbm>>
    tpu.enqueue_dma source(%dma_start3A_81 : memref<40x128xi32, #tpu.memory_space<hbm>>) target(%arg7 : memref<40x128xi32, #tpu.memory_space<vmem>>) target_semaphore(%arg14 : memref<!tpu.dma_semaphore, #tpu.memory_space<semaphore_mem>>)
    %dma_start3A_82 = arith.constant 40 : i32
    %dma_start3A_83 = arith.constant 0 : i32
    %dma_start3A_84 = tpu.memref_slice %arg4[%arg0, %arg1, %dma_start3A_82, %dma_start3A_83] : memref<2x16x80x128xi32, #tpu.memory_space<hbm>> -> memref<1x1x40x128xi32, #tpu.memory_space<hbm>>
    %dma_start3A_85 = tpu.memref_squeeze %dma_start3A_84 : memref<1x1x40x128xi32, #tpu.memory_space<hbm>> -> memref<40x128xi32, #tpu.memory_space<hbm>>
    %dma_start3A_86 = arith.constant 40 : i32
    %dma_start3A_87 = arith.constant 0 : i32
    %dma_start3A_88 = tpu.memref_slice %arg4[%arg0, %arg1, %dma_start3A_86, %dma_start3A_87] : memref<2x16x80x128xi32, #tpu.memory_space<hbm>> -> memref<1x1x40x128xi32, #tpu.memory_space<hbm>>
    %dma_start3A_89 = tpu.memref_squeeze %dma_start3A_88 : memref<1x1x40x128xi32, #tpu.memory_space<hbm>> -> memref<40x128xi32, #tpu.memory_space<hbm>>
    tpu.enqueue_dma source(%dma_start3A_89 : memref<40x128xi32, #tpu.memory_space<hbm>>) target(%arg8 : memref<40x128xi32, #tpu.memory_space<vmem>>) target_semaphore(%arg15 : memref<!tpu.dma_semaphore, #tpu.memory_space<semaphore_mem>>)
    %dma_wait3A_90 = arith.constant 40 : i32
    %dma_wait3A_91 = arith.constant 0 : i32
    %dma_wait3A_92 = tpu.memref_slice %arg3[%arg0, %arg1, %dma_wait3A_90, %dma_wait3A_91] : memref<2x16x80x128xi32, #tpu.memory_space<hbm>> -> memref<1x1x40x128xi32, #tpu.memory_space<hbm>>
    %dma_wait3A_93 = tpu.memref_squeeze %dma_wait3A_92 : memref<1x1x40x128xi32, #tpu.memory_space<hbm>> -> memref<40x128xi32, #tpu.memory_space<hbm>>
    %dma_wait3A_94 = arith.constant 40 : i32
    %dma_wait3A_95 = arith.constant 0 : i32
    %dma_wait3A_96 = tpu.memref_slice %arg3[%arg0, %arg1, %dma_wait3A_94, %dma_wait3A_95] : memref<2x16x80x128xi32, #tpu.memory_space<hbm>> -> memref<1x1x40x128xi32, #tpu.memory_space<hbm>>
    %dma_wait3A_97 = tpu.memref_squeeze %dma_wait3A_96 : memref<1x1x40x128xi32, #tpu.memory_space<hbm>> -> memref<40x128xi32, #tpu.memory_space<hbm>>
    tpu.wait_dma2 semaphore(%arg14 : memref<!tpu.dma_semaphore, #tpu.memory_space<semaphore_mem>>) src(%dma_wait3A_97 : memref<40x128xi32, #tpu.memory_space<hbm>>) dst(%arg7 : memref<40x128xi32, #tpu.memory_space<vmem>>)
    %dma_wait3A_98 = arith.constant 40 : i32
    %dma_wait3A_99 = arith.constant 0 : i32
    %dma_wait3A_100 = tpu.memref_slice %arg4[%arg0, %arg1, %dma_wait3A_98, %dma_wait3A_99] : memref<2x16x80x128xi32, #tpu.memory_space<hbm>> -> memref<1x1x40x128xi32, #tpu.memory_space<hbm>>
    %dma_wait3A_101 = tpu.memref_squeeze %dma_wait3A_100 : memref<1x1x40x128xi32, #tpu.memory_space<hbm>> -> memref<40x128xi32, #tpu.memory_space<hbm>>
    %dma_wait3A_102 = arith.constant 40 : i32
    %dma_wait3A_103 = arith.constant 0 : i32
    %dma_wait3A_104 = tpu.memref_slice %arg4[%arg0, %arg1, %dma_wait3A_102, %dma_wait3A_103] : memref<2x16x80x128xi32, #tpu.memory_space<hbm>> -> memref<1x1x40x128xi32, #tpu.memory_space<hbm>>
    %dma_wait3A_105 = tpu.memref_squeeze %dma_wait3A_104 : memref<1x1x40x128xi32, #tpu.memory_space<hbm>> -> memref<40x128xi32, #tpu.memory_space<hbm>>
    tpu.wait_dma2 semaphore(%arg15 : memref<!tpu.dma_semaphore, #tpu.memory_space<semaphore_mem>>) src(%dma_wait3A_105 : memref<40x128xi32, #tpu.memory_space<hbm>>) dst(%arg8 : memref<40x128xi32, #tpu.memory_space<vmem>>)
    %dma_start3A_106 = arith.constant 0 : i32
    %dma_start3A_107 = arith.constant 0 : i32
    %dma_start3A_108 = tpu.memref_slice %arg7[%dma_start3A_106, %dma_start3A_107] : memref<40x128xi32, #tpu.memory_space<vmem>> -> memref<1x128xi32, #tpu.memory_space<vmem>>
    %dma_start3A_109 = tpu.memref_squeeze %dma_start3A_108 : memref<1x128xi32, #tpu.memory_space<vmem>> -> memref<128xi32, #tpu.memory_space<vmem>>
    %dma_start3A_110 = arith.constant 0 : i32
    %dma_start3A_111 = arith.constant 0 : i32
    %dma_start3A_112 = tpu.memref_slice %arg2[%dma_start3A_110, %dma_start3A_111] : memref<20480x128xf32, #tpu.memory_space<hbm>> -> memref<20480x128xf32, #tpu.memory_space<hbm>>
    tpu.enqueue_indirect_dma source(%dma_start3A_112 : memref<20480x128xf32, #tpu.memory_space<hbm>>) target(%arg9 : memref<128x128xf32, #tpu.memory_space<vmem>>) offsets(%dma_start3A_109 : memref<128xi32, #tpu.memory_space<vmem>>) semaphore(%arg12 : memref<!tpu.dma_semaphore, #tpu.memory_space<semaphore_mem>>)
    %dma_start3A_113 = arith.constant 1 : i32
    %dma_start3A_114 = arith.constant 0 : i32
    %dma_start3A_115 = tpu.memref_slice %arg7[%dma_start3A_113, %dma_start3A_114] : memref<40x128xi32, #tpu.memory_space<vmem>> -> memref<1x128xi32, #tpu.memory_space<vmem>>
    %dma_start3A_116 = tpu.memref_squeeze %dma_start3A_115 : memref<1x128xi32, #tpu.memory_space<vmem>> -> memref<128xi32, #tpu.memory_space<vmem>>
    %dma_start3A_117 = arith.constant 0 : i32
    %dma_start3A_118 = arith.constant 0 : i32
    %dma_start3A_119 = tpu.memref_slice %arg2[%dma_start3A_117, %dma_start3A_118] : memref<20480x128xf32, #tpu.memory_space<hbm>> -> memref<20480x128xf32, #tpu.memory_space<hbm>>
    tpu.enqueue_indirect_dma source(%dma_start3A_119 : memref<20480x128xf32, #tpu.memory_space<hbm>>) target(%arg10 : memref<128x128xf32, #tpu.memory_space<vmem>>) offsets(%dma_start3A_116 : memref<128xi32, #tpu.memory_space<vmem>>) semaphore(%arg13 : memref<!tpu.dma_semaphore, #tpu.memory_space<semaphore_mem>>)
    %scan3A_120 = arith.constant 0 : i32
    %scan3A_121 = arith.constant 0 : i32
    %scan3A_122 = arith.constant 20 : i32
    %scan3A_123 = arith.addi %scan3A_121, %scan3A_122 : i32
    %scan3A_124 = arith.constant 1 : i32
    scf.for %scan3A_145 = %scan3A_121 to %scan3A_123 step %scan3A_124  : i32 {
      %mul3A_146 = arith.constant 2 : i32
      %mul3A_147 = arith.muli %scan3A_145, %mul3A_146 : i32
      %add3A = arith.constant 0 : i32
      %add3A_148 = arith.addi %mul3A_147, %add3A : i32
      %dma_wait3A_149 = arith.constant 0 : i32
      %dma_wait3A_150 = tpu.memref_slice %arg7[%add3A_148, %dma_wait3A_149] : memref<40x128xi32, #tpu.memory_space<vmem>> -> memref<1x128xi32, #tpu.memory_space<vmem>>
      %dma_wait3A_151 = tpu.memref_squeeze %dma_wait3A_150 : memref<1x128xi32, #tpu.memory_space<vmem>> -> memref<128xi32, #tpu.memory_space<vmem>>
      %dma_wait3A_152 = arith.constant 0 : i32
      %dma_wait3A_153 = arith.constant 0 : i32
      %dma_wait3A_154 = tpu.memref_slice %arg2[%dma_wait3A_152, %dma_wait3A_153] : memref<20480x128xf32, #tpu.memory_space<hbm>> -> memref<20480x128xf32, #tpu.memory_space<hbm>>
      tpu.wait_indirect_dma semaphore(%arg12 : memref<!tpu.dma_semaphore, #tpu.memory_space<semaphore_mem>>) src(%dma_wait3A_154 : memref<20480x128xf32, #tpu.memory_space<hbm>>) dst(%arg9 : memref<128x128xf32, #tpu.memory_space<vmem>>)
      %add3A_155 = arith.constant 0 : i32
      %add3A_156 = arith.addi %mul3A_147, %add3A_155 : i32
      %dma_start3A_157 = arith.constant 0 : i32
      %dma_start3A_158 = tpu.memref_slice %arg8[%add3A_156, %dma_start3A_157] : memref<40x128xi32, #tpu.memory_space<vmem>> -> memref<1x128xi32, #tpu.memory_space<vmem>>
      %dma_start3A_159 = tpu.memref_squeeze %dma_start3A_158 : memref<1x128xi32, #tpu.memory_space<vmem>> -> memref<128xi32, #tpu.memory_space<vmem>>
      %dma_start3A_160 = arith.constant 0 : i32
      %dma_start3A_161 = arith.constant 0 : i32
      %dma_start3A_162 = tpu.memref_slice %arg11[%dma_start3A_160, %dma_start3A_161] : memref<10368x128xf32, #tpu.memory_space<vmem_shared>> -> memref<10368x128xf32, #tpu.memory_space<vmem_shared>>
      tpu.enqueue_indirect_dma source(%arg9 : memref<128x128xf32, #tpu.memory_space<vmem>>) target(%dma_start3A_162 : memref<10368x128xf32, #tpu.memory_space<vmem_shared>>) offsets(%dma_start3A_159 : memref<128xi32, #tpu.memory_space<vmem>>) semaphore(%arg14 : memref<!tpu.dma_semaphore, #tpu.memory_space<semaphore_mem>>) {add = true}
      %add3A_163 = arith.constant 1 : i32
      %add3A_164 = arith.addi %mul3A_147, %add3A_163 : i32
      %dma_wait3A_165 = arith.constant 0 : i32
      %dma_wait3A_166 = tpu.memref_slice %arg7[%add3A_164, %dma_wait3A_165] : memref<40x128xi32, #tpu.memory_space<vmem>> -> memref<1x128xi32, #tpu.memory_space<vmem>>
      %dma_wait3A_167 = tpu.memref_squeeze %dma_wait3A_166 : memref<1x128xi32, #tpu.memory_space<vmem>> -> memref<128xi32, #tpu.memory_space<vmem>>
      %dma_wait3A_168 = arith.constant 0 : i32
      %dma_wait3A_169 = arith.constant 0 : i32
      %dma_wait3A_170 = tpu.memref_slice %arg2[%dma_wait3A_168, %dma_wait3A_169] : memref<20480x128xf32, #tpu.memory_space<hbm>> -> memref<20480x128xf32, #tpu.memory_space<hbm>>
      tpu.wait_indirect_dma semaphore(%arg13 : memref<!tpu.dma_semaphore, #tpu.memory_space<semaphore_mem>>) src(%dma_wait3A_170 : memref<20480x128xf32, #tpu.memory_space<hbm>>) dst(%arg10 : memref<128x128xf32, #tpu.memory_space<vmem>>)
      %add3A_171 = arith.constant 1 : i32
      %add3A_172 = arith.addi %mul3A_147, %add3A_171 : i32
      %dma_start3A_173 = arith.constant 0 : i32
      %dma_start3A_174 = tpu.memref_slice %arg8[%add3A_172, %dma_start3A_173] : memref<40x128xi32, #tpu.memory_space<vmem>> -> memref<1x128xi32, #tpu.memory_space<vmem>>
      %dma_start3A_175 = tpu.memref_squeeze %dma_start3A_174 : memref<1x128xi32, #tpu.memory_space<vmem>> -> memref<128xi32, #tpu.memory_space<vmem>>
      %dma_start3A_176 = arith.constant 0 : i32
      %dma_start3A_177 = arith.constant 0 : i32
      %dma_start3A_178 = tpu.memref_slice %arg11[%dma_start3A_176, %dma_start3A_177] : memref<10368x128xf32, #tpu.memory_space<vmem_shared>> -> memref<10368x128xf32, #tpu.memory_space<vmem_shared>>
      tpu.enqueue_indirect_dma source(%arg10 : memref<128x128xf32, #tpu.memory_space<vmem>>) target(%dma_start3A_178 : memref<10368x128xf32, #tpu.memory_space<vmem_shared>>) offsets(%dma_start3A_175 : memref<128xi32, #tpu.memory_space<vmem>>) semaphore(%arg15 : memref<!tpu.dma_semaphore, #tpu.memory_space<semaphore_mem>>) {add = true}
      %lt3A = arith.constant 19 : i32
      %lt3A_179 = arith.cmpi slt, %scan3A_145, %lt3A : i32
      %convert_element_type3A = arith.extui %lt3A_179 : i1 to i32
      %cond3A = arith.constant 0 : i32
      %cond3A_180 = arith.cmpi ne, %convert_element_type3A, %cond3A : i32
      scf.if %cond3A_180 {
        %add3A_181 = arith.constant 0 : i32
        %add3A_182 = arith.addi %mul3A_147, %add3A_181 : i32
        %dma_wait3A_183 = arith.constant 0 : i32
        %dma_wait3A_184 = tpu.memref_slice %arg8[%add3A_182, %dma_wait3A_183] : memref<40x128xi32, #tpu.memory_space<vmem>> -> memref<1x128xi32, #tpu.memory_space<vmem>>
        %dma_wait3A_185 = tpu.memref_squeeze %dma_wait3A_184 : memref<1x128xi32, #tpu.memory_space<vmem>> -> memref<128xi32, #tpu.memory_space<vmem>>
        %dma_wait3A_186 = arith.constant 0 : i32
        %dma_wait3A_187 = arith.constant 0 : i32
        %dma_wait3A_188 = tpu.memref_slice %arg11[%dma_wait3A_186, %dma_wait3A_187] : memref<10368x128xf32, #tpu.memory_space<vmem_shared>> -> memref<10368x128xf32, #tpu.memory_space<vmem_shared>>
        tpu.wait_indirect_dma semaphore(%arg14 : memref<!tpu.dma_semaphore, #tpu.memory_space<semaphore_mem>>) src(%arg9 : memref<128x128xf32, #tpu.memory_space<vmem>>) dst(%dma_wait3A_188 : memref<10368x128xf32, #tpu.memory_space<vmem_shared>>)
        %add3A_189 = arith.constant 2 : i32
        %add3A_190 = arith.addi %mul3A_147, %add3A_189 : i32
        %add3A_191 = arith.constant 0 : i32
        %add3A_192 = arith.addi %add3A_190, %add3A_191 : i32
        %dma_start3A_193 = arith.constant 0 : i32
        %dma_start3A_194 = tpu.memref_slice %arg7[%add3A_192, %dma_start3A_193] : memref<40x128xi32, #tpu.memory_space<vmem>> -> memref<1x128xi32, #tpu.memory_space<vmem>>
        %dma_start3A_195 = tpu.memref_squeeze %dma_start3A_194 : memref<1x128xi32, #tpu.memory_space<vmem>> -> memref<128xi32, #tpu.memory_space<vmem>>
        %dma_start3A_196 = arith.constant 0 : i32
        %dma_start3A_197 = arith.constant 0 : i32
        %dma_start3A_198 = tpu.memref_slice %arg2[%dma_start3A_196, %dma_start3A_197] : memref<20480x128xf32, #tpu.memory_space<hbm>> -> memref<20480x128xf32, #tpu.memory_space<hbm>>
        tpu.enqueue_indirect_dma source(%dma_start3A_198 : memref<20480x128xf32, #tpu.memory_space<hbm>>) target(%arg9 : memref<128x128xf32, #tpu.memory_space<vmem>>) offsets(%dma_start3A_195 : memref<128xi32, #tpu.memory_space<vmem>>) semaphore(%arg12 : memref<!tpu.dma_semaphore, #tpu.memory_space<semaphore_mem>>)
        %add3A_199 = arith.constant 1 : i32
        %add3A_200 = arith.addi %mul3A_147, %add3A_199 : i32
        %dma_wait3A_201 = arith.constant 0 : i32
        %dma_wait3A_202 = tpu.memref_slice %arg8[%add3A_200, %dma_wait3A_201] : memref<40x128xi32, #tpu.memory_space<vmem>> -> memref<1x128xi32, #tpu.memory_space<vmem>>
        %dma_wait3A_203 = tpu.memref_squeeze %dma_wait3A_202 : memref<1x128xi32, #tpu.memory_space<vmem>> -> memref<128xi32, #tpu.memory_space<vmem>>
        %dma_wait3A_204 = arith.constant 0 : i32
        %dma_wait3A_205 = arith.constant 0 : i32
        %dma_wait3A_206 = tpu.memref_slice %arg11[%dma_wait3A_204, %dma_wait3A_205] : memref<10368x128xf32, #tpu.memory_space<vmem_shared>> -> memref<10368x128xf32, #tpu.memory_space<vmem_shared>>
        tpu.wait_indirect_dma semaphore(%arg15 : memref<!tpu.dma_semaphore, #tpu.memory_space<semaphore_mem>>) src(%arg10 : memref<128x128xf32, #tpu.memory_space<vmem>>) dst(%dma_wait3A_206 : memref<10368x128xf32, #tpu.memory_space<vmem_shared>>)
        %add3A_207 = arith.constant 2 : i32
        %add3A_208 = arith.addi %mul3A_147, %add3A_207 : i32
        %add3A_209 = arith.constant 1 : i32
        %add3A_210 = arith.addi %add3A_208, %add3A_209 : i32
        %dma_start3A_211 = arith.constant 0 : i32
        %dma_start3A_212 = tpu.memref_slice %arg7[%add3A_210, %dma_start3A_211] : memref<40x128xi32, #tpu.memory_space<vmem>> -> memref<1x128xi32, #tpu.memory_space<vmem>>
        %dma_start3A_213 = tpu.memref_squeeze %dma_start3A_212 : memref<1x128xi32, #tpu.memory_space<vmem>> -> memref<128xi32, #tpu.memory_space<vmem>>
        %dma_start3A_214 = arith.constant 0 : i32
        %dma_start3A_215 = arith.constant 0 : i32
        %dma_start3A_216 = tpu.memref_slice %arg2[%dma_start3A_214, %dma_start3A_215] : memref<20480x128xf32, #tpu.memory_space<hbm>> -> memref<20480x128xf32, #tpu.memory_space<hbm>>
        tpu.enqueue_indirect_dma source(%dma_start3A_216 : memref<20480x128xf32, #tpu.memory_space<hbm>>) target(%arg10 : memref<128x128xf32, #tpu.memory_space<vmem>>) offsets(%dma_start3A_213 : memref<128xi32, #tpu.memory_space<vmem>>) semaphore(%arg13 : memref<!tpu.dma_semaphore, #tpu.memory_space<semaphore_mem>>)
      } else {
      }
    }
    %scan3A_125 = arith.constant 20 : i32
    %dma_wait3A_126 = arith.constant 38 : i32
    %dma_wait3A_127 = arith.constant 0 : i32
    %dma_wait3A_128 = tpu.memref_slice %arg8[%dma_wait3A_126, %dma_wait3A_127] : memref<40x128xi32, #tpu.memory_space<vmem>> -> memref<1x128xi32, #tpu.memory_space<vmem>>
    %dma_wait3A_129 = tpu.memref_squeeze %dma_wait3A_128 : memref<1x128xi32, #tpu.memory_space<vmem>> -> memref<128xi32, #tpu.memory_space<vmem>>
    %dma_wait3A_130 = arith.constant 0 : i32
    %dma_wait3A_131 = arith.constant 0 : i32
    %dma_wait3A_132 = tpu.memref_slice %arg11[%dma_wait3A_130, %dma_wait3A_131] : memref<10368x128xf32, #tpu.memory_space<vmem_shared>> -> memref<10368x128xf32, #tpu.memory_space<vmem_shared>>
    tpu.wait_indirect_dma semaphore(%arg14 : memref<!tpu.dma_semaphore, #tpu.memory_space<semaphore_mem>>) src(%arg9 : memref<128x128xf32, #tpu.memory_space<vmem>>) dst(%dma_wait3A_132 : memref<10368x128xf32, #tpu.memory_space<vmem_shared>>)
    %dma_wait3A_133 = arith.constant 39 : i32
    %dma_wait3A_134 = arith.constant 0 : i32
    %dma_wait3A_135 = tpu.memref_slice %arg8[%dma_wait3A_133, %dma_wait3A_134] : memref<40x128xi32, #tpu.memory_space<vmem>> -> memref<1x128xi32, #tpu.memory_space<vmem>>
    %dma_wait3A_136 = tpu.memref_squeeze %dma_wait3A_135 : memref<1x128xi32, #tpu.memory_space<vmem>> -> memref<128xi32, #tpu.memory_space<vmem>>
    %dma_wait3A_137 = arith.constant 0 : i32
    %dma_wait3A_138 = arith.constant 0 : i32
    %dma_wait3A_139 = tpu.memref_slice %arg11[%dma_wait3A_137, %dma_wait3A_138] : memref<10368x128xf32, #tpu.memory_space<vmem_shared>> -> memref<10368x128xf32, #tpu.memory_space<vmem_shared>>
    tpu.wait_indirect_dma semaphore(%arg15 : memref<!tpu.dma_semaphore, #tpu.memory_space<semaphore_mem>>) src(%arg10 : memref<128x128xf32, #tpu.memory_space<vmem>>) dst(%dma_wait3A_139 : memref<10368x128xf32, #tpu.memory_space<vmem_shared>>)
    %barrier3A_140 = arith.constant 0 : index
    tpu.barrier barrier_id(%barrier3A_140)
    %mul3A_141 = arith.constant 640 : i32
    %mul3A_142 = arith.muli %arg1, %mul3A_141 : i32
    %mul3A_143 = arith.constant 640 : i32
    %mul3A_144 = arith.muli %arg1, %mul3A_143 : i32
    "tpu.region"() ({
      %run_scoped3A = tpu.sem_alloc : memref<!tpu.dma_semaphore, #tpu.memory_space<semaphore_mem>>
      %dma_start3A_145 = arith.constant 0 : i32
      %dma_start3A_146 = tpu.memref_slice %arg6[%arg0, %mul3A_144, %dma_start3A_145] : memref<2x10240x128xf32, #tpu.memory_space<hbm>> -> memref<1x640x128xf32, #tpu.memory_space<hbm>>
      %dma_start3A_147 = tpu.memref_squeeze %dma_start3A_146 : memref<1x640x128xf32, #tpu.memory_space<hbm>> -> memref<640x128xf32, #tpu.memory_space<hbm>>
      %dma_start3A_148 = arith.constant 0 : i32
      %dma_start3A_149 = tpu.memref_slice %arg11[%mul3A_142, %dma_start3A_148] : memref<10368x128xf32, #tpu.memory_space<vmem_shared>> -> memref<640x128xf32, #tpu.memory_space<vmem_shared>>
      tpu.enqueue_dma source(%dma_start3A_149 : memref<640x128xf32, #tpu.memory_space<vmem_shared>>) target(%dma_start3A_147 : memref<640x128xf32, #tpu.memory_space<hbm>>) target_semaphore(%run_scoped3A : memref<!tpu.dma_semaphore, #tpu.memory_space<semaphore_mem>>)
      %dma_wait3A_150 = arith.constant 0 : i32
      %dma_wait3A_151 = tpu.memref_slice %arg6[%arg0, %mul3A_144, %dma_wait3A_150] : memref<2x10240x128xf32, #tpu.memory_space<hbm>> -> memref<1x640x128xf32, #tpu.memory_space<hbm>>
      %dma_wait3A_152 = tpu.memref_squeeze %dma_wait3A_151 : memref<1x640x128xf32, #tpu.memory_space<hbm>> -> memref<640x128xf32, #tpu.memory_space<hbm>>
      %dma_wait3A_153 = arith.constant 0 : i32
      %dma_wait3A_154 = tpu.memref_slice %arg11[%mul3A_142, %dma_wait3A_153] : memref<10368x128xf32, #tpu.memory_space<vmem_shared>> -> memref<640x128xf32, #tpu.memory_space<vmem_shared>>
      tpu.wait_dma2 semaphore(%run_scoped3A : memref<!tpu.dma_semaphore, #tpu.memory_space<semaphore_mem>>) src(%dma_wait3A_154 : memref<640x128xf32, #tpu.memory_space<vmem_shared>>) dst(%dma_wait3A_152 : memref<640x128xf32, #tpu.memory_space<hbm>>)
      tpu.yield
    }) : () -> ()
    return
  }
}

module attributes {stable_mosaic.version = 14 : i64} {
  func.func @_tcv_body(%arg0: i32, %arg1: memref<1024x256xf32, #tpu.memory_space<vmem>>, %arg2: memref<2x1024x128xf32, #tpu.memory_space<vmem>>, %arg3: memref<2x1024x128xf32, #tpu.memory_space<vmem>>, %arg4: memref<1x1024xf32, #tpu.memory_space<vmem>>) attributes {dimension_semantics = [#tpu.dimension_semantics<arbitrary>], iteration_bounds = array<i64: 10>, scalar_prefetch = 0 : i64, scratch_operands = 0 : i64, tpu.core_type = #tpu.core_type<tc>, window_params = [{transform_indices = @transform_0, window_bounds = array<i64: 1024, 256>}, {transform_indices = @transform_1, window_bounds = array<i64: 2, 1024, 128>}, {transform_indices = @transform_2, window_bounds = array<i64: 2, 1024, 128>}, {transform_indices = @transform_3, window_bounds = array<i64: 1, 1024>}]} {
    %get3A = arith.constant 0 : index
    %get3A_0 = arith.constant 0 : index
    %get3A_1 = arith.constant 0 : index
    %get3A_2 = vector.load %arg2[%get3A, %get3A_0, %get3A_1] : memref<2x1024x128xf32, #tpu.memory_space<vmem>>, vector<1x1024x1xf32>
    %get3A_3 = vector.shape_cast %get3A_2 : vector<1x1024x1xf32> to vector<1024x1xf32>
    %get3A_4 = arith.constant 1 : index
    %get3A_5 = arith.constant 0 : index
    %get3A_6 = arith.constant 0 : index
    %get3A_7 = vector.load %arg2[%get3A_4, %get3A_5, %get3A_6] : memref<2x1024x128xf32, #tpu.memory_space<vmem>>, vector<1x1024x1xf32>
    %get3A_8 = vector.shape_cast %get3A_7 : vector<1x1024x1xf32> to vector<1024x1xf32>
    %add3A = arith.addf %get3A_3, %get3A_8 : vector<1024x1xf32>
    %add3A_9 = arith.constant 1.000000e+00 : f32
    %add3A_10 = vector.broadcast %add3A_9 : f32 to vector<1024x1xf32>
    %add3A_11 = arith.addf %add3A, %add3A_10 : vector<1024x1xf32>
    %max3A = arith.constant 1.000000e+00 : f32
    %max3A_12 = vector.broadcast %max3A : f32 to vector<1024x1xf32>
    %max3A_13 = arith.maximumf %add3A_11, %max3A_12 : vector<1024x1xf32>
    %rsqrt3A = math.rsqrt %max3A_13 : vector<1024x1xf32>
    %get3A_14 = arith.constant 0 : index
    %get3A_15 = arith.constant 0 : index
    %get3A_16 = vector.load %arg1[%get3A_14, %get3A_15] : memref<1024x256xf32, #tpu.memory_space<vmem>>, vector<1024x256xf32>
    %mul3A = vector.broadcast %rsqrt3A : vector<1024x1xf32> to vector<1024x256xf32>
    %mul3A_17 = arith.mulf %get3A_16, %mul3A : vector<1024x256xf32>
    %slice3A = vector.extract_strided_slice %mul3A_17 {offsets = [0, 0], sizes = [1024, 128], strides = [1, 1]} : vector<1024x256xf32> to vector<1024x128xf32>
    %swap3A = arith.constant 0 : index
    %swap3A_18 = arith.constant 0 : index
    %swap3A_19 = arith.constant 0 : index
    %swap3A_20 = vector.load %arg3[%swap3A, %swap3A_18, %swap3A_19] : memref<2x1024x128xf32, #tpu.memory_space<vmem>>, vector<1x1024x128xf32>
    %swap3A_21 = vector.shape_cast %swap3A_20 : vector<1x1024x128xf32> to vector<1024x128xf32>
    %swap3A_22 = vector.shape_cast %slice3A : vector<1024x128xf32> to vector<1x1024x128xf32>
    tpu.vector_store %arg3[%swap3A, %swap3A_18, %swap3A_19], %swap3A_22 {strides = array<i32>} : memref<2x1024x128xf32, #tpu.memory_space<vmem>>, vector<1x1024x128xf32>,
    %slice3A_23 = vector.extract_strided_slice %mul3A_17 {offsets = [0, 128], sizes = [1024, 128], strides = [1, 1]} : vector<1024x256xf32> to vector<1024x128xf32>
    %swap3A_24 = arith.constant 1 : index
    %swap3A_25 = arith.constant 0 : index
    %swap3A_26 = arith.constant 0 : index
    %swap3A_27 = vector.load %arg3[%swap3A_24, %swap3A_25, %swap3A_26] : memref<2x1024x128xf32, #tpu.memory_space<vmem>>, vector<1x1024x128xf32>
    %swap3A_28 = vector.shape_cast %swap3A_27 : vector<1x1024x128xf32> to vector<1024x128xf32>
    %swap3A_29 = vector.shape_cast %slice3A_23 : vector<1024x128xf32> to vector<1x1024x128xf32>
    tpu.vector_store %arg3[%swap3A_24, %swap3A_25, %swap3A_26], %swap3A_29 {strides = array<i32>} : memref<2x1024x128xf32, #tpu.memory_space<vmem>>, vector<1x1024x128xf32>,
    %reshape3A = vector.shape_cast %rsqrt3A : vector<1024x1xf32> to vector<1x1024xf32>
    %swap3A_30 = arith.constant 0 : index
    %swap3A_31 = arith.constant 0 : index
    %swap3A_32 = vector.load %arg4[%swap3A_30, %swap3A_31] : memref<1x1024xf32, #tpu.memory_space<vmem>>, vector<1x1024xf32>
    tpu.vector_store %arg4[%swap3A_30, %swap3A_31], %reshape3A {strides = array<i32>} : memref<1x1024xf32, #tpu.memory_space<vmem>>, vector<1x1024xf32>,
    return
  }
  func.func @transform_0(%arg0: i32) -> (i32, i32) {
    %c0_i32 = arith.constant 0 : i32
    %c0_i32_0 = arith.constant 0 : i32
    return %arg0, %c0_i32 : i32, i32
  }
  func.func @transform_1(%arg0: i32) -> (i32, i32, i32) {
    %c0_i32 = arith.constant 0 : i32
    %c0_i32_0 = arith.constant 0 : i32
    %c0_i32_1 = arith.constant 0 : i32
    return %c0_i32, %arg0, %c0_i32_0 : i32, i32, i32
  }
  func.func @transform_2(%arg0: i32) -> (i32, i32, i32) {
    %c0_i32 = arith.constant 0 : i32
    %c0_i32_0 = arith.constant 0 : i32
    %c0_i32_1 = arith.constant 0 : i32
    return %c0_i32, %arg0, %c0_i32_0 : i32, i32, i32
  }
  func.func @transform_3(%arg0: i32) -> (i32, i32) {
    %c0_i32 = arith.constant 0 : i32
    %c0_i32_0 = arith.constant 0 : i32
    return %c0_i32, %arg0 : i32, i32
  }
}

module attributes {stable_mosaic.version = 14 : i64} {
  func.func @_tc2_body(%arg0: i32, %arg1: memref<2x1024x128xf32, #tpu.memory_space<vmem>>, %arg2: memref<2x1024x128xf32, #tpu.memory_space<vmem>>, %arg3: memref<1x1024xf32, #tpu.memory_space<vmem>>, %arg4: memref<1x256xf32, #tpu.memory_space<vmem>>, %arg5: memref<256x256xf32, #tpu.memory_space<vmem>>, %arg6: memref<256x128xf32, #tpu.memory_space<vmem>>, %arg7: memref<2x1024x128xf32, #tpu.memory_space<vmem>>) attributes {dimension_semantics = [#tpu.dimension_semantics<arbitrary>], iteration_bounds = array<i64: 10>, scalar_prefetch = 0 : i64, scratch_operands = 0 : i64, tpu.core_type = #tpu.core_type<tc>, window_params = [{transform_indices = @transform_0, window_bounds = array<i64: 2, 1024, 128>}, {transform_indices = @transform_1, window_bounds = array<i64: 2, 1024, 128>}, {transform_indices = @transform_2, window_bounds = array<i64: 1, 1024>}, {pipeline_mode = #tpu.pipeline_mode<synchronous>, transform_indices = @transform_3, window_bounds = array<i64: 1, 256>}, {pipeline_mode = #tpu.pipeline_mode<synchronous>, transform_indices = @transform_4, window_bounds = array<i64: 256, 256>}, {pipeline_mode = #tpu.pipeline_mode<synchronous>, transform_indices = @transform_5, window_bounds = array<i64: 256, 128>}, {transform_indices = @transform_6, window_bounds = array<i64: 2, 1024, 128>}]} {
    %get3A = arith.constant 0 : index
    %get3A_0 = arith.constant 0 : index
    %get3A_1 = vector.load %arg3[%get3A, %get3A_0] : memref<1x1024xf32, #tpu.memory_space<vmem>>, vector<1x1024xf32>
    %reshape3A = vector.shape_cast %get3A_1 : vector<1x1024xf32> to vector<1024x1xf32>
    %get3A_2 = arith.constant 0 : index
    %get3A_3 = arith.constant 0 : index
    %get3A_4 = arith.constant 0 : index
    %get3A_5 = vector.load %arg1[%get3A_2, %get3A_3, %get3A_4] : memref<2x1024x128xf32, #tpu.memory_space<vmem>>, vector<1x1024x128xf32>
    %get3A_6 = vector.shape_cast %get3A_5 : vector<1x1024x128xf32> to vector<1024x128xf32>
    %get3A_7 = arith.constant 0 : index
    %get3A_8 = arith.constant 0 : index
    %get3A_9 = arith.constant 0 : index
    %get3A_10 = vector.load %arg2[%get3A_7, %get3A_8, %get3A_9] : memref<2x1024x128xf32, #tpu.memory_space<vmem>>, vector<1x1024x128xf32>
    %get3A_11 = vector.shape_cast %get3A_10 : vector<1x1024x128xf32> to vector<1024x128xf32>
    %add3A = arith.addf %get3A_6, %get3A_11 : vector<1024x128xf32>
    %get3A_12 = arith.constant 1 : index
    %get3A_13 = arith.constant 0 : index
    %get3A_14 = arith.constant 0 : index
    %get3A_15 = vector.load %arg1[%get3A_12, %get3A_13, %get3A_14] : memref<2x1024x128xf32, #tpu.memory_space<vmem>>, vector<1x1024x128xf32>
    %get3A_16 = vector.shape_cast %get3A_15 : vector<1x1024x128xf32> to vector<1024x128xf32>
    %get3A_17 = arith.constant 1 : index
    %get3A_18 = arith.constant 0 : index
    %get3A_19 = arith.constant 0 : index
    %get3A_20 = vector.load %arg2[%get3A_17, %get3A_18, %get3A_19] : memref<2x1024x128xf32, #tpu.memory_space<vmem>>, vector<1x1024x128xf32>
    %get3A_21 = vector.shape_cast %get3A_20 : vector<1x1024x128xf32> to vector<1024x128xf32>
    %add3A_22 = arith.addf %get3A_16, %get3A_21 : vector<1024x128xf32>
    %concatenate3A = tpu.concatenate %add3A, %add3A_22 in 1 : vector<1024x128xf32>, vector<1024x128xf32> -> vector<1024x256xf32>
    %get3A_23 = arith.constant 0 : index
    %get3A_24 = arith.constant 0 : index
    %get3A_25 = vector.load %arg5[%get3A_23, %get3A_24] : memref<256x256xf32, #tpu.memory_space<vmem>>, vector<256x256xf32>
    %dot_general3A = arith.constant dense<0.000000e+00> : vector<1024x256xf32>
    %dot_general3A_26 = tpu.matmul %concatenate3A, %get3A_25, %dot_general3A {dimension_numbers = #tpu.dot_dimension_numbers<[1], [0], [0], [1], [0, 0, 1, 1], [], []>, transpose_lhs_hint = false} : vector<1024x256xf32>, vector<256x256xf32>, vector<1024x256xf32> -> vector<1024x256xf32>
    %mul3A = vector.broadcast %reshape3A : vector<1024x1xf32> to vector<1024x256xf32>
    %mul3A_27 = arith.mulf %dot_general3A_26, %mul3A : vector<1024x256xf32>
    %get3A_28 = arith.constant 0 : index
    %get3A_29 = arith.constant 0 : index
    %get3A_30 = vector.load %arg4[%get3A_28, %get3A_29] : memref<1x256xf32, #tpu.memory_space<vmem>>, vector<1x256xf32>
    %add3A_31 = vector.broadcast %get3A_30 : vector<1x256xf32> to vector<1024x256xf32>
    %add3A_32 = arith.addf %mul3A_27, %add3A_31 : vector<1024x256xf32>
    %max3A = arith.constant 0.000000e+00 : f32
    %max3A_33 = vector.broadcast %max3A : f32 to vector<1024x256xf32>
    %max3A_34 = arith.maximumf %add3A_32, %max3A_33 : vector<1024x256xf32>
    %get3A_35 = arith.constant 0 : index
    %get3A_36 = arith.constant 0 : index
    %get3A_37 = vector.load %arg6[%get3A_35, %get3A_36] : memref<256x128xf32, #tpu.memory_space<vmem>>, vector<256x128xf32>
    %dot_general3A_38 = arith.constant dense<0.000000e+00> : vector<1024x128xf32>
    %dot_general3A_39 = tpu.matmul %max3A_34, %get3A_37, %dot_general3A_38 {dimension_numbers = #tpu.dot_dimension_numbers<[1], [0], [0], [1], [0, 0, 1, 1], [], []>, transpose_lhs_hint = false} : vector<1024x256xf32>, vector<256x128xf32>, vector<1024x128xf32> -> vector<1024x128xf32>
    %mul3A_40 = vector.broadcast %reshape3A : vector<1024x1xf32> to vector<1024x128xf32>
    %mul3A_41 = arith.mulf %dot_general3A_39, %mul3A_40 : vector<1024x128xf32>
    %iota3A = tpu.iota {dimensions = array<i32: 0>} : vector<1024x1xi32>
    %mul3A_42 = arith.constant 1024 : i32
    %mul3A_43 = arith.muli %arg0, %mul3A_42 : i32
    %add3A_44 = vector.broadcast %mul3A_43 : i32 to vector<1024x1xi32>
    %add3A_45 = arith.addi %iota3A, %add3A_44 : vector<1024x1xi32>
    %lt3A = arith.constant 10000 : i32
    %lt3A_46 = vector.broadcast %lt3A : i32 to vector<1024x1xi32>
    %lt3A_47 = arith.cmpi slt, %add3A_45, %lt3A_46 : vector<1024x1xi32>
    %jit3A = arith.constant 0.000000e+00 : f32
    %broadcast_in_dim3A = vector.shape_cast %lt3A_47 : vector<1024x1xi1> to vector<1024x1xi1>
    %broadcast_in_dim3A_48 = vector.broadcast %broadcast_in_dim3A : vector<1024x1xi1> to vector<1024x128xi1>
    %broadcast_in_dim3A_49 = vector.broadcast %jit3A : f32 to vector<1024x128xf32>
    %select_n3A = arith.select %broadcast_in_dim3A_48, %mul3A_41, %broadcast_in_dim3A_49 : vector<1024x128xi1>, vector<1024x128xf32>
    %swap3A = arith.constant 0 : index
    %swap3A_50 = arith.constant 0 : index
    %swap3A_51 = arith.constant 0 : index
    %swap3A_52 = vector.load %arg7[%swap3A, %swap3A_50, %swap3A_51] : memref<2x1024x128xf32, #tpu.memory_space<vmem>>, vector<1x1024x128xf32>
    %swap3A_53 = vector.shape_cast %swap3A_52 : vector<1x1024x128xf32> to vector<1024x128xf32>
    %swap3A_54 = vector.shape_cast %select_n3A : vector<1024x128xf32> to vector<1x1024x128xf32>
    tpu.vector_store %arg7[%swap3A, %swap3A_50, %swap3A_51], %swap3A_54 {strides = array<i32>} : memref<2x1024x128xf32, #tpu.memory_space<vmem>>, vector<1x1024x128xf32>,
    %swap3A_55 = arith.constant 1 : index
    %swap3A_56 = arith.constant 0 : index
    %swap3A_57 = arith.constant 0 : index
    %swap3A_58 = vector.load %arg7[%swap3A_55, %swap3A_56, %swap3A_57] : memref<2x1024x128xf32, #tpu.memory_space<vmem>>, vector<1x1024x128xf32>
    %swap3A_59 = vector.shape_cast %swap3A_58 : vector<1x1024x128xf32> to vector<1024x128xf32>
    %swap3A_60 = vector.shape_cast %select_n3A : vector<1024x128xf32> to vector<1x1024x128xf32>
    tpu.vector_store %arg7[%swap3A_55, %swap3A_56, %swap3A_57], %swap3A_60 {strides = array<i32>} : memref<2x1024x128xf32, #tpu.memory_space<vmem>>, vector<1x1024x128xf32>,
    return
  }
  func.func @transform_0(%arg0: i32) -> (i32, i32, i32) {
    %c0_i32 = arith.constant 0 : i32
    %c0_i32_0 = arith.constant 0 : i32
    %c0_i32_1 = arith.constant 0 : i32
    return %c0_i32, %arg0, %c0_i32_0 : i32, i32, i32
  }
  func.func @transform_1(%arg0: i32) -> (i32, i32, i32) {
    %c0_i32 = arith.constant 0 : i32
    %c0_i32_0 = arith.constant 0 : i32
    %c0_i32_1 = arith.constant 0 : i32
    return %c0_i32, %arg0, %c0_i32_0 : i32, i32, i32
  }
  func.func @transform_2(%arg0: i32) -> (i32, i32) {
    %c0_i32 = arith.constant 0 : i32
    %c0_i32_0 = arith.constant 0 : i32
    return %c0_i32, %arg0 : i32, i32
  }
  func.func @transform_3(%arg0: i32) -> (i32, i32) {
    %c0_i32 = arith.constant 0 : i32
    %c0_i32_0 = arith.constant 0 : i32
    %c0_i32_1 = arith.constant 0 : i32
    return %c0_i32, %c0_i32_0 : i32, i32
  }
  func.func @transform_4(%arg0: i32) -> (i32, i32) {
    %c0_i32 = arith.constant 0 : i32
    %c0_i32_0 = arith.constant 0 : i32
    %c0_i32_1 = arith.constant 0 : i32
    return %c0_i32, %c0_i32_0 : i32, i32
  }
  func.func @transform_5(%arg0: i32) -> (i32, i32) {
    %c0_i32 = arith.constant 0 : i32
    %c0_i32_0 = arith.constant 0 : i32
    %c0_i32_1 = arith.constant 0 : i32
    return %c0_i32, %c0_i32_0 : i32, i32
  }
  func.func @transform_6(%arg0: i32) -> (i32, i32, i32) {
    %c0_i32 = arith.constant 0 : i32
    %c0_i32_0 = arith.constant 0 : i32
    %c0_i32_1 = arith.constant 0 : i32
    return %c0_i32, %arg0, %c0_i32_0 : i32, i32, i32
  }
}

module attributes {stable_mosaic.version = 14 : i64} {
  func.func @_tc3_body(%arg0: i32, %arg1: memref<2x1024x128xf32, #tpu.memory_space<vmem>>, %arg2: memref<2x1024x128xf32, #tpu.memory_space<vmem>>, %arg3: memref<1x1024xf32, #tpu.memory_space<vmem>>, %arg4: memref<1x128xf32, #tpu.memory_space<vmem>>, %arg5: memref<128x64xf32, #tpu.memory_space<vmem>>, %arg6: memref<1x64xf32, #tpu.memory_space<vmem>>, %arg7: memref<1024x64xf32, #tpu.memory_space<vmem>>) attributes {dimension_semantics = [#tpu.dimension_semantics<arbitrary>], iteration_bounds = array<i64: 10>, scalar_prefetch = 0 : i64, scratch_operands = 0 : i64, tpu.core_type = #tpu.core_type<tc>, window_params = [{transform_indices = @transform_0, window_bounds = array<i64: 2, 1024, 128>}, {transform_indices = @transform_1, window_bounds = array<i64: 2, 1024, 128>}, {transform_indices = @transform_2, window_bounds = array<i64: 1, 1024>}, {pipeline_mode = #tpu.pipeline_mode<synchronous>, transform_indices = @transform_3, window_bounds = array<i64: 1, 128>}, {pipeline_mode = #tpu.pipeline_mode<synchronous>, transform_indices = @transform_4, window_bounds = array<i64: 128, 64>}, {pipeline_mode = #tpu.pipeline_mode<synchronous>, transform_indices = @transform_5, window_bounds = array<i64: 1, 64>}, {transform_indices = @transform_6, window_bounds = array<i64: 1024, 64>}]} {
    %get3A = arith.constant 0 : index
    %get3A_0 = arith.constant 0 : index
    %get3A_1 = vector.load %arg3[%get3A, %get3A_0] : memref<1x1024xf32, #tpu.memory_space<vmem>>, vector<1x1024xf32>
    %reshape3A = vector.shape_cast %get3A_1 : vector<1x1024xf32> to vector<1024x1xf32>
    %get3A_2 = arith.constant 0 : index
    %get3A_3 = arith.constant 0 : index
    %get3A_4 = arith.constant 0 : index
    %get3A_5 = vector.load %arg1[%get3A_2, %get3A_3, %get3A_4] : memref<2x1024x128xf32, #tpu.memory_space<vmem>>, vector<1x1024x128xf32>
    %get3A_6 = vector.shape_cast %get3A_5 : vector<1x1024x128xf32> to vector<1024x128xf32>
    %get3A_7 = arith.constant 1 : index
    %get3A_8 = arith.constant 0 : index
    %get3A_9 = arith.constant 0 : index
    %get3A_10 = vector.load %arg1[%get3A_7, %get3A_8, %get3A_9] : memref<2x1024x128xf32, #tpu.memory_space<vmem>>, vector<1x1024x128xf32>
    %get3A_11 = vector.shape_cast %get3A_10 : vector<1x1024x128xf32> to vector<1024x128xf32>
    %add3A = arith.addf %get3A_6, %get3A_11 : vector<1024x128xf32>
    %get3A_12 = arith.constant 0 : index
    %get3A_13 = arith.constant 0 : index
    %get3A_14 = arith.constant 0 : index
    %get3A_15 = vector.load %arg2[%get3A_12, %get3A_13, %get3A_14] : memref<2x1024x128xf32, #tpu.memory_space<vmem>>, vector<1x1024x128xf32>
    %get3A_16 = vector.shape_cast %get3A_15 : vector<1x1024x128xf32> to vector<1024x128xf32>
    %add3A_17 = arith.addf %add3A, %get3A_16 : vector<1024x128xf32>
    %mul3A = vector.broadcast %reshape3A : vector<1024x1xf32> to vector<1024x128xf32>
    %mul3A_18 = arith.mulf %add3A_17, %mul3A : vector<1024x128xf32>
    %get3A_19 = arith.constant 0 : index
    %get3A_20 = arith.constant 0 : index
    %get3A_21 = vector.load %arg4[%get3A_19, %get3A_20] : memref<1x128xf32, #tpu.memory_space<vmem>>, vector<1x128xf32>
    %add3A_22 = vector.broadcast %get3A_21 : vector<1x128xf32> to vector<1024x128xf32>
    %add3A_23 = arith.addf %mul3A_18, %add3A_22 : vector<1024x128xf32>
    %max3A = arith.constant 0.000000e+00 : f32
    %max3A_24 = vector.broadcast %max3A : f32 to vector<1024x128xf32>
    %max3A_25 = arith.maximumf %add3A_23, %max3A_24 : vector<1024x128xf32>
    %get3A_26 = arith.constant 0 : index
    %get3A_27 = arith.constant 0 : index
    %get3A_28 = vector.load %arg5[%get3A_26, %get3A_27] : memref<128x64xf32, #tpu.memory_space<vmem>>, vector<128x64xf32>
    %dot_general3A = arith.constant dense<0.000000e+00> : vector<1024x64xf32>
    %dot_general3A_29 = tpu.matmul %max3A_25, %get3A_28, %dot_general3A {dimension_numbers = #tpu.dot_dimension_numbers<[1], [0], [0], [1], [0, 0, 1, 1], [], []>, transpose_lhs_hint = false} : vector<1024x128xf32>, vector<128x64xf32>, vector<1024x64xf32> -> vector<1024x64xf32>
    %get3A_30 = arith.constant 0 : index
    %get3A_31 = arith.constant 0 : index
    %get3A_32 = vector.load %arg6[%get3A_30, %get3A_31] : memref<1x64xf32, #tpu.memory_space<vmem>>, vector<1x64xf32>
    %add3A_33 = vector.broadcast %get3A_32 : vector<1x64xf32> to vector<1024x64xf32>
    %add3A_34 = arith.addf %dot_general3A_29, %add3A_33 : vector<1024x64xf32>
    %swap3A = arith.constant 0 : index
    %swap3A_35 = arith.constant 0 : index
    %swap3A_36 = vector.load %arg7[%swap3A, %swap3A_35] : memref<1024x64xf32, #tpu.memory_space<vmem>>, vector<1024x64xf32>
    tpu.vector_store %arg7[%swap3A, %swap3A_35], %add3A_34 {strides = array<i32>} : memref<1024x64xf32, #tpu.memory_space<vmem>>, vector<1024x64xf32>,
    return
  }
  func.func @transform_0(%arg0: i32) -> (i32, i32, i32) {
    %c0_i32 = arith.constant 0 : i32
    %c0_i32_0 = arith.constant 0 : i32
    %c0_i32_1 = arith.constant 0 : i32
    return %c0_i32, %arg0, %c0_i32_0 : i32, i32, i32
  }
  func.func @transform_1(%arg0: i32) -> (i32, i32, i32) {
    %c0_i32 = arith.constant 0 : i32
    %c0_i32_0 = arith.constant 0 : i32
    %c0_i32_1 = arith.constant 0 : i32
    return %c0_i32, %arg0, %c0_i32_0 : i32, i32, i32
  }
  func.func @transform_2(%arg0: i32) -> (i32, i32) {
    %c0_i32 = arith.constant 0 : i32
    %c0_i32_0 = arith.constant 0 : i32
    return %c0_i32, %arg0 : i32, i32
  }
  func.func @transform_3(%arg0: i32) -> (i32, i32) {
    %c0_i32 = arith.constant 0 : i32
    %c0_i32_0 = arith.constant 0 : i32
    %c0_i32_1 = arith.constant 0 : i32
    return %c0_i32, %c0_i32_0 : i32, i32
  }
  func.func @transform_4(%arg0: i32) -> (i32, i32) {
    %c0_i32 = arith.constant 0 : i32
    %c0_i32_0 = arith.constant 0 : i32
    %c0_i32_1 = arith.constant 0 : i32
    return %c0_i32, %c0_i32_0 : i32, i32
  }
  func.func @transform_5(%arg0: i32) -> (i32, i32) {
    %c0_i32 = arith.constant 0 : i32
    %c0_i32_0 = arith.constant 0 : i32
    %c0_i32_1 = arith.constant 0 : i32
    return %c0_i32, %c0_i32_0 : i32, i32
  }
  func.func @transform_6(%arg0: i32) -> (i32, i32) {
    %c0_i32 = arith.constant 0 : i32
    %c0_i32_0 = arith.constant 0 : i32
    return %arg0, %c0_i32 : i32, i32
  }
}

</mosaic_0001>

<sc_bundles>
// kernel: kernel.11.cloned.1.call-start
scs
__scs_entry_jumppad:
0x0: {  	(pc) =	sbr.rel $0x88, $3  }
0x1: {  	(tag) =	ssettag $0x0;
	lr =	simm.s32 $0x1  }
0x2: {  	[smem:$0x3F99] =	sst lr;
	_ =	strace $0xD0000000  }
0x3: {  	_ = 	snop  }
0x4: {  	_ = 	snop  }
0x5: {  	_ = 	snop  }
0x6: {  	_ = 	snop  }
0x7: {  	_ = 	snop  }
__scs_overlays_trampoline_lowered:
0x8: {  	[smem:$0x3FA8] =	sst s0  }
0x9: {  	[smem:$0x3FA9] =	sst s1  }
0xa: {  	[smem:$0x3FAA] =	sst s2  }
0xb: {  	[smem:$0x3FAB] =	sst s3  }
0xc: {  	[smem:$0x3FAC] =	sst s4  }
0xd: {  	[smem:$0x3FAD] =	sst s5  }
0xe: {  	[smem:$0x3FAE] =	sst s6  }
0xf: {  	[smem:$0x3FAF] =	sst s7  }
0x10: {  	[smem:$0x3FB0] =	sst s8  }
0x11: {  	[smem:$0x3FB1] =	sst s9;
	s0 =	simm.s32 @!p0 $0x0  }
0x12: {  	s1 =	sld [smem:$0x3F97];
	s0 =	simm.s32 @p0 $0x1  }
0x13: {  	[smem:$0x3FB2] =	sst s0;
	s0 =	simm.s32 @!p1 $0x0  }
0x14: {  	s2 =	sld [smem:$0x3F96];
	s0 =	simm.s32 @p1 $0x1  }
0x15: {  	[smem:$0x3FB3] =	sst s0;
	s0 =	simm.s32 @!p2 $0x0  }
0x16: {  	s3 =	sld [smem:$0x3FDB];
	s0 =	simm.s32 @p2 $0x1  }
0x17: {  	s4 =	simm.s32 $0x1BF5;
	[smem:$0x3FB5] =	sst s0  }
0x18: {  	s0 =	sld [smem:$0x3F98];
	_ =	swait.ge [sflag:s4], $0x0  }
0x19: {  	s7 =	sld [smem:$0x3F99]  }
0x1a: {  	s8 =	sadd.s32 $0xFFFFE003, lr  }
0x1b: {  	s9 =	sadd.s32 $0xFFFFFEF7, lr;
	s5 =	simm.s32 $0xFFFFFFFF;
	p2 =	slt.u32 s8, $0xFFFFF086  }
0x1c: {  	p1 =	slt.u32 s9, $0xF7A;
	s5 =	simm.s32 @!p2 $0x0  }
0x1d: {  	s5 =	simm.s32 @p1 $0x1;
	p0 =	seq.s32 s7, s2  }
0x1e: {  	s7 =	smul.u32 @!p0 $0xF7A, s2;
	p2 =	seq.s32 @!p0 s5, $0x0  }
0x1f: {  	s9 =	smul.u32 $0xF7A, s1;
	s8 =	simm.s32 @!p0 $0x1BF5;
	p2 =	por !p2, p0  }
0x20: {  	[sflag:s8] =	ssyncset.s32 @!p0 $0xFFFFF086;
	s6 =	sadd.s32 @!p0 s3, s7;
	s7 =	simm.s32 @!p0 $0x108  }
0x21: {  	s3 =	sadd.s32 s3, s9;
	s6 =	sadd.s32 @!p0 $0x88, s6;
	s7 =	simm.s32 @p2 $0x1082  }
0x22: {  	[simem:s7], [sflag:s8] =	dma.local @!p0 [hbm:s6], $0xF7A  }
0x23: {  	s9 =	sor.u32 $0xD0000000, s2;
	s6 =	simm.s32 $0x108;
	_ =	swait.ge @!p0 [sflag:s8], $0x0  }
0x24: {  	s3 =	sadd.s32 $0x88, s3;
	s6 =	simm.s32 @!p1 $0x1082;
	[sflag:s4] =	ssyncset.s32 $0xFFFFF086  }
0x25: {  	[simem:s6], [sflag:s4] =	dma.local [hbm:s3], $0xF7A  }
0x26: {  	[smem:$0x3F99] =	sst s1;
	(tag) =	ssettag s2;
	_ =	strace s9  }
0x27: {  	s1 =	sld [smem:$0x3FA9]  }
0x28: {  	s2 =	sld [smem:$0x3FAA]  }
0x29: {  	s4 =	sld [smem:$0x3FAC]  }
0x2a: {  	p0 =	seq.s32 s5, $0x0;
	s5 =	sld [smem:$0x3FAD]  }
0x2b: {  	s6 =	sld [smem:$0x3FAE]  }
0x2c: {  	s7 =	sld [smem:$0x3FAF]  }
0x2d: {  	s3 =	simm.s32 $0x108;
	s8 =	sld [smem:$0x3FB0]  }
0x2e: {  	s3 =	simm.s32 @!p0 $0x1082;
	s9 =	sld [smem:$0x3FB1]  }
0x2f: {  	lr =	sadd.s32 s0, s3;
	s0 =	sld [smem:$0x3FA8]  }
0x30: {  	s3 =	sld [smem:$0x3FAB]  }
0x31: {  	[smem:$0x3FB4] =	sst s10  }
0x32: {  	s10 =	sld [smem:$0x3FB2];
	_ =	sdelay $0x3  }
0x33: {  	p0 =	seq.s32 s10, $0x1;
	s10 =	sld [smem:$0x3FB4];
	_ =	sdelay $0x3  }
0x34: {  	[smem:$0x3FB4] =	sst s10  }
0x35: {  	s10 =	sld [smem:$0x3FB3];
	_ =	sdelay $0x3  }
0x36: {  	p1 =	seq.s32 s10, $0x1;
	s10 =	sld [smem:$0x3FB4];
	_ =	sdelay $0x3  }
0x37: {  	[smem:$0x3FB4] =	sst s10  }
0x38: {  	s10 =	sld [smem:$0x3FB5]  }
0x39: {  	_ = 	snop;
	(pc) =	sbr.ind lr, $3  }
0x3a: {  	_ = 	snop  }
0x3b: {  	_ = 	snop  }
0x3c: {  	p2 =	seq.s32 s10, $0x1;
	s10 =	sld [smem:$0x3FB4]  }
0x3d: {  	_ =	shalt  }
0x3e: {  	_ =	shalt  }
0x3f: {  	_ =	shalt  }
0x40: {  	_ =	shalt  }
0x41: {  	_ =	shalt  }
0x42: {  	_ =	shalt  }
0x43: {  	_ =	shalt  }
0x44: {  	_ =	shalt  }
0x45: {  	_ =	shalt  }
0x46: {  	_ =	shalt  }
0x47: {  	_ =	shalt  }
0x48: {  	_ =	shalt  }
0x49: {  	_ =	shalt  }
0x4a: {  	_ =	shalt  }
0x4b: {  	_ =	shalt  }
0x4c: {  	_ =	shalt  }
0x4d: {  	_ =	shalt  }
0x4e: {  	_ =	shalt  }
0x4f: {  	_ =	shalt  }
0x50: {  	_ =	shalt  }
0x51: {  	_ =	shalt  }
0x52: {  	_ =	shalt  }
0x53: {  	_ =	shalt  }
0x54: {  	_ =	shalt  }
0x55: {  	_ =	shalt  }
0x56: {  	_ =	shalt  }
0x57: {  	_ =	shalt  }
0x58: {  	_ =	shalt  }
0x59: {  	_ =	shalt  }
0x5a: {  	_ =	shalt  }
0x5b: {  	_ =	shalt  }
0x5c: {  	_ =	shalt  }
0x5d: {  	_ =	shalt  }
0x5e: {  	_ =	shalt  }
0x5f: {  	_ =	shalt  }
0x60: {  	_ =	shalt  }
0x61: {  	_ =	shalt  }
0x62: {  	_ =	shalt  }
0x63: {  	_ =	shalt  }
0x64: {  	_ =	shalt  }
0x65: {  	_ =	shalt  }
0x66: {  	_ =	shalt  }
0x67: {  	_ =	shalt  }
0x68: {  	_ =	shalt  }
0x69: {  	_ =	shalt  }
0x6a: {  	_ =	shalt  }
0x6b: {  	_ =	shalt  }
0x6c: {  	_ =	shalt  }
0x6d: {  	_ =	shalt  }
0x6e: {  	_ =	shalt  }
0x6f: {  	_ =	shalt  }
0x70: {  	_ =	shalt  }
0x71: {  	_ =	shalt  }
0x72: {  	_ =	shalt  }
0x73: {  	_ =	shalt  }
0x74: {  	_ =	shalt  }
0x75: {  	_ =	shalt  }
0x76: {  	_ =	shalt  }
0x77: {  	_ =	shalt  }
0x78: {  	_ =	shalt  }
0x79: {  	_ =	shalt  }
0x7a: {  	_ =	shalt  }
0x7b: {  	_ =	shalt  }
0x7c: {  	_ =	shalt  }
0x7d: {  	_ =	shalt  }
0x7e: {  	_ =	shalt  }
0x7f: {  	_ =	shalt  }
0x80: {  	_ =	shalt  }
0x81: {  	_ =	shalt  }
0x82: {  	_ =	shalt  }
0x83: {  	_ =	shalt  }
0x84: {  	_ =	shalt  }
0x85: {  	_ =	shalt  }
0x86: {  	_ =	shalt  }
0x87: {  	_ =	shalt  }
.Lfunc_end0:
.L_simem_size_0:
called_computation.1_lowered:
.L_overlay_start_0:
0x88: {  	s2 =	sld [smem:$0x3FD9]  }
0x89: {  	s3 =	sld [smem:$0x3FFE];
	_ =	sdelay $0x1  }
0x8a: {  	s1 =	srdreg.scid  }
0x8b: {  	s0 =	sand.u32 $0x1, s1  }
0x8c: {  	s17 =	sshll.u32 s0, $0xA;
	s2 =	sadd.s32 s3, s2  }
0x8d: {  	s2 =	sadd.s32 s2, s17  }
0x8e: {  	[smem:$0x3FC0] =	sst s2  }
0x8f: {  	_ = 	snop  }
0x90: {  	s2 =	sld [smem:$0x3FD0];
	(tm) =	ssettm $0x1  }
0x91: {  	s18 =	sld [smem:$0x3FFB];
	_ =	sdelay $0x3  }
0x92: {  	_ =	strace s18  }
0x93: {  	s3 =	sld [smem:$0x3FFC];
	_ =	sdelay $0x3  }
0x94: {  	_ =	strace s3  }
0x95: {  	s3 =	sld [smem:$0x3FFD];
	_ =	sdelay $0x3  }
0x96: {  	_ =	strace s3  }
0x97: {  	_ =	strace $0x8FFFFFFF  }
0x98: {  	s19 =	sld [smem:$0x3FDB];
	_ =	sdelay $0x1  }
0x99: {  	s4 =	simm.s32 $_scs_section_size  }
0x9a: {  	s5 =	simm.s32 $_size__tile_overlayer_lowered;
	s6 =	simm.s32 $_tile_overlayer_lowered  }
0x9b: {  	s22 =	simm.s32 $0x1BFF;
	s21 =	sshll.u32 s6, $0x1;
	s3 =	sadd.s32 s4, s19  }
0x9c: {  	s7 =	simm.s32 $0x0;
	s20 =	sshll.u32 s5, $0x1;
	s5 =	sadd.s32 s21, s3  }
0x9d: {  	[timem:s7], [sflag:s22] =	dma.local [hbm:s5], s20  }
0x9e: {  	_ =	swait.ge [sflag:s22], s20  }
0x9f: {  	s4 =	ssub.s32 $0x0, s20;
	[sflag:s22] =	ssyncset.done $0x0  }
0xa0: {  	[sflag:s22] =	ssyncadd.s32 s4;
	_ =	sdelay $0x1  }
0xa1: {  	s23 =	simm.s32 $0x1B8B  }
0xa2: {  	_ =	swait.ge [sflag:s23], $0x1  }
0xa3: {  	[sflag:s23] =	ssyncset.done $0x0  }
0xa4: {  	s25 =	simm.s32 $0x1B8E;
	s24 =	sld [smem:$0x3FFE];
	[sflag:s23] =	ssyncadd.s32 $0xFFFFFFFF  }
0xa5: {  	s26 =	simm.s32 $execute0_lowered;
	[smem:$0x3FD2] =	sst s25  }
0xa6: {  	s5 =	sshll.u32 s26, $0x1;
	_ =	strace $0x80000049;
	[dreg:$0x1] =	wrdreg $0xFFFFFFFF  }
0xa7: {  	s28 =	simm.s32 $_size_execute0_lowered;
	s3 =	sadd.s32 s3, s5;
	[dreg:$0x0] =	wrdreg $0x0  }
0xa8: {  	s5 =	sshll.u32 s28, $0x1;
	[dreg:$0x2] =	wrdreg s3  }
0xa9: {  	[dreg:$0x3] =	wrdreg s5  }
0xaa: {  	[dreg:$0x4] =	wrdreg $0xC0  }
0xab: {  	_ =	task [dreg:s7], $0x5FFFF  }
0xac: {  	[dreg:$0x1] =	wrdreg $0xFFFFFFFF  }
0xad: {  	[dreg:$0x0] =	wrdreg $0x60  }
0xae: {  	[dreg:$0x2] =	wrdreg s24  }
0xaf: {  	[dreg:$0x3] =	wrdreg s2  }
0xb0: {  	[dreg:$0x4] =	wrdreg $0xA8000  }
0xb1: {  	[dreg:$0x5] =	wrdreg $0x9  }
0xb2: {  	_ =	task.clear_ibuf [dreg:s7], $0x6FFFF;
	_ =	strace $0x90000049  }
0xb3: {  	s29 =	simm.s32 $0x9;
	_ =	strace $0x8000004B  }
0xb4: {  	_ =	swait.ge [sflag:s29], $0x1  }
0xb5: {  	[sflag:s29] =	ssyncadd.s32 $0xFFFFFFFF  }
0xb6: {  	_ =	strace $0x9000004B  }
0xb7: {  	_ =	sfence  }
0xb8: {  	s30 =	sld [smem:$0x0];
	_ =	sdelay $0x2  }
0xb9: {  	s31 =	sshll.u32 s1, $0xD;
	s1 =	sshrl.u32 s1, $0x2  }
0xba: {  	s3 =	sand.u32 $0x4000, s31;
	s1 =	sadd.s32 s1, s30  }
0xbb: {  	s0 =	sor.u32 s3, s0;
	s1 =	sshll.u32 s1, $0x11  }
0xbc: {  	s0 =	sor.u32 s1, s0  }
0xbd: {  	s0 =	sadd.s32 $0x8F2B, s0  }
0xbe: {  	[sflag:s0] =	ssyncadd.remote.s32 $0x1  }
0xbf: {  	_ =	sfence.sel $0xFFFF  }
0xc0: {  	[dreg:$0x0] =	wrdreg $0xFFFFFFFF;
	(pc) =	sbr.abs _section_cstart, $3  }
0xc1: {  	[dreg:$0x1] =	wrdreg $0xFFFFFFFF  }
0xc2: {  	_ =	task.clear_ibuf [dreg:s7], $0x2FFFF;
	_ =	strace $0x9FFFFFFF  }
0xc3: {  	(tm) =	ssettm $0x7FFFFFFF  }
tec
execute0_lowered:
.L_overlay_start_1:
0x0: {  	(tag) =	ssettag $0x1  }
0x1: {  	s5 =	rddreg [dreg:$0x0]  }
0x2: {  	s11 =	rddreg [dreg:$0x1]  }
0x3: {  	s2 =	rddreg [dreg:$0x2]  }
0x4: {  	s0 =	rddreg [dreg:$0x3];
	s1 =	stileid.u32  }
0x5: {  	s4 =	srdreg.scid;
	s3 =	simm.s32 $0x0;
	s18 =	simm.s32 $0x1  }
0x6: {  	s19 =	simm.s32 $0x80;
	s20 =	simm.s32 $0x2800;
	s6 =	smul.u32 $0x2880, s1  }
0x7: {  	s21 =	simm.s32 $0x6800;
	s22 =	simm.s32 $0x2;
	s9 =	smul.u32 $0x14000, s1  }
0x8: {  	s23 =	simm.s32 $0x2700;
	s24 =	simm.s32 $0x2780;
	s12 =	smul.u32 $0x51000, s1  }
0x9: {  	s28 =	simm.s32 $0x0;
	s7 =	sand.u32 $0x1, s4;
	s14 =	smul.u32 $0x2800, s1  }
0xa: {  	[smem:$0x7FF] =	sst s3;
	s4 =	sadd.s32 $0x30400, s5;
	s30 =	smul.u32 $0x50000, s1  }
0xb: {  	s10 =	sadd.s32 $0x80C00, s5;
	s8 =	smul.u32 $0x140000, s7;
	_ =	strace $0x8000004A  }
0xc: {  	s25 =	ssub.s32 $0x2, s7;
	s7 =	smul.u32 $0x28000, s7;
	s6 =	sadd.s32 s6, s5  }
0xd: {  	s13 =	sshrl.u32 s25, $0x1;
	s26 =	sshrl.u32 s12, $0x2;
	s17 =	sshrl.u32 s30, $0x2  }
0xe: {  	s8 =	sadd.s32 s9, s8;
	s13 =	ssub.s32 s25, s13;
	s16 =	sadd.s32 s26, s2  }
0xf: {  	s7 =	sadd.s32 s14, s7;
	s25 =	sadd.s32 s17, s2;
	s17 =	simm.s32 $0x4  }
0x10: {  	s26 =	simm.s32 $0x5;
	s8 =	sshrl.u32 s8, $0x3;
	s29 =	sshrl.u32 s7, $0x3  }
0x11: {  	s13 =	smax.u32 s13, $0x1;
	s14 =	sshrl.u32 s16, $0x3;
	s16 =	simm.s32 $0x3  }
0x12: {  	s25 =	sshrl.u32 s25, $0x3;
	s15 =	sadd.s32 s8, s5;
	s5 =	sadd.s32 $0x7C00, s6  }
0x13: {  	s6 =	sshll.u32 s1, $0x6;
	s8 =	sadd.s32 s10, s29;
	s31 =	sadd.s32 $0x280, s29  }
0x14: {  	s9 =	sadd.s32 s11, s29;
	s7 =	sor.u32 $0x1C01, s6;
	s10 =	sadd.s32 s10, s31  }
0x15: {  	s11 =	sadd.s32 s11, s31;
	s12 =	sadd.s32 $0x8AC00, s15;
	s15 =	simm.s32 $0x1400  }
.LBB2_1:
0x16: {  	[spmem:s14], [sflag:s7] =	dma.local [hbm:s5], $0x2880  }
0x17: {  	[tilespmem:s3], [sflag:$0x3] =	stream.linear.gather [hbm4b:s8+s3], $0x1400, $0x38;
	[tilespmem:$0x1EC00] =	vst v63  }
0x18: {  	_ = 	snop  }
0x19: {  	[tilespmem:s15], [sflag:$0x4] =	stream.linear.gather [hbm4b:s9+s3], $0x1400, $0x38;
	[tilespmem:$0x1EC00] =	vst v63  }
0x1a: {  	_ =	swait.ge [sflag:s16], $0x1400  }
0x1b: {  	[sflag:s16] =	ssyncset.done $0x0  }
0x1c: {  	[sflag:s16] =	ssyncadd.s32 $0xFFFFEC00  }
0x1d: {  	_ =	swait.ge [sflag:s17], $0x1400  }
0x1e: {  	[sflag:s17] =	ssyncset.done $0x0  }
0x1f: {  	[sflag:s17] =	ssyncadd.s32 $0xFFFFEC00  }
0x20: {  	_ =	swait.ge [sflag:s18], $0x2880  }
0x21: {  	[sflag:s18] =	ssyncset.done $0x0  }
0x22: {  	[sflag:s18] =	ssyncadd.s32 $0xFFFFD780  }
0x23: {  	[bflag:$0x0] =	sbarrier.arrive $0xFFFF  }
0x24: {  	[tilespmem:s20], [sflag:$0x1] =	stream.indirect.gather [hbm4b:s4+s19], $0x80, s3, s19, $0xb8;
	[tilespmem:$0x1EC00] =	vst v63  }
0x25: {  	_ = 	snop  }
0x26: {  	[tilespmem:s21], [sflag:$0x2] =	stream.indirect.gather [hbm4b:s4+s19], $0x80, s19, s19, $0xb8;
	[tilespmem:$0x1EC00] =	vst v63  }
0x27: {  	_ =	swait.ge [sflag:s18], $0x4000  }
0x28: {  	[sflag:s18] =	ssyncset.done $0x0  }
0x29: {  	s29 =	simm.s32 $0x1400;
	[sflag:s18] =	ssyncadd.s32 $0xFFFFC000  }
0x2a: {  	[spmem:s2] =	stream.indirect.scatter.add.f32 [tilespmem:s20], [sflag:$0x3], $0x80, s29, s19, $0xb8;
	[tilespmem:$0x1EC00] =	vst v63  }
0x2b: {  	_ =	swait.ge [sflag:s22], $0x4000  }
0x2c: {  	[sflag:s22] =	ssyncset.done $0x0  }
0x2d: {  	s29 =	simm.s32 $0x1480;
	[sflag:s22] =	ssyncadd.s32 $0xFFFFC000  }
0x2e: {  	[spmem:s2] =	stream.indirect.scatter.add.f32 [tilespmem:s21], [sflag:$0x4], $0x80, s29, s19, $0xb8;
	[tilespmem:$0x1EC00] =	vst v63  }
0x2f: {  	_ =	swait.ge [sflag:s16], $0x4000  }
0x30: {  	[sflag:s16] =	ssyncset.done $0x0  }
0x31: {  	s29 =	simm.s32 $0x100;
	[sflag:s16] =	ssyncadd.s32 $0xFFFFC000  }
0x32: {  	[tilespmem:s20], [sflag:$0x1] =	stream.indirect.gather [hbm4b:s4+s19], $0x80, s29, s19, $0xb8;
	[tilespmem:$0x1EC00] =	vst v63  }
0x33: {  	_ =	swait.ge [sflag:s17], $0x4000  }
0x34: {  	[sflag:s17] =	ssyncset.done $0x0  }
0x35: {  	s30 =	simm.s32 $0x180;
	s29 =	simm.s32 $0x400;
	[sflag:s17] =	ssyncadd.s32 $0xFFFFC000  }
.LBB2_2:
0x36: {  	[tilespmem:s21], [sflag:$0x2] =	stream.indirect.gather [hbm4b:s4+s19], $0x80, s30, s19, $0xb8;
	[tilespmem:$0x1EC00] =	vst v63  }
0x37: {  	s30 =	smov.u32 s29  }
0x38: {  	p0 =	sne.s32 s29, $0x4800;
	s29 =	sadd.s32 $0x400, s29;
	_ =	swait.ge [sflag:s18], $0x4000  }
0x39: {  	s30 =	sshra.s32 s30, $0x2;
	[sflag:s18] =	ssyncset.done $0x0  }
0x3a: {  	s31 =	sadd.s32 $0x1400, s30;
	[sflag:s18] =	ssyncadd.s32 $0xFFFFC000  }
0x3b: {  	[spmem:s2] =	stream.indirect.scatter.add.f32 [tilespmem:s20], [sflag:$0x3], $0x80, s31, s19, $0xb8;
	[tilespmem:$0x1EC00] =	vst v63  }
0x3c: {  	_ =	swait.ge [sflag:s22], $0x4000  }
0x3d: {  	[sflag:s22] =	ssyncset.done $0x0  }
0x3e: {  	s31 =	sadd.s32 $0x1480, s30;
	[sflag:s22] =	ssyncadd.s32 $0xFFFFC000  }
0x3f: {  	[spmem:s2] =	stream.indirect.scatter.add.f32 [tilespmem:s21], [sflag:$0x4], $0x80, s31, s19, $0xb8;
	[tilespmem:$0x1EC00] =	vst v63  }
0x40: {  	_ =	swait.ge [sflag:s16], $0x4000  }
0x41: {  	[sflag:s16] =	ssyncset.done $0x0  }
.Ltmp0:
0x42: {  	s31 =	sadd.s32 $0x100, s30;
	[sflag:s16] =	ssyncadd.s32 $0xFFFFC000;
	(pc) =	sbr.rel @p0 .LBB2_2-.Ltmp0, $4  }
0x43: {  	[tilespmem:s20], [sflag:$0x1] =	stream.indirect.gather [hbm4b:s4+s19], $0x80, s31, s19, $0xb8;
	[tilespmem:$0x1EC00] =	vst v63  }
0x44: {  	_ =	swait.ge [sflag:s17], $0x4000  }
0x45: {  	[sflag:s17] =	ssyncset.done $0x0  }
0x46: {  	s30 =	sadd.s32 $0x180, s30;
	[sflag:s17] =	ssyncadd.s32 $0xFFFFC000  }
0x47: {  	[tilespmem:s21], [sflag:$0x2] =	stream.indirect.gather [hbm4b:s4+s19], $0x80, s30, s19, $0xb8;
	[tilespmem:$0x1EC00] =	vst v63  }
0x48: {  	_ =	swait.ge [sflag:s18], $0x4000  }
0x49: {  	[sflag:s18] =	ssyncset.done $0x0  }
0x4a: {  	[sflag:s18] =	ssyncadd.s32 $0xFFFFC000  }
0x4b: {  	[spmem:s2] =	stream.indirect.scatter.add.f32 [tilespmem:s20], [sflag:$0x3], $0x80, s23, s19, $0xb8;
	[tilespmem:$0x1EC00] =	vst v63  }
0x4c: {  	_ =	swait.ge [sflag:s22], $0x4000  }
0x4d: {  	[sflag:s22] =	ssyncset.done $0x0  }
0x4e: {  	[sflag:s22] =	ssyncadd.s32 $0xFFFFC000  }
0x4f: {  	[spmem:s2] =	stream.indirect.scatter.add.f32 [tilespmem:s21], [sflag:$0x4], $0x80, s24, s19, $0xb8;
	[tilespmem:$0x1EC00] =	vst v63  }
0x50: {  	_ =	swait.ge [sflag:s16], $0x4000  }
0x51: {  	[sflag:s16] =	ssyncset.done $0x0  }
0x52: {  	[sflag:s16] =	ssyncadd.s32 $0xFFFFC000  }
0x53: {  	_ =	swait.ge [sflag:s17], $0x4000  }
0x54: {  	[sflag:s17] =	ssyncset.done $0x0  }
0x55: {  	s29 =	simm.s32 $0x0;
	[sflag:s17] =	ssyncadd.s32 $0xFFFFC000  }
0x56: {  	[tilespmem:s29], [sflag:$0x3] =	stream.linear.gather [hbm4b:s10+s29], $0x1400, $0x38;
	[tilespmem:$0x1EC00] =	vst v63  }
0x57: {  	_ = 	snop  }
0x58: {  	[tilespmem:s15], [sflag:$0x4] =	stream.linear.gather [hbm4b:s11+s29], $0x1400, $0x38;
	[tilespmem:$0x1EC00] =	vst v63  }
0x59: {  	_ =	swait.ge [sflag:s16], $0x1400  }
0x5a: {  	[sflag:s16] =	ssyncset.done $0x0  }
0x5b: {  	[sflag:s16] =	ssyncadd.s32 $0xFFFFEC00  }
0x5c: {  	_ =	swait.ge [sflag:s17], $0x1400  }
0x5d: {  	[sflag:s17] =	ssyncset.done $0x0  }
0x5e: {  	[sflag:s17] =	ssyncadd.s32 $0xFFFFEC00  }
0x5f: {  	[tilespmem:s20], [sflag:$0x1] =	stream.indirect.gather [hbm4b:s4+s19], $0x80, s29, s19, $0xb8;
	[tilespmem:$0x1EC00] =	vst v63  }
0x60: {  	_ = 	snop  }
0x61: {  	[tilespmem:s21], [sflag:$0x2] =	stream.indirect.gather [hbm4b:s4+s19], $0x80, s19, s19, $0xb8;
	[tilespmem:$0x1EC00] =	vst v63  }
0x62: {  	_ =	swait.ge [sflag:s18], $0x4000  }
0x63: {  	[sflag:s18] =	ssyncset.done $0x0  }
0x64: {  	s29 =	simm.s32 $0x1400;
	[sflag:s18] =	ssyncadd.s32 $0xFFFFC000  }
0x65: {  	[spmem:s2] =	stream.indirect.scatter.add.f32 [tilespmem:s20], [sflag:$0x3], $0x80, s29, s19, $0xb8;
	[tilespmem:$0x1EC00] =	vst v63  }
0x66: {  	_ =	swait.ge [sflag:s22], $0x4000  }
0x67: {  	[sflag:s22] =	ssyncset.done $0x0  }
0x68: {  	s29 =	simm.s32 $0x1480;
	[sflag:s22] =	ssyncadd.s32 $0xFFFFC000  }
0x69: {  	[spmem:s2] =	stream.indirect.scatter.add.f32 [tilespmem:s21], [sflag:$0x4], $0x80, s29, s19, $0xb8;
	[tilespmem:$0x1EC00] =	vst v63  }
0x6a: {  	_ =	swait.ge [sflag:s16], $0x4000  }
0x6b: {  	[sflag:s16] =	ssyncset.done $0x0  }
0x6c: {  	s29 =	simm.s32 $0x100;
	[sflag:s16] =	ssyncadd.s32 $0xFFFFC000  }
0x6d: {  	[tilespmem:s20], [sflag:$0x1] =	stream.indirect.gather [hbm4b:s4+s19], $0x80, s29, s19, $0xb8;
	[tilespmem:$0x1EC00] =	vst v63  }
0x6e: {  	_ =	swait.ge [sflag:s17], $0x4000  }
0x6f: {  	[sflag:s17] =	ssyncset.done $0x0  }
0x70: {  	s30 =	simm.s32 $0x180;
	s29 =	simm.s32 $0x400;
	[sflag:s17] =	ssyncadd.s32 $0xFFFFC000  }
.LBB2_4:
0x71: {  	[tilespmem:s21], [sflag:$0x2] =	stream.indirect.gather [hbm4b:s4+s19], $0x80, s30, s19, $0xb8;
	[tilespmem:$0x1EC00] =	vst v63  }
0x72: {  	s30 =	smov.u32 s29  }
0x73: {  	p0 =	sne.s32 s29, $0x4800;
	s29 =	sadd.s32 $0x400, s29;
	_ =	swait.ge [sflag:s18], $0x4000  }
0x74: {  	s30 =	sshra.s32 s30, $0x2;
	[sflag:s18] =	ssyncset.done $0x0  }
0x75: {  	s31 =	sadd.s32 $0x1400, s30;
	[sflag:s18] =	ssyncadd.s32 $0xFFFFC000  }
0x76: {  	[spmem:s2] =	stream.indirect.scatter.add.f32 [tilespmem:s20], [sflag:$0x3], $0x80, s31, s19, $0xb8;
	[tilespmem:$0x1EC00] =	vst v63  }
0x77: {  	_ =	swait.ge [sflag:s22], $0x4000  }
0x78: {  	[sflag:s22] =	ssyncset.done $0x0  }
0x79: {  	s31 =	sadd.s32 $0x1480, s30;
	[sflag:s22] =	ssyncadd.s32 $0xFFFFC000  }
0x7a: {  	[spmem:s2] =	stream.indirect.scatter.add.f32 [tilespmem:s21], [sflag:$0x4], $0x80, s31, s19, $0xb8;
	[tilespmem:$0x1EC00] =	vst v63  }
0x7b: {  	_ =	swait.ge [sflag:s16], $0x4000  }
0x7c: {  	[sflag:s16] =	ssyncset.done $0x0  }
.Ltmp1:
0x7d: {  	s31 =	sadd.s32 $0x100, s30;
	[sflag:s16] =	ssyncadd.s32 $0xFFFFC000;
	(pc) =	sbr.rel @p0 .LBB2_4-.Ltmp1, $4  }
0x7e: {  	[tilespmem:s20], [sflag:$0x1] =	stream.indirect.gather [hbm4b:s4+s19], $0x80, s31, s19, $0xb8;
	[tilespmem:$0x1EC00] =	vst v63  }
0x7f: {  	_ =	swait.ge [sflag:s17], $0x4000  }
0x80: {  	[sflag:s17] =	ssyncset.done $0x0  }
0x81: {  	s30 =	sadd.s32 $0x180, s30;
	[sflag:s17] =	ssyncadd.s32 $0xFFFFC000  }
0x82: {  	[tilespmem:s21], [sflag:$0x2] =	stream.indirect.gather [hbm4b:s4+s19], $0x80, s30, s19, $0xb8;
	[tilespmem:$0x1EC00] =	vst v63  }
0x83: {  	_ =	swait.ge [sflag:s18], $0x4000  }
0x84: {  	[sflag:s18] =	ssyncset.done $0x0  }
0x85: {  	[sflag:s18] =	ssyncadd.s32 $0xFFFFC000  }
0x86: {  	[spmem:s2] =	stream.indirect.scatter.add.f32 [tilespmem:s20], [sflag:$0x3], $0x80, s23, s19, $0xb8;
	[tilespmem:$0x1EC00] =	vst v63  }
0x87: {  	_ =	swait.ge [sflag:s22], $0x4000  }
0x88: {  	[sflag:s22] =	ssyncset.done $0x0  }
0x89: {  	[sflag:s22] =	ssyncadd.s32 $0xFFFFC000  }
0x8a: {  	[spmem:s2] =	stream.indirect.scatter.add.f32 [tilespmem:s21], [sflag:$0x4], $0x80, s24, s19, $0xb8;
	[tilespmem:$0x1EC00] =	vst v63  }
0x8b: {  	_ =	swait.ge [sflag:s16], $0x4000  }
0x8c: {  	[sflag:s16] =	ssyncset.done $0x0  }
0x8d: {  	[sflag:s16] =	ssyncadd.s32 $0xFFFFC000  }
0x8e: {  	_ =	swait.ge [sflag:s17], $0x4000  }
0x8f: {  	s28 =	sadd.s32 $0x1, s28;
	[sflag:s17] =	ssyncset.done $0x0  }
0x90: {  	p0 =	sne.s32 s28, s13;
	[sflag:s17] =	ssyncadd.s32 $0xFFFFC000  }
.Ltmp2:
0x91: {  	s29 =	sor.u32 $0x1C05, s6;
	[bflag:$0x0] =	sbarrier.arrive $0xFFFF;
	(pc) =	sbr.rel @p0 .LBB2_1-.Ltmp2, $4  }
0x92: {  	[hbm:s12], [sflag:s29] =	dma.local [spmem:s25], $0x2800  }
0x93: {  	_ =	swait.ge [sflag:s26], $0x2800  }
0x94: {  	[sflag:s26] =	ssyncset.done $0x0  }
0x95: {  	[sflag:s26] =	ssyncadd.s32 $0xFFFFD800  }
0x96: {  	_ =	sfence.sel $0x180000  }
0x97: {  	[bflag:$0x0] =	sbarrier.arrive $0xFFFF  }
0x98: {  	p0 =	sne.s32 s1, $0x0;
	_ =	strace $0x9000004A  }
0x99: {  	s0 =	sadd.s32 @!p0 $0x100000, s0;
	[bflag:$0x2] =	sbarrier.arrive $0xFFFF  }
0x9a: {  	[sflag:s0] =	ssyncadd.tile.s32 @!p0 $0x1;
	_ =	shalt  }
.Lfunc_end2:
_tile_overlayer_lowered:
.L_overlay_start_2:
0x9b: {  	(tag) =	ssettag $0x2  }
0x9c: {  	s0 =	rddreg [dreg:$0x0];
	s2 =	stileid.u32  }
0x9d: {  	s1 =	rddreg [dreg:$0x1];
	p0 =	sne.s32 s2, $0x0  }
0x9e: {  	s3 =	rddreg [dreg:$0x2];
	[bflag:$0x3] =	sbarrier.arrive $0xFFFF;
	s2 =	simm.s32 @!p0 $0x1C05  }
0x9f: {  	[timem:s3], [sflag:s2] =	dma.local @!p0 [hbm:s0], s1  }
0xa0: {  	s0 =	simm.s32 @!p0 $0x5  }
0xa1: {  	_ =	swait.ge @!p0 [sflag:s0], s1  }
0xa2: {  	s1 =	ssub.s32 @!p0 $0x0, s1;
	[sflag:s0] =	ssyncset.done @!p0 $0x0  }
0xa3: {  	[sflag:s0] =	ssyncadd.s32 @!p0 s1  }
0xa4: {  	[bflag:$0x3] =	sbarrier.arrive $0xFFFF  }
0xa5: {  	_ =	shalt  }

// kernel: kernel.14.cloned.1.call-start
scs
__scs_entry_jumppad:
0x0: {  	(pc) =	sbr.rel $0x88, $3  }
0x1: {  	(tag) =	ssettag $0x0;
	lr =	simm.s32 $0x1  }
0x2: {  	[smem:$0x3F99] =	sst lr;
	_ =	strace $0xD0000000  }
0x3: {  	_ = 	snop  }
0x4: {  	_ = 	snop  }
0x5: {  	_ = 	snop  }
0x6: {  	_ = 	snop  }
0x7: {  	_ = 	snop  }
__scs_overlays_trampoline_lowered:
0x8: {  	[smem:$0x3FA8] =	sst s0  }
0x9: {  	[smem:$0x3FA9] =	sst s1  }
0xa: {  	[smem:$0x3FAA] =	sst s2  }
0xb: {  	[smem:$0x3FAB] =	sst s3  }
0xc: {  	[smem:$0x3FAC] =	sst s4  }
0xd: {  	[smem:$0x3FAD] =	sst s5  }
0xe: {  	[smem:$0x3FAE] =	sst s6  }
0xf: {  	[smem:$0x3FAF] =	sst s7  }
0x10: {  	[smem:$0x3FB0] =	sst s8  }
0x11: {  	[smem:$0x3FB1] =	sst s9;
	s0 =	simm.s32 @!p0 $0x0  }
0x12: {  	s1 =	sld [smem:$0x3F97];
	s0 =	simm.s32 @p0 $0x1  }
0x13: {  	[smem:$0x3FB2] =	sst s0;
	s0 =	simm.s32 @!p1 $0x0  }
0x14: {  	s2 =	sld [smem:$0x3F96];
	s0 =	simm.s32 @p1 $0x1  }
0x15: {  	[smem:$0x3FB3] =	sst s0;
	s0 =	simm.s32 @!p2 $0x0  }
0x16: {  	s3 =	sld [smem:$0x3FDB];
	s0 =	simm.s32 @p2 $0x1  }
0x17: {  	s4 =	simm.s32 $0x1BF5;
	[smem:$0x3FB5] =	sst s0  }
0x18: {  	s0 =	sld [smem:$0x3F98];
	_ =	swait.ge [sflag:s4], $0x0  }
0x19: {  	s7 =	sld [smem:$0x3F99]  }
0x1a: {  	s8 =	sadd.s32 $0xFFFFE003, lr  }
0x1b: {  	s9 =	sadd.s32 $0xFFFFFEF7, lr;
	s5 =	simm.s32 $0xFFFFFFFF;
	p2 =	slt.u32 s8, $0xFFFFF086  }
0x1c: {  	p1 =	slt.u32 s9, $0xF7A;
	s5 =	simm.s32 @!p2 $0x0  }
0x1d: {  	s5 =	simm.s32 @p1 $0x1;
	p0 =	seq.s32 s7, s2  }
0x1e: {  	s7 =	smul.u32 @!p0 $0xF7A, s2;
	p2 =	seq.s32 @!p0 s5, $0x0  }
0x1f: {  	s9 =	smul.u32 $0xF7A, s1;
	s8 =	simm.s32 @!p0 $0x1BF5;
	p2 =	por !p2, p0  }
0x20: {  	[sflag:s8] =	ssyncset.s32 @!p0 $0xFFFFF086;
	s6 =	sadd.s32 @!p0 s3, s7;
	s7 =	simm.s32 @!p0 $0x108  }
0x21: {  	s3 =	sadd.s32 s3, s9;
	s6 =	sadd.s32 @!p0 $0x88, s6;
	s7 =	simm.s32 @p2 $0x1082  }
0x22: {  	[simem:s7], [sflag:s8] =	dma.local @!p0 [hbm:s6], $0xF7A  }
0x23: {  	s9 =	sor.u32 $0xD0000000, s2;
	s6 =	simm.s32 $0x108;
	_ =	swait.ge @!p0 [sflag:s8], $0x0  }
0x24: {  	s3 =	sadd.s32 $0x88, s3;
	s6 =	simm.s32 @!p1 $0x1082;
	[sflag:s4] =	ssyncset.s32 $0xFFFFF086  }
0x25: {  	[simem:s6], [sflag:s4] =	dma.local [hbm:s3], $0xF7A  }
0x26: {  	[smem:$0x3F99] =	sst s1;
	(tag) =	ssettag s2;
	_ =	strace s9  }
0x27: {  	s1 =	sld [smem:$0x3FA9]  }
0x28: {  	s2 =	sld [smem:$0x3FAA]  }
0x29: {  	s4 =	sld [smem:$0x3FAC]  }
0x2a: {  	p0 =	seq.s32 s5, $0x0;
	s5 =	sld [smem:$0x3FAD]  }
0x2b: {  	s6 =	sld [smem:$0x3FAE]  }
0x2c: {  	s7 =	sld [smem:$0x3FAF]  }
0x2d: {  	s3 =	simm.s32 $0x108;
	s8 =	sld [smem:$0x3FB0]  }
0x2e: {  	s3 =	simm.s32 @!p0 $0x1082;
	s9 =	sld [smem:$0x3FB1]  }
0x2f: {  	lr =	sadd.s32 s0, s3;
	s0 =	sld [smem:$0x3FA8]  }
0x30: {  	s3 =	sld [smem:$0x3FAB]  }
0x31: {  	[smem:$0x3FB4] =	sst s10  }
0x32: {  	s10 =	sld [smem:$0x3FB2];
	_ =	sdelay $0x3  }
0x33: {  	p0 =	seq.s32 s10, $0x1;
	s10 =	sld [smem:$0x3FB4];
	_ =	sdelay $0x3  }
0x34: {  	[smem:$0x3FB4] =	sst s10  }
0x35: {  	s10 =	sld [smem:$0x3FB3];
	_ =	sdelay $0x3  }
0x36: {  	p1 =	seq.s32 s10, $0x1;
	s10 =	sld [smem:$0x3FB4];
	_ =	sdelay $0x3  }
0x37: {  	[smem:$0x3FB4] =	sst s10  }
0x38: {  	s10 =	sld [smem:$0x3FB5]  }
0x39: {  	_ = 	snop;
	(pc) =	sbr.ind lr, $3  }
0x3a: {  	_ = 	snop  }
0x3b: {  	_ = 	snop  }
0x3c: {  	p2 =	seq.s32 s10, $0x1;
	s10 =	sld [smem:$0x3FB4]  }
0x3d: {  	_ =	shalt  }
0x3e: {  	_ =	shalt  }
0x3f: {  	_ =	shalt  }
0x40: {  	_ =	shalt  }
0x41: {  	_ =	shalt  }
0x42: {  	_ =	shalt  }
0x43: {  	_ =	shalt  }
0x44: {  	_ =	shalt  }
0x45: {  	_ =	shalt  }
0x46: {  	_ =	shalt  }
0x47: {  	_ =	shalt  }
0x48: {  	_ =	shalt  }
0x49: {  	_ =	shalt  }
0x4a: {  	_ =	shalt  }
0x4b: {  	_ =	shalt  }
0x4c: {  	_ =	shalt  }
0x4d: {  	_ =	shalt  }
0x4e: {  	_ =	shalt  }
0x4f: {  	_ =	shalt  }
0x50: {  	_ =	shalt  }
0x51: {  	_ =	shalt  }
0x52: {  	_ =	shalt  }
0x53: {  	_ =	shalt  }
0x54: {  	_ =	shalt  }
0x55: {  	_ =	shalt  }
0x56: {  	_ =	shalt  }
0x57: {  	_ =	shalt  }
0x58: {  	_ =	shalt  }
0x59: {  	_ =	shalt  }
0x5a: {  	_ =	shalt  }
0x5b: {  	_ =	shalt  }
0x5c: {  	_ =	shalt  }
0x5d: {  	_ =	shalt  }
0x5e: {  	_ =	shalt  }
0x5f: {  	_ =	shalt  }
0x60: {  	_ =	shalt  }
0x61: {  	_ =	shalt  }
0x62: {  	_ =	shalt  }
0x63: {  	_ =	shalt  }
0x64: {  	_ =	shalt  }
0x65: {  	_ =	shalt  }
0x66: {  	_ =	shalt  }
0x67: {  	_ =	shalt  }
0x68: {  	_ =	shalt  }
0x69: {  	_ =	shalt  }
0x6a: {  	_ =	shalt  }
0x6b: {  	_ =	shalt  }
0x6c: {  	_ =	shalt  }
0x6d: {  	_ =	shalt  }
0x6e: {  	_ =	shalt  }
0x6f: {  	_ =	shalt  }
0x70: {  	_ =	shalt  }
0x71: {  	_ =	shalt  }
0x72: {  	_ =	shalt  }
0x73: {  	_ =	shalt  }
0x74: {  	_ =	shalt  }
0x75: {  	_ =	shalt  }
0x76: {  	_ =	shalt  }
0x77: {  	_ =	shalt  }
0x78: {  	_ =	shalt  }
0x79: {  	_ =	shalt  }
0x7a: {  	_ =	shalt  }
0x7b: {  	_ =	shalt  }
0x7c: {  	_ =	shalt  }
0x7d: {  	_ =	shalt  }
0x7e: {  	_ =	shalt  }
0x7f: {  	_ =	shalt  }
0x80: {  	_ =	shalt  }
0x81: {  	_ =	shalt  }
0x82: {  	_ =	shalt  }
0x83: {  	_ =	shalt  }
0x84: {  	_ =	shalt  }
0x85: {  	_ =	shalt  }
0x86: {  	_ =	shalt  }
0x87: {  	_ =	shalt  }
.Lfunc_end0:
.L_simem_size_0:
called_computation.2_lowered:
.L_overlay_start_0:
0x88: {  	s2 =	sld [smem:$0x3FD9]  }
0x89: {  	s3 =	sld [smem:$0x3FFE];
	_ =	sdelay $0x1  }
0x8a: {  	s1 =	srdreg.scid  }
0x8b: {  	s0 =	sand.u32 $0x1, s1  }
0x8c: {  	s16 =	sshll.u32 s0, $0xA;
	s2 =	sadd.s32 s3, s2  }
0x8d: {  	s2 =	sadd.s32 s2, s16  }
0x8e: {  	[smem:$0x3FC0] =	sst s2  }
0x8f: {  	_ = 	snop  }
0x90: {  	(tm) =	ssettm $0x1  }
0x91: {  	s17 =	sld [smem:$0x3FFB];
	_ =	sdelay $0x3  }
0x92: {  	_ =	strace s17  }
0x93: {  	s2 =	sld [smem:$0x3FFC];
	_ =	sdelay $0x3  }
0x94: {  	_ =	strace s2  }
0x95: {  	s2 =	sld [smem:$0x3FFD];
	_ =	sdelay $0x3  }
0x96: {  	_ =	strace s2  }
0x97: {  	_ =	strace $0x8FFFFFFF  }
0x98: {  	s18 =	sld [smem:$0x3FDB];
	_ =	sdelay $0x1  }
0x99: {  	s19 =	simm.s32 $_scs_section_size  }
0x9a: {  	s4 =	simm.s32 $_size__tile_overlayer_lowered;
	s5 =	simm.s32 $_tile_overlayer_lowered  }
0x9b: {  	s22 =	simm.s32 $0x1BFF;
	s21 =	sshll.u32 s5, $0x1;
	s2 =	sadd.s32 s19, s18  }
0x9c: {  	s6 =	simm.s32 $0x0;
	s20 =	sshll.u32 s4, $0x1;
	s4 =	sadd.s32 s21, s2  }
0x9d: {  	[timem:s6], [sflag:s22] =	dma.local [hbm:s4], s20  }
0x9e: {  	_ =	swait.ge [sflag:s22], s20  }
0x9f: {  	s3 =	ssub.s32 $0x0, s20;
	[sflag:s22] =	ssyncset.done $0x0  }
0xa0: {  	[sflag:s22] =	ssyncadd.s32 s3;
	_ =	sdelay $0x1  }
0xa1: {  	s23 =	simm.s32 $0x1B8B  }
0xa2: {  	_ =	swait.ge [sflag:s23], $0x1  }
0xa3: {  	[sflag:s23] =	ssyncset.done $0x0  }
0xa4: {  	s25 =	simm.s32 $0x1B8E;
	s24 =	sld [smem:$0x3FFE];
	[sflag:s23] =	ssyncadd.s32 $0xFFFFFFFF  }
0xa5: {  	s26 =	simm.s32 $execute0_lowered;
	[smem:$0x3FD2] =	sst s25  }
0xa6: {  	s4 =	sshll.u32 s26, $0x1;
	_ =	strace $0x8000004C;
	[dreg:$0x1] =	wrdreg $0xFFFFFFFF  }
0xa7: {  	s28 =	simm.s32 $_size_execute0_lowered;
	s2 =	sadd.s32 s2, s4;
	[dreg:$0x0] =	wrdreg $0x0  }
0xa8: {  	s4 =	sshll.u32 s28, $0x1;
	[dreg:$0x2] =	wrdreg s2  }
0xa9: {  	[dreg:$0x3] =	wrdreg s4  }
0xaa: {  	[dreg:$0x4] =	wrdreg $0xC0  }
0xab: {  	_ =	task [dreg:s6], $0x5FFFF  }
0xac: {  	[dreg:$0x1] =	wrdreg $0xFFFFFFFF  }
0xad: {  	[dreg:$0x0] =	wrdreg $0x60  }
0xae: {  	[dreg:$0x2] =	wrdreg s24  }
0xaf: {  	[dreg:$0x3] =	wrdreg $0xA8000  }
0xb0: {  	[dreg:$0x4] =	wrdreg $0x9  }
0xb1: {  	_ =	task.clear_ibuf [dreg:s6], $0x5FFFF;
	_ =	strace $0x9000004C  }
0xb2: {  	s29 =	simm.s32 $0x9;
	_ =	strace $0x8000004E  }
0xb3: {  	_ =	swait.ge [sflag:s29], $0x1  }
0xb4: {  	[sflag:s29] =	ssyncadd.s32 $0xFFFFFFFF  }
0xb5: {  	_ =	strace $0x9000004E  }
0xb6: {  	_ =	sfence  }
0xb7: {  	s30 =	sld [smem:$0x0];
	_ =	sdelay $0x2  }
0xb8: {  	s31 =	sshll.u32 s1, $0xD;
	s1 =	sshrl.u32 s1, $0x2  }
0xb9: {  	s3 =	sand.u32 $0x4000, s31;
	s1 =	sadd.s32 s1, s30  }
0xba: {  	s0 =	sor.u32 s3, s0;
	s1 =	sshll.u32 s1, $0x11  }
0xbb: {  	s0 =	sor.u32 s1, s0  }
0xbc: {  	s0 =	sadd.s32 $0x8F2B, s0  }
0xbd: {  	[sflag:s0] =	ssyncadd.remote.s32 $0x1  }
0xbe: {  	_ =	sfence.sel $0xFFFF  }
0xbf: {  	[dreg:$0x0] =	wrdreg $0xFFFFFFFF;
	(pc) =	sbr.abs _section_cstart, $3  }
0xc0: {  	[dreg:$0x1] =	wrdreg $0xFFFFFFFF  }
0xc1: {  	_ =	task.clear_ibuf [dreg:s6], $0x2FFFF;
	_ =	strace $0x9FFFFFFF  }
0xc2: {  	(tm) =	ssettm $0x7FFFFFFF  }
0xc3: {  	_ =	shalt  }
tec
execute0_lowered:
.L_overlay_start_1:
0x0: {  	(tag) =	ssettag $0x1  }
0x1: {  	s0 =	rddreg [dreg:$0x0]  }
0x2: {  	s2 =	rddreg [dreg:$0x1]  }
0x3: {  	s12 =	stileid.u32;
	s1 =	srdreg.scid  }
0x4: {  	s3 =	simm.s32 $0x0;
	s16 =	simm.s32 $0x5;
	s5 =	smul.u32 $0x2880, s12  }
0x5: {  	s17 =	simm.s32 $0x6;
	s28 =	simm.s32 $0x8800;
	s7 =	smul.u32 $0x14000, s12  }
0x6: {  	s29 =	simm.s32 $0x2;
	s30 =	simm.s32 $0x3;
	s10 =	smul.u32 $0x51000, s12  }
0x7: {  	s31 =	simm.s32 $0x4;
	s1 =	sand.u32 $0x1, s1;
	s11 =	smul.u32 $0x2800, s12  }
0x8: {  	[smem:$0x7FF] =	sst s3;
	s4 =	sadd.s32 $0x30400, s0;
	s22 =	smul.u32 $0x50000, s12  }
0x9: {  	s8 =	sadd.s32 $0xDAC00, s0;
	s9 =	sadd.s32 $0xE4C00, s0;
	s6 =	smul.u32 $0x140000, s1  }
0xa: {  	s20 =	sshll.u32 s12, $0x6;
	_ =	strace $0x8000004D;
	s18 =	smul.u32 $0x28000, s1  }
0xb: {  	s1 =	ssub.s32 $0x2, s1;
	[dreg:$0x4] =	wrdreg s20;
	s5 =	sadd.s32 s5, s0  }
0xc: {  	s19 =	sshrl.u32 s1, $0x1;
	s10 =	sshrl.u32 s10, $0x2;
	s26 =	sshrl.u32 s22, $0x2  }
0xd: {  	s22 =	simm.s32 $0x4800;
	s6 =	sadd.s32 s7, s6;
	s1 =	ssub.s32 s1, s19  }
0xe: {  	s10 =	sadd.s32 s10, s2;
	s7 =	sadd.s32 s11, s18;
	s5 =	sadd.s32 $0x7C00, s5  }
0xf: {  	s18 =	simm.s32 $0x1;
	s19 =	simm.s32 $0x40;
	s11 =	simm.s32 $0x0  }
0x10: {  	s6 =	sshrl.u32 s6, $0x3;
	[dreg:$0x3] =	wrdreg s5;
	s21 =	sshrl.u32 s7, $0x3  }
0x11: {  	s13 =	smax.u32 s1, $0x1;
	s14 =	sshrl.u32 s10, $0x3;
	s1 =	simm.s32 $0x8  }
0x12: {  	s10 =	simm.s32 $0x9;
	s0 =	sadd.s32 s6, s0;
	s6 =	sor.u32 $0x1C01, s20  }
0x13: {  	s7 =	sadd.s32 $0x280, s21;
	s23 =	sadd.s32 s8, s21;
	[dreg:$0x5] =	wrdreg s6  }
0x14: {  	s5 =	sadd.s32 s9, s21;
	s20 =	simm.s32 $0x2800;
	[dreg:$0x6] =	wrdreg s23  }
0x15: {  	s21 =	simm.s32 $0x80;
	[dreg:$0x7] =	wrdreg s5;
	s24 =	sadd.s32 s8, s7  }
0x16: {  	s25 =	sadd.s32 s9, s7;
	s0 =	sadd.s32 $0x80400, s0;
	s23 =	simm.s32 $0x100  }
0x17: {  	s5 =	simm.s32 $0x2600;
	s7 =	simm.s32 $0x2680;
	[dreg:$0x8] =	wrdreg s24  }
0x18: {  	s8 =	simm.s32 $0x2700;
	s9 =	simm.s32 $0x2780;
	[dreg:$0x9] =	wrdreg s25  }
0x19: {  	[dreg:$0xa] =	wrdreg s0;
	s0 =	sadd.s32 s26, s2;
	s24 =	simm.s32 $0x6800  }
0x1a: {  	s26 =	simm.s32 $0x180;
	s25 =	sshrl.u32 s0, $0x3;
	s0 =	simm.s32 $0x7  }
.LBB2_1:
0x1b: {  	s6 =	rddreg [dreg:$0x3]  }
0x1c: {  	s12 =	rddreg [dreg:$0x5]  }
0x1d: {  	[spmem:s14], [sflag:s12] =	dma.local [hbm:s6], $0x2880  }
0x1e: {  	s6 =	rddreg [dreg:$0x6]  }
0x1f: {  	[tilespmem:s3], [sflag:$0x5] =	stream.linear.gather [hbm4b:s6+s3], $0x1400, $0x38;
	[tilespmem:$0x1EC00] =	vst v63  }
0x20: {  	s15 =	simm.s32 $0x1400;
	s12 =	rddreg [dreg:$0x7]  }
0x21: {  	[tilespmem:s15], [sflag:$0x6] =	stream.linear.gather [hbm4b:s12+s3], $0x1400, $0x38;
	[tilespmem:$0x1EC00] =	vst v63  }
0x22: {  	_ =	swait.ge [sflag:s16], $0x1400  }
0x23: {  	[sflag:s16] =	ssyncset.done $0x0  }
0x24: {  	[sflag:s16] =	ssyncadd.s32 $0xFFFFEC00  }
0x25: {  	_ =	swait.ge [sflag:s17], $0x1400  }
0x26: {  	[sflag:s17] =	ssyncset.done $0x0  }
0x27: {  	[sflag:s17] =	ssyncadd.s32 $0xFFFFEC00  }
0x28: {  	_ =	swait.ge [sflag:s18], $0x2880  }
0x29: {  	[sflag:s18] =	ssyncset.done $0x0  }
0x2a: {  	[sflag:s18] =	ssyncadd.s32 $0xFFFFD780  }
0x2b: {  	[bflag:$0x0] =	sbarrier.arrive $0xFFFF  }
0x2c: {  	[tilespmem:s20], [sflag:$0x1] =	stream.indirect.gather [hbm4b:s4+s19], $0x80, s3, s19, $0xb8;
	[tilespmem:$0x1EC00] =	vst v63  }
0x2d: {  	_ = 	snop  }
0x2e: {  	[tilespmem:s22], [sflag:$0x2] =	stream.indirect.gather [hbm4b:s4+s19], $0x80, s21, s19, $0xb8;
	[tilespmem:$0x1EC00] =	vst v63  }
0x2f: {  	_ = 	snop  }
0x30: {  	[tilespmem:s24], [sflag:$0x3] =	stream.indirect.gather [hbm4b:s4+s19], $0x80, s23, s19, $0xb8;
	[tilespmem:$0x1EC00] =	vst v63  }
0x31: {  	_ = 	snop  }
0x32: {  	[tilespmem:s28], [sflag:$0x4] =	stream.indirect.gather [hbm4b:s4+s19], $0x80, s26, s19, $0xb8;
	[tilespmem:$0x1EC00] =	vst v63  }
0x33: {  	_ =	swait.ge [sflag:s18], $0x2000  }
0x34: {  	[sflag:s18] =	ssyncset.done $0x0  }
0x35: {  	s15 =	simm.s32 $0x1400;
	[sflag:s18] =	ssyncadd.s32 $0xFFFFE000  }
0x36: {  	[spmem:s2] =	stream.indirect.scatter.add.f32 [tilespmem:s20], [sflag:$0x5], $0x80, s15, s19, $0xb8;
	[tilespmem:$0x1EC00] =	vst v63  }
0x37: {  	_ =	swait.ge [sflag:s29], $0x2000  }
0x38: {  	[sflag:s29] =	ssyncset.done $0x0  }
0x39: {  	s6 =	simm.s32 $0x1480;
	[sflag:s29] =	ssyncadd.s32 $0xFFFFE000  }
0x3a: {  	[spmem:s2] =	stream.indirect.scatter.add.f32 [tilespmem:s22], [sflag:$0x6], $0x80, s6, s19, $0xb8;
	[tilespmem:$0x1EC00] =	vst v63  }
0x3b: {  	_ =	swait.ge [sflag:s30], $0x2000  }
0x3c: {  	[sflag:s30] =	ssyncset.done $0x0  }
0x3d: {  	s15 =	simm.s32 $0x1500;
	[sflag:s30] =	ssyncadd.s32 $0xFFFFE000  }
0x3e: {  	[spmem:s2] =	stream.indirect.scatter.add.f32 [tilespmem:s24], [sflag:$0x7], $0x80, s15, s19, $0xb8;
	[tilespmem:$0x1EC00] =	vst v63  }
0x3f: {  	_ =	swait.ge [sflag:s31], $0x2000  }
0x40: {  	[sflag:s31] =	ssyncset.done $0x0  }
0x41: {  	s6 =	simm.s32 $0x1580;
	[sflag:s31] =	ssyncadd.s32 $0xFFFFE000  }
0x42: {  	[spmem:s2] =	stream.indirect.scatter.add.f32 [tilespmem:s28], [sflag:$0x8], $0x80, s6, s19, $0xb8;
	[tilespmem:$0x1EC00] =	vst v63  }
0x43: {  	_ =	swait.ge [sflag:s16], $0x2000  }
0x44: {  	[sflag:s16] =	ssyncset.done $0x0  }
0x45: {  	s15 =	simm.s32 $0x200;
	[sflag:s16] =	ssyncadd.s32 $0xFFFFE000  }
0x46: {  	[tilespmem:s20], [sflag:$0x1] =	stream.indirect.gather [hbm4b:s4+s19], $0x80, s15, s19, $0xb8;
	[tilespmem:$0x1EC00] =	vst v63  }
0x47: {  	_ =	swait.ge [sflag:s17], $0x2000  }
0x48: {  	[sflag:s17] =	ssyncset.done $0x0  }
0x49: {  	s6 =	simm.s32 $0x280;
	[sflag:s17] =	ssyncadd.s32 $0xFFFFE000  }
0x4a: {  	[tilespmem:s22], [sflag:$0x2] =	stream.indirect.gather [hbm4b:s4+s19], $0x80, s6, s19, $0xb8;
	[tilespmem:$0x1EC00] =	vst v63  }
0x4b: {  	_ =	swait.ge [sflag:s0], $0x2000  }
0x4c: {  	[sflag:s0] =	ssyncset.done $0x0  }
0x4d: {  	s15 =	simm.s32 $0x300;
	[sflag:s0] =	ssyncadd.s32 $0xFFFFE000  }
0x4e: {  	[tilespmem:s24], [sflag:$0x3] =	stream.indirect.gather [hbm4b:s4+s19], $0x80, s15, s19, $0xb8;
	[tilespmem:$0x1EC00] =	vst v63  }
0x4f: {  	_ =	swait.ge [sflag:s1], $0x2000  }
0x50: {  	[sflag:s1] =	ssyncset.done $0x0  }
0x51: {  	s12 =	simm.s32 $0x380;
	s15 =	simm.s32 $0x800;
	[sflag:s1] =	ssyncadd.s32 $0xFFFFE000  }
.LBB2_2:
0x52: {  	[tilespmem:s28], [sflag:$0x4] =	stream.indirect.gather [hbm4b:s4+s19], $0x80, s12, s19, $0xb8;
	[tilespmem:$0x1EC00] =	vst v63  }
0x53: {  	s12 =	smov.u32 s15  }
0x54: {  	p0 =	sne.s32 s15, $0x4000;
	s15 =	sadd.s32 $0x800, s15;
	_ =	swait.ge [sflag:s18], $0x2000  }
0x55: {  	s12 =	sshra.s32 s12, $0x2;
	[sflag:s18] =	ssyncset.done $0x0  }
0x56: {  	s6 =	sadd.s32 $0x1400, s12;
	[sflag:s18] =	ssyncadd.s32 $0xFFFFE000  }
0x57: {  	[spmem:s2] =	stream.indirect.scatter.add.f32 [tilespmem:s20], [sflag:$0x5], $0x80, s6, s19, $0xb8;
	[tilespmem:$0x1EC00] =	vst v63  }
0x58: {  	_ =	swait.ge [sflag:s29], $0x2000  }
0x59: {  	[sflag:s29] =	ssyncset.done $0x0  }
0x5a: {  	s6 =	sadd.s32 $0x1480, s12;
	[sflag:s29] =	ssyncadd.s32 $0xFFFFE000  }
0x5b: {  	[spmem:s2] =	stream.indirect.scatter.add.f32 [tilespmem:s22], [sflag:$0x6], $0x80, s6, s19, $0xb8;
	[tilespmem:$0x1EC00] =	vst v63  }
0x5c: {  	_ =	swait.ge [sflag:s30], $0x2000  }
0x5d: {  	[sflag:s30] =	ssyncset.done $0x0  }
0x5e: {  	s6 =	sadd.s32 $0x1500, s12;
	[sflag:s30] =	ssyncadd.s32 $0xFFFFE000  }
0x5f: {  	[spmem:s2] =	stream.indirect.scatter.add.f32 [tilespmem:s24], [sflag:$0x7], $0x80, s6, s19, $0xb8;
	[tilespmem:$0x1EC00] =	vst v63  }
0x60: {  	_ =	swait.ge [sflag:s31], $0x2000  }
0x61: {  	[sflag:s31] =	ssyncset.done $0x0  }
0x62: {  	s6 =	sadd.s32 $0x1580, s12;
	[sflag:s31] =	ssyncadd.s32 $0xFFFFE000  }
0x63: {  	[spmem:s2] =	stream.indirect.scatter.add.f32 [tilespmem:s28], [sflag:$0x8], $0x80, s6, s19, $0xb8;
	[tilespmem:$0x1EC00] =	vst v63  }
0x64: {  	_ =	swait.ge [sflag:s16], $0x2000  }
0x65: {  	[sflag:s16] =	ssyncset.done $0x0  }
0x66: {  	s6 =	sadd.s32 $0x200, s12;
	[sflag:s16] =	ssyncadd.s32 $0xFFFFE000  }
0x67: {  	[tilespmem:s20], [sflag:$0x1] =	stream.indirect.gather [hbm4b:s4+s19], $0x80, s6, s19, $0xb8;
	[tilespmem:$0x1EC00] =	vst v63  }
0x68: {  	_ =	swait.ge [sflag:s17], $0x2000  }
0x69: {  	[sflag:s17] =	ssyncset.done $0x0  }
0x6a: {  	s6 =	sadd.s32 $0x280, s12;
	[sflag:s17] =	ssyncadd.s32 $0xFFFFE000  }
0x6b: {  	[tilespmem:s22], [sflag:$0x2] =	stream.indirect.gather [hbm4b:s4+s19], $0x80, s6, s19, $0xb8;
	[tilespmem:$0x1EC00] =	vst v63  }
0x6c: {  	_ =	swait.ge [sflag:s0], $0x2000  }
0x6d: {  	[sflag:s0] =	ssyncset.done $0x0  }
.Ltmp0:
0x6e: {  	s6 =	sadd.s32 $0x300, s12;
	[sflag:s0] =	ssyncadd.s32 $0xFFFFE000;
	(pc) =	sbr.rel @p0 .LBB2_2-.Ltmp0, $4  }
0x6f: {  	[tilespmem:s24], [sflag:$0x3] =	stream.indirect.gather [hbm4b:s4+s19], $0x80, s6, s19, $0xb8;
	[tilespmem:$0x1EC00] =	vst v63  }
0x70: {  	_ =	swait.ge [sflag:s1], $0x2000  }
0x71: {  	[sflag:s1] =	ssyncset.done $0x0  }
0x72: {  	s12 =	sadd.s32 $0x380, s12;
	[sflag:s1] =	ssyncadd.s32 $0xFFFFE000  }
0x73: {  	[tilespmem:s28], [sflag:$0x4] =	stream.indirect.gather [hbm4b:s4+s19], $0x80, s12, s19, $0xb8;
	[tilespmem:$0x1EC00] =	vst v63  }
0x74: {  	_ =	swait.ge [sflag:s18], $0x2000  }
0x75: {  	[sflag:s18] =	ssyncset.done $0x0  }
0x76: {  	[sflag:s18] =	ssyncadd.s32 $0xFFFFE000  }
0x77: {  	[spmem:s2] =	stream.indirect.scatter.add.f32 [tilespmem:s20], [sflag:$0x5], $0x80, s5, s19, $0xb8;
	[tilespmem:$0x1EC00] =	vst v63  }
0x78: {  	_ =	swait.ge [sflag:s29], $0x2000  }
0x79: {  	[sflag:s29] =	ssyncset.done $0x0  }
0x7a: {  	[sflag:s29] =	ssyncadd.s32 $0xFFFFE000  }
0x7b: {  	[spmem:s2] =	stream.indirect.scatter.add.f32 [tilespmem:s22], [sflag:$0x6], $0x80, s7, s19, $0xb8;
	[tilespmem:$0x1EC00] =	vst v63  }
0x7c: {  	_ =	swait.ge [sflag:s30], $0x2000  }
0x7d: {  	[sflag:s30] =	ssyncset.done $0x0  }
0x7e: {  	[sflag:s30] =	ssyncadd.s32 $0xFFFFE000  }
0x7f: {  	[spmem:s2] =	stream.indirect.scatter.add.f32 [tilespmem:s24], [sflag:$0x7], $0x80, s8, s19, $0xb8;
	[tilespmem:$0x1EC00] =	vst v63  }
0x80: {  	_ =	swait.ge [sflag:s31], $0x2000  }
0x81: {  	[sflag:s31] =	ssyncset.done $0x0  }
0x82: {  	[sflag:s31] =	ssyncadd.s32 $0xFFFFE000  }
0x83: {  	[spmem:s2] =	stream.indirect.scatter.add.f32 [tilespmem:s28], [sflag:$0x8], $0x80, s9, s19, $0xb8;
	[tilespmem:$0x1EC00] =	vst v63  }
0x84: {  	_ =	swait.ge [sflag:s16], $0x2000  }
0x85: {  	[sflag:s16] =	ssyncset.done $0x0  }
0x86: {  	[sflag:s16] =	ssyncadd.s32 $0xFFFFE000  }
0x87: {  	_ =	swait.ge [sflag:s17], $0x2000  }
0x88: {  	[sflag:s17] =	ssyncset.done $0x0  }
0x89: {  	[sflag:s17] =	ssyncadd.s32 $0xFFFFE000  }
0x8a: {  	_ =	swait.ge [sflag:s0], $0x2000  }
0x8b: {  	[sflag:s0] =	ssyncset.done $0x0  }
0x8c: {  	[sflag:s0] =	ssyncadd.s32 $0xFFFFE000  }
0x8d: {  	_ =	swait.ge [sflag:s1], $0x2000  }
0x8e: {  	[sflag:s1] =	ssyncset.done $0x0  }
0x8f: {  	s6 =	simm.s32 $0x0;
	s15 =	rddreg [dreg:$0x8];
	[sflag:s1] =	ssyncadd.s32 $0xFFFFE000  }
0x90: {  	[tilespmem:s6], [sflag:$0x5] =	stream.linear.gather [hbm4b:s15+s6], $0x1400, $0x38;
	[tilespmem:$0x1EC00] =	vst v63  }
0x91: {  	s12 =	rddreg [dreg:$0x9];
	s15 =	simm.s32 $0x1400  }
0x92: {  	[tilespmem:s15], [sflag:$0x6] =	stream.linear.gather [hbm4b:s12+s6], $0x1400, $0x38;
	[tilespmem:$0x1EC00] =	vst v63  }
0x93: {  	_ =	swait.ge [sflag:s16], $0x1400  }
0x94: {  	[sflag:s16] =	ssyncset.done $0x0  }
0x95: {  	[sflag:s16] =	ssyncadd.s32 $0xFFFFEC00  }
0x96: {  	_ =	swait.ge [sflag:s17], $0x1400  }
0x97: {  	[sflag:s17] =	ssyncset.done $0x0  }
0x98: {  	[sflag:s17] =	ssyncadd.s32 $0xFFFFEC00  }
0x99: {  	[tilespmem:s20], [sflag:$0x1] =	stream.indirect.gather [hbm4b:s4+s19], $0x80, s6, s19, $0xb8;
	[tilespmem:$0x1EC00] =	vst v63  }
0x9a: {  	_ = 	snop  }
0x9b: {  	[tilespmem:s22], [sflag:$0x2] =	stream.indirect.gather [hbm4b:s4+s19], $0x80, s21, s19, $0xb8;
	[tilespmem:$0x1EC00] =	vst v63  }
0x9c: {  	_ = 	snop  }
0x9d: {  	[tilespmem:s24], [sflag:$0x3] =	stream.indirect.gather [hbm4b:s4+s19], $0x80, s23, s19, $0xb8;
	[tilespmem:$0x1EC00] =	vst v63  }
0x9e: {  	_ = 	snop  }
0x9f: {  	[tilespmem:s28], [sflag:$0x4] =	stream.indirect.gather [hbm4b:s4+s19], $0x80, s26, s19, $0xb8;
	[tilespmem:$0x1EC00] =	vst v63  }
0xa0: {  	_ =	swait.ge [sflag:s18], $0x2000  }
0xa1: {  	[sflag:s18] =	ssyncset.done $0x0  }
0xa2: {  	s15 =	simm.s32 $0x1400;
	[sflag:s18] =	ssyncadd.s32 $0xFFFFE000  }
0xa3: {  	[spmem:s2] =	stream.indirect.scatter.add.f32 [tilespmem:s20], [sflag:$0x5], $0x80, s15, s19, $0xb8;
	[tilespmem:$0x1EC00] =	vst v63  }
0xa4: {  	_ =	swait.ge [sflag:s29], $0x2000  }
0xa5: {  	[sflag:s29] =	ssyncset.done $0x0  }
0xa6: {  	s12 =	simm.s32 $0x1480;
	[sflag:s29] =	ssyncadd.s32 $0xFFFFE000  }
0xa7: {  	[spmem:s2] =	stream.indirect.scatter.add.f32 [tilespmem:s22], [sflag:$0x6], $0x80, s12, s19, $0xb8;
	[tilespmem:$0x1EC00] =	vst v63  }
0xa8: {  	_ =	swait.ge [sflag:s30], $0x2000  }
0xa9: {  	[sflag:s30] =	ssyncset.done $0x0  }
0xaa: {  	s15 =	simm.s32 $0x1500;
	[sflag:s30] =	ssyncadd.s32 $0xFFFFE000  }
0xab: {  	[spmem:s2] =	stream.indirect.scatter.add.f32 [tilespmem:s24], [sflag:$0x7], $0x80, s15, s19, $0xb8;
	[tilespmem:$0x1EC00] =	vst v63  }
0xac: {  	_ =	swait.ge [sflag:s31], $0x2000  }
0xad: {  	[sflag:s31] =	ssyncset.done $0x0  }
0xae: {  	s12 =	simm.s32 $0x1580;
	[sflag:s31] =	ssyncadd.s32 $0xFFFFE000  }
0xaf: {  	[spmem:s2] =	stream.indirect.scatter.add.f32 [tilespmem:s28], [sflag:$0x8], $0x80, s12, s19, $0xb8;
	[tilespmem:$0x1EC00] =	vst v63  }
0xb0: {  	_ =	swait.ge [sflag:s16], $0x2000  }
0xb1: {  	[sflag:s16] =	ssyncset.done $0x0  }
0xb2: {  	s15 =	simm.s32 $0x200;
	[sflag:s16] =	ssyncadd.s32 $0xFFFFE000  }
0xb3: {  	[tilespmem:s20], [sflag:$0x1] =	stream.indirect.gather [hbm4b:s4+s19], $0x80, s15, s19, $0xb8;
	[tilespmem:$0x1EC00] =	vst v63  }
0xb4: {  	_ =	swait.ge [sflag:s17], $0x2000  }
0xb5: {  	[sflag:s17] =	ssyncset.done $0x0  }
0xb6: {  	s12 =	simm.s32 $0x280;
	[sflag:s17] =	ssyncadd.s32 $0xFFFFE000  }
0xb7: {  	[tilespmem:s22], [sflag:$0x2] =	stream.indirect.gather [hbm4b:s4+s19], $0x80, s12, s19, $0xb8;
	[tilespmem:$0x1EC00] =	vst v63  }
0xb8: {  	_ =	swait.ge [sflag:s0], $0x2000  }
0xb9: {  	[sflag:s0] =	ssyncset.done $0x0  }
0xba: {  	s15 =	simm.s32 $0x300;
	[sflag:s0] =	ssyncadd.s32 $0xFFFFE000  }
0xbb: {  	[tilespmem:s24], [sflag:$0x3] =	stream.indirect.gather [hbm4b:s4+s19], $0x80, s15, s19, $0xb8;
	[tilespmem:$0x1EC00] =	vst v63  }
0xbc: {  	_ =	swait.ge [sflag:s1], $0x2000  }
0xbd: {  	[sflag:s1] =	ssyncset.done $0x0  }
0xbe: {  	s12 =	simm.s32 $0x380;
	s15 =	simm.s32 $0x800;
	[sflag:s1] =	ssyncadd.s32 $0xFFFFE000  }
.LBB2_4:
0xbf: {  	[tilespmem:s28], [sflag:$0x4] =	stream.indirect.gather [hbm4b:s4+s19], $0x80, s12, s19, $0xb8;
	[tilespmem:$0x1EC00] =	vst v63  }
0xc0: {  	s6 =	smov.u32 s15  }
0xc1: {  	p0 =	sne.s32 s15, $0x4000;
	s15 =	sadd.s32 $0x800, s15;
	_ =	swait.ge [sflag:s18], $0x2000  }
0xc2: {  	s12 =	sshra.s32 s6, $0x2;
	[sflag:s18] =	ssyncset.done $0x0  }
0xc3: {  	s6 =	sadd.s32 $0x1400, s12;
	[sflag:s18] =	ssyncadd.s32 $0xFFFFE000  }
0xc4: {  	[spmem:s2] =	stream.indirect.scatter.add.f32 [tilespmem:s20], [sflag:$0x5], $0x80, s6, s19, $0xb8;
	[tilespmem:$0x1EC00] =	vst v63  }
0xc5: {  	_ =	swait.ge [sflag:s29], $0x2000  }
0xc6: {  	[sflag:s29] =	ssyncset.done $0x0  }
0xc7: {  	s6 =	sadd.s32 $0x1480, s12;
	[sflag:s29] =	ssyncadd.s32 $0xFFFFE000  }
0xc8: {  	[spmem:s2] =	stream.indirect.scatter.add.f32 [tilespmem:s22], [sflag:$0x6], $0x80, s6, s19, $0xb8;
	[tilespmem:$0x1EC00] =	vst v63  }
0xc9: {  	_ =	swait.ge [sflag:s30], $0x2000  }
0xca: {  	[sflag:s30] =	ssyncset.done $0x0  }
0xcb: {  	s6 =	sadd.s32 $0x1500, s12;
	[sflag:s30] =	ssyncadd.s32 $0xFFFFE000  }
0xcc: {  	[spmem:s2] =	stream.indirect.scatter.add.f32 [tilespmem:s24], [sflag:$0x7], $0x80, s6, s19, $0xb8;
	[tilespmem:$0x1EC00] =	vst v63  }
0xcd: {  	_ =	swait.ge [sflag:s31], $0x2000  }
0xce: {  	[sflag:s31] =	ssyncset.done $0x0  }
0xcf: {  	s6 =	sadd.s32 $0x1580, s12;
	[sflag:s31] =	ssyncadd.s32 $0xFFFFE000  }
0xd0: {  	[spmem:s2] =	stream.indirect.scatter.add.f32 [tilespmem:s28], [sflag:$0x8], $0x80, s6, s19, $0xb8;
	[tilespmem:$0x1EC00] =	vst v63  }
0xd1: {  	_ =	swait.ge [sflag:s16], $0x2000  }
0xd2: {  	[sflag:s16] =	ssyncset.done $0x0  }
0xd3: {  	s6 =	sadd.s32 $0x200, s12;
	[sflag:s16] =	ssyncadd.s32 $0xFFFFE000  }
0xd4: {  	[tilespmem:s20], [sflag:$0x1] =	stream.indirect.gather [hbm4b:s4+s19], $0x80, s6, s19, $0xb8;
	[tilespmem:$0x1EC00] =	vst v63  }
0xd5: {  	_ =	swait.ge [sflag:s17], $0x2000  }
0xd6: {  	[sflag:s17] =	ssyncset.done $0x0  }
0xd7: {  	s6 =	sadd.s32 $0x280, s12;
	[sflag:s17] =	ssyncadd.s32 $0xFFFFE000  }
0xd8: {  	[tilespmem:s22], [sflag:$0x2] =	stream.indirect.gather [hbm4b:s4+s19], $0x80, s6, s19, $0xb8;
	[tilespmem:$0x1EC00] =	vst v63  }
0xd9: {  	_ =	swait.ge [sflag:s0], $0x2000  }
0xda: {  	[sflag:s0] =	ssyncset.done $0x0  }
.Ltmp1:
0xdb: {  	s6 =	sadd.s32 $0x300, s12;
	[sflag:s0] =	ssyncadd.s32 $0xFFFFE000;
	(pc) =	sbr.rel @p0 .LBB2_4-.Ltmp1, $4  }
0xdc: {  	[tilespmem:s24], [sflag:$0x3] =	stream.indirect.gather [hbm4b:s4+s19], $0x80, s6, s19, $0xb8;
	[tilespmem:$0x1EC00] =	vst v63  }
0xdd: {  	_ =	swait.ge [sflag:s1], $0x2000  }
0xde: {  	[sflag:s1] =	ssyncset.done $0x0  }
0xdf: {  	s12 =	sadd.s32 $0x380, s12;
	[sflag:s1] =	ssyncadd.s32 $0xFFFFE000  }
0xe0: {  	[tilespmem:s28], [sflag:$0x4] =	stream.indirect.gather [hbm4b:s4+s19], $0x80, s12, s19, $0xb8;
	[tilespmem:$0x1EC00] =	vst v63  }
0xe1: {  	_ =	swait.ge [sflag:s18], $0x2000  }
0xe2: {  	[sflag:s18] =	ssyncset.done $0x0  }
0xe3: {  	[sflag:s18] =	ssyncadd.s32 $0xFFFFE000  }
0xe4: {  	[spmem:s2] =	stream.indirect.scatter.add.f32 [tilespmem:s20], [sflag:$0x5], $0x80, s5, s19, $0xb8;
	[tilespmem:$0x1EC00] =	vst v63  }
0xe5: {  	_ =	swait.ge [sflag:s29], $0x2000  }
0xe6: {  	[sflag:s29] =	ssyncset.done $0x0  }
0xe7: {  	[sflag:s29] =	ssyncadd.s32 $0xFFFFE000  }
0xe8: {  	[spmem:s2] =	stream.indirect.scatter.add.f32 [tilespmem:s22], [sflag:$0x6], $0x80, s7, s19, $0xb8;
	[tilespmem:$0x1EC00] =	vst v63  }
0xe9: {  	_ =	swait.ge [sflag:s30], $0x2000  }
0xea: {  	[sflag:s30] =	ssyncset.done $0x0  }
0xeb: {  	[sflag:s30] =	ssyncadd.s32 $0xFFFFE000  }
0xec: {  	[spmem:s2] =	stream.indirect.scatter.add.f32 [tilespmem:s24], [sflag:$0x7], $0x80, s8, s19, $0xb8;
	[tilespmem:$0x1EC00] =	vst v63  }
0xed: {  	_ =	swait.ge [sflag:s31], $0x2000  }
0xee: {  	[sflag:s31] =	ssyncset.done $0x0  }
0xef: {  	[sflag:s31] =	ssyncadd.s32 $0xFFFFE000  }
0xf0: {  	[spmem:s2] =	stream.indirect.scatter.add.f32 [tilespmem:s28], [sflag:$0x8], $0x80, s9, s19, $0xb8;
	[tilespmem:$0x1EC00] =	vst v63  }
0xf1: {  	_ =	swait.ge [sflag:s16], $0x2000  }
0xf2: {  	[sflag:s16] =	ssyncset.done $0x0  }
0xf3: {  	[sflag:s16] =	ssyncadd.s32 $0xFFFFE000  }
0xf4: {  	_ =	swait.ge [sflag:s17], $0x2000  }
0xf5: {  	[sflag:s17] =	ssyncset.done $0x0  }
0xf6: {  	[sflag:s17] =	ssyncadd.s32 $0xFFFFE000  }
0xf7: {  	_ =	swait.ge [sflag:s0], $0x2000  }
0xf8: {  	[sflag:s0] =	ssyncset.done $0x0  }
0xf9: {  	[sflag:s0] =	ssyncadd.s32 $0xFFFFE000  }
0xfa: {  	_ =	swait.ge [sflag:s1], $0x2000  }
0xfb: {  	[sflag:s1] =	ssyncset.done $0x0  }
0xfc: {  	[sflag:s1] =	ssyncadd.s32 $0xFFFFE000  }
0xfd: {  	s11 =	sadd.s32 $0x1, s11;
	[bflag:$0x0] =	sbarrier.arrive $0xFFFF  }
0xfe: {  	p0 =	sne.s32 s11, s13;
	s6 =	rddreg [dreg:$0x4]  }
.Ltmp2:
0xff: {  	s15 =	rddreg [dreg:$0xa];
	s6 =	sor.u32 $0x1C09, s6;
	(pc) =	sbr.rel @p0 .LBB2_1-.Ltmp2, $4  }
0x100: {  	[hbm:s15], [sflag:s6] =	dma.local [spmem:s25], $0x2800  }
0x101: {  	_ =	swait.ge [sflag:s10], $0x2800  }
0x102: {  	[sflag:s10] =	ssyncset.done $0x0  }
0x103: {  	[sflag:s10] =	ssyncadd.s32 $0xFFFFD800  }
0x104: {  	_ =	sfence.sel $0x180000  }
0x105: {  	[bflag:$0x0] =	sbarrier.arrive $0xFFFF  }
0x106: {  	_ =	strace $0x9000004D  }
0x107: {  	s0 =	stileid.u32;
	[bflag:$0x2] =	sbarrier.arrive $0xFFFF  }
0x108: {  	p0 =	sne.s32 s0, $0x0;
	s0 =	rddreg [dreg:$0x2]  }
0x109: {  	s0 =	sadd.s32 @!p0 $0x100000, s0  }
0x10a: {  	[sflag:s0] =	ssyncadd.tile.s32 @!p0 $0x1;
	_ =	shalt  }
.Lfunc_end2:
_tile_overlayer_lowered:
.L_overlay_start_2:
0x10b: {  	(tag) =	ssettag $0x2  }
0x10c: {  	s0 =	rddreg [dreg:$0x0];
	s2 =	stileid.u32  }
0x10d: {  	s1 =	rddreg [dreg:$0x1];
	p0 =	sne.s32 s2, $0x0  }
0x10e: {  	s3 =	rddreg [dreg:$0x2];
	[bflag:$0x3] =	sbarrier.arrive $0xFFFF;
	s2 =	simm.s32 @!p0 $0x1C09  }
0x10f: {  	[timem:s3], [sflag:s2] =	dma.local @!p0 [hbm:s0], s1  }
0x110: {  	s0 =	simm.s32 @!p0 $0x9  }
0x111: {  	_ =	swait.ge @!p0 [sflag:s0], s1  }
0x112: {  	s1 =	ssub.s32 @!p0 $0x0, s1;
	[sflag:s0] =	ssyncset.done @!p0 $0x0  }
0x113: {  	[sflag:s0] =	ssyncadd.s32 @!p0 s1  }
0x114: {  	[bflag:$0x3] =	sbarrier.arrive $0xFFFF  }
0x115: {  	_ =	shalt  }

// kernel: kernel.8.cloned.1.call-start
scs
__scs_entry_jumppad:
0x0: {  	(pc) =	sbr.rel $0x88, $3  }
0x1: {  	(tag) =	ssettag $0x0;
	lr =	simm.s32 $0x1  }
0x2: {  	[smem:$0x3F99] =	sst lr;
	_ =	strace $0xD0000000  }
0x3: {  	_ = 	snop  }
0x4: {  	_ = 	snop  }
0x5: {  	_ = 	snop  }
0x6: {  	_ = 	snop  }
0x7: {  	_ = 	snop  }
__scs_overlays_trampoline_lowered:
0x8: {  	[smem:$0x3FA8] =	sst s0  }
0x9: {  	[smem:$0x3FA9] =	sst s1  }
0xa: {  	[smem:$0x3FAA] =	sst s2  }
0xb: {  	[smem:$0x3FAB] =	sst s3  }
0xc: {  	[smem:$0x3FAC] =	sst s4  }
0xd: {  	[smem:$0x3FAD] =	sst s5  }
0xe: {  	[smem:$0x3FAE] =	sst s6  }
0xf: {  	[smem:$0x3FAF] =	sst s7  }
0x10: {  	[smem:$0x3FB0] =	sst s8  }
0x11: {  	[smem:$0x3FB1] =	sst s9;
	s0 =	simm.s32 @!p0 $0x0  }
0x12: {  	s1 =	sld [smem:$0x3F97];
	s0 =	simm.s32 @p0 $0x1  }
0x13: {  	[smem:$0x3FB2] =	sst s0;
	s0 =	simm.s32 @!p1 $0x0  }
0x14: {  	s2 =	sld [smem:$0x3F96];
	s0 =	simm.s32 @p1 $0x1  }
0x15: {  	[smem:$0x3FB3] =	sst s0;
	s0 =	simm.s32 @!p2 $0x0  }
0x16: {  	s3 =	sld [smem:$0x3FDB];
	s0 =	simm.s32 @p2 $0x1  }
0x17: {  	s4 =	simm.s32 $0x1BF5;
	[smem:$0x3FB5] =	sst s0  }
0x18: {  	s0 =	sld [smem:$0x3F98];
	_ =	swait.ge [sflag:s4], $0x0  }
0x19: {  	s7 =	sld [smem:$0x3F99]  }
0x1a: {  	s8 =	sadd.s32 $0xFFFFE003, lr  }
0x1b: {  	s9 =	sadd.s32 $0xFFFFFEF7, lr;
	s5 =	simm.s32 $0xFFFFFFFF;
	p2 =	slt.u32 s8, $0xFFFFF086  }
0x1c: {  	p1 =	slt.u32 s9, $0xF7A;
	s5 =	simm.s32 @!p2 $0x0  }
0x1d: {  	s5 =	simm.s32 @p1 $0x1;
	p0 =	seq.s32 s7, s2  }
0x1e: {  	s7 =	smul.u32 @!p0 $0xF7A, s2;
	p2 =	seq.s32 @!p0 s5, $0x0  }
0x1f: {  	s9 =	smul.u32 $0xF7A, s1;
	s8 =	simm.s32 @!p0 $0x1BF5;
	p2 =	por !p2, p0  }
0x20: {  	[sflag:s8] =	ssyncset.s32 @!p0 $0xFFFFF086;
	s6 =	sadd.s32 @!p0 s3, s7;
	s7 =	simm.s32 @!p0 $0x108  }
0x21: {  	s3 =	sadd.s32 s3, s9;
	s6 =	sadd.s32 @!p0 $0x88, s6;
	s7 =	simm.s32 @p2 $0x1082  }
0x22: {  	[simem:s7], [sflag:s8] =	dma.local @!p0 [hbm:s6], $0xF7A  }
0x23: {  	s9 =	sor.u32 $0xD0000000, s2;
	s6 =	simm.s32 $0x108;
	_ =	swait.ge @!p0 [sflag:s8], $0x0  }
0x24: {  	s3 =	sadd.s32 $0x88, s3;
	s6 =	simm.s32 @!p1 $0x1082;
	[sflag:s4] =	ssyncset.s32 $0xFFFFF086  }
0x25: {  	[simem:s6], [sflag:s4] =	dma.local [hbm:s3], $0xF7A  }
0x26: {  	[smem:$0x3F99] =	sst s1;
	(tag) =	ssettag s2;
	_ =	strace s9  }
0x27: {  	s1 =	sld [smem:$0x3FA9]  }
0x28: {  	s2 =	sld [smem:$0x3FAA]  }
0x29: {  	s4 =	sld [smem:$0x3FAC]  }
0x2a: {  	p0 =	seq.s32 s5, $0x0;
	s5 =	sld [smem:$0x3FAD]  }
0x2b: {  	s6 =	sld [smem:$0x3FAE]  }
0x2c: {  	s7 =	sld [smem:$0x3FAF]  }
0x2d: {  	s3 =	simm.s32 $0x108;
	s8 =	sld [smem:$0x3FB0]  }
0x2e: {  	s3 =	simm.s32 @!p0 $0x1082;
	s9 =	sld [smem:$0x3FB1]  }
0x2f: {  	lr =	sadd.s32 s0, s3;
	s0 =	sld [smem:$0x3FA8]  }
0x30: {  	s3 =	sld [smem:$0x3FAB]  }
0x31: {  	[smem:$0x3FB4] =	sst s10  }
0x32: {  	s10 =	sld [smem:$0x3FB2];
	_ =	sdelay $0x3  }
0x33: {  	p0 =	seq.s32 s10, $0x1;
	s10 =	sld [smem:$0x3FB4];
	_ =	sdelay $0x3  }
0x34: {  	[smem:$0x3FB4] =	sst s10  }
0x35: {  	s10 =	sld [smem:$0x3FB3];
	_ =	sdelay $0x3  }
0x36: {  	p1 =	seq.s32 s10, $0x1;
	s10 =	sld [smem:$0x3FB4];
	_ =	sdelay $0x3  }
0x37: {  	[smem:$0x3FB4] =	sst s10  }
0x38: {  	s10 =	sld [smem:$0x3FB5]  }
0x39: {  	_ = 	snop;
	(pc) =	sbr.ind lr, $3  }
0x3a: {  	_ = 	snop  }
0x3b: {  	_ = 	snop  }
0x3c: {  	p2 =	seq.s32 s10, $0x1;
	s10 =	sld [smem:$0x3FB4]  }
0x3d: {  	_ =	shalt  }
0x3e: {  	_ =	shalt  }
0x3f: {  	_ =	shalt  }
0x40: {  	_ =	shalt  }
0x41: {  	_ =	shalt  }
0x42: {  	_ =	shalt  }
0x43: {  	_ =	shalt  }
0x44: {  	_ =	shalt  }
0x45: {  	_ =	shalt  }
0x46: {  	_ =	shalt  }
0x47: {  	_ =	shalt  }
0x48: {  	_ =	shalt  }
0x49: {  	_ =	shalt  }
0x4a: {  	_ =	shalt  }
0x4b: {  	_ =	shalt  }
0x4c: {  	_ =	shalt  }
0x4d: {  	_ =	shalt  }
0x4e: {  	_ =	shalt  }
0x4f: {  	_ =	shalt  }
0x50: {  	_ =	shalt  }
0x51: {  	_ =	shalt  }
0x52: {  	_ =	shalt  }
0x53: {  	_ =	shalt  }
0x54: {  	_ =	shalt  }
0x55: {  	_ =	shalt  }
0x56: {  	_ =	shalt  }
0x57: {  	_ =	shalt  }
0x58: {  	_ =	shalt  }
0x59: {  	_ =	shalt  }
0x5a: {  	_ =	shalt  }
0x5b: {  	_ =	shalt  }
0x5c: {  	_ =	shalt  }
0x5d: {  	_ =	shalt  }
0x5e: {  	_ =	shalt  }
0x5f: {  	_ =	shalt  }
0x60: {  	_ =	shalt  }
0x61: {  	_ =	shalt  }
0x62: {  	_ =	shalt  }
0x63: {  	_ =	shalt  }
0x64: {  	_ =	shalt  }
0x65: {  	_ =	shalt  }
0x66: {  	_ =	shalt  }
0x67: {  	_ =	shalt  }
0x68: {  	_ =	shalt  }
0x69: {  	_ =	shalt  }
0x6a: {  	_ =	shalt  }
0x6b: {  	_ =	shalt  }
0x6c: {  	_ =	shalt  }
0x6d: {  	_ =	shalt  }
0x6e: {  	_ =	shalt  }
0x6f: {  	_ =	shalt  }
0x70: {  	_ =	shalt  }
0x71: {  	_ =	shalt  }
0x72: {  	_ =	shalt  }
0x73: {  	_ =	shalt  }
0x74: {  	_ =	shalt  }
0x75: {  	_ =	shalt  }
0x76: {  	_ =	shalt  }
0x77: {  	_ =	shalt  }
0x78: {  	_ =	shalt  }
0x79: {  	_ =	shalt  }
0x7a: {  	_ =	shalt  }
0x7b: {  	_ =	shalt  }
0x7c: {  	_ =	shalt  }
0x7d: {  	_ =	shalt  }
0x7e: {  	_ =	shalt  }
0x7f: {  	_ =	shalt  }
0x80: {  	_ =	shalt  }
0x81: {  	_ =	shalt  }
0x82: {  	_ =	shalt  }
0x83: {  	_ =	shalt  }
0x84: {  	_ =	shalt  }
0x85: {  	_ =	shalt  }
0x86: {  	_ =	shalt  }
0x87: {  	_ =	shalt  }
.Lfunc_end0:
.L_simem_size_0:
called_computation_lowered:
.L_overlay_start_0:
0x88: {  	s2 =	sld [smem:$0x3FD9]  }
0x89: {  	s3 =	sld [smem:$0x3FFE];
	_ =	sdelay $0x1  }
0x8a: {  	s1 =	srdreg.scid  }
0x8b: {  	s0 =	sand.u32 $0x1, s1  }
0x8c: {  	s16 =	sshll.u32 s0, $0xA;
	s2 =	sadd.s32 s3, s2  }
0x8d: {  	s2 =	sadd.s32 s2, s16  }
0x8e: {  	[smem:$0x3FC0] =	sst s2  }
0x8f: {  	_ = 	snop  }
0x90: {  	(tm) =	ssettm $0x1  }
0x91: {  	s17 =	sld [smem:$0x3FFB];
	_ =	sdelay $0x3  }
0x92: {  	_ =	strace s17  }
0x93: {  	s2 =	sld [smem:$0x3FFC];
	_ =	sdelay $0x3  }
0x94: {  	_ =	strace s2  }
0x95: {  	s2 =	sld [smem:$0x3FFD];
	_ =	sdelay $0x3  }
0x96: {  	_ =	strace s2  }
0x97: {  	_ =	strace $0x8FFFFFFF  }
0x98: {  	s18 =	sld [smem:$0x3FDB];
	_ =	sdelay $0x1  }
0x99: {  	s19 =	simm.s32 $_scs_section_size  }
0x9a: {  	s4 =	simm.s32 $_size__tile_overlayer_lowered;
	s5 =	simm.s32 $_tile_overlayer_lowered  }
0x9b: {  	s22 =	simm.s32 $0x1BFF;
	s21 =	sshll.u32 s5, $0x1;
	s2 =	sadd.s32 s19, s18  }
0x9c: {  	s6 =	simm.s32 $0x0;
	s20 =	sshll.u32 s4, $0x1;
	s4 =	sadd.s32 s21, s2  }
0x9d: {  	[timem:s6], [sflag:s22] =	dma.local [hbm:s4], s20  }
0x9e: {  	_ =	swait.ge [sflag:s22], s20  }
0x9f: {  	s3 =	ssub.s32 $0x0, s20;
	[sflag:s22] =	ssyncset.done $0x0  }
0xa0: {  	[sflag:s22] =	ssyncadd.s32 s3;
	_ =	sdelay $0x1  }
0xa1: {  	s23 =	simm.s32 $0x1B8B  }
0xa2: {  	_ =	swait.ge [sflag:s23], $0x1  }
0xa3: {  	[sflag:s23] =	ssyncset.done $0x0  }
0xa4: {  	s25 =	simm.s32 $0x1B8E;
	s24 =	sld [smem:$0x3FFE];
	[sflag:s23] =	ssyncadd.s32 $0xFFFFFFFF  }
0xa5: {  	s26 =	simm.s32 $execute0_lowered;
	[smem:$0x3FD2] =	sst s25  }
0xa6: {  	s4 =	sshll.u32 s26, $0x1;
	_ =	strace $0x80000046;
	[dreg:$0x1] =	wrdreg $0xFFFFFFFF  }
0xa7: {  	s28 =	simm.s32 $_size_execute0_lowered;
	s2 =	sadd.s32 s2, s4;
	[dreg:$0x0] =	wrdreg $0x0  }
0xa8: {  	s4 =	sshll.u32 s28, $0x1;
	[dreg:$0x2] =	wrdreg s2  }
0xa9: {  	[dreg:$0x3] =	wrdreg s4  }
0xaa: {  	[dreg:$0x4] =	wrdreg $0xC0  }
0xab: {  	_ =	task [dreg:s6], $0x5FFFF  }
0xac: {  	[dreg:$0x1] =	wrdreg $0xFFFFFFFF  }
0xad: {  	[dreg:$0x0] =	wrdreg $0x60  }
0xae: {  	[dreg:$0x2] =	wrdreg s24  }
0xaf: {  	[dreg:$0x3] =	wrdreg $0x54000  }
0xb0: {  	[dreg:$0x4] =	wrdreg $0x9  }
0xb1: {  	_ =	task.clear_ibuf [dreg:s6], $0x5FFFF;
	_ =	strace $0x90000046  }
0xb2: {  	s29 =	simm.s32 $0x9;
	_ =	strace $0x80000048  }
0xb3: {  	_ =	swait.ge [sflag:s29], $0x1  }
0xb4: {  	[sflag:s29] =	ssyncadd.s32 $0xFFFFFFFF  }
0xb5: {  	_ =	strace $0x90000048  }
0xb6: {  	_ =	sfence  }
0xb7: {  	s30 =	sld [smem:$0x0];
	_ =	sdelay $0x2  }
0xb8: {  	s31 =	sshll.u32 s1, $0xD;
	s1 =	sshrl.u32 s1, $0x2  }
0xb9: {  	s3 =	sand.u32 $0x4000, s31;
	s1 =	sadd.s32 s1, s30  }
0xba: {  	s0 =	sor.u32 s3, s0;
	s1 =	sshll.u32 s1, $0x11  }
0xbb: {  	s0 =	sor.u32 s1, s0  }
0xbc: {  	s0 =	sadd.s32 $0x8F2B, s0  }
0xbd: {  	[sflag:s0] =	ssyncadd.remote.s32 $0x1  }
0xbe: {  	_ =	sfence.sel $0xFFFF  }
0xbf: {  	[dreg:$0x0] =	wrdreg $0xFFFFFFFF;
	(pc) =	sbr.abs _section_cstart, $3  }
0xc0: {  	[dreg:$0x1] =	wrdreg $0xFFFFFFFF  }
0xc1: {  	_ =	task.clear_ibuf [dreg:s6], $0x2FFFF;
	_ =	strace $0x9FFFFFFF  }
0xc2: {  	(tm) =	ssettm $0x7FFFFFFF  }
0xc3: {  	_ =	shalt  }
tec
execute0_lowered:
.L_overlay_start_1:
0x0: {  	(tag) =	ssettag $0x1  }
0x1: {  	s0 =	srdreg.scid;
	s1 =	rddreg [dreg:$0x0]  }
0x2: {  	s11 =	stileid.u32;
	s2 =	rddreg [dreg:$0x1]  }
0x3: {  	s3 =	simm.s32 $0x0;
	s12 =	simm.s32 $0x1400;
	s13 =	simm.s32 $0x80  }
0x4: {  	s19 =	simm.s32 $0xC80;
	s20 =	simm.s32 $0xD00;
	s4 =	smul.u32 $0x2800, s11  }
0x5: {  	s28 =	simm.s32 $0x1000;
	s29 =	simm.s32 $0x1080;
	s6 =	smul.u32 $0x14000, s11  }
0x6: {  	s30 =	simm.s32 $0x1100;
	s31 =	simm.s32 $0x1180;
	s8 =	smul.u32 $0x2880, s11  }
0x7: {  	s14 =	simm.s32 $0x1300;
	s15 =	simm.s32 $0x1380;
	s22 =	smul.u32 $0x51000, s11  }
0x8: {  	s16 =	simm.s32 $0x1;
	s0 =	sand.u32 $0x1, s0;
	s9 =	smul.u32 $0x50000, s11  }
0x9: {  	s17 =	simm.s32 $0x0;
	[smem:$0x7FF] =	sst s3;
	s5 =	smul.u32 $0x1400, s0  }
0xa: {  	s25 =	sshll.u32 s11, $0x6;
	s11 =	simm.s32 $0x2;
	s21 =	smul.u32 $0x140000, s0  }
0xb: {  	_ =	strace $0x80000047;
	s0 =	ssub.s32 $0x2, s0;
	s8 =	sadd.s32 s8, s1  }
0xc: {  	s23 =	sshrl.u32 s0, $0x1;
	s24 =	sshrl.u32 s22, $0x2;
	s9 =	sshrl.u32 s9, $0x2  }
0xd: {  	s22 =	simm.s32 $0xE00;
	s4 =	sadd.s32 s5, s4;
	s5 =	sadd.s32 s6, s21  }
0xe: {  	s0 =	ssub.s32 s0, s23;
	s10 =	sadd.s32 s24, s2;
	s6 =	sor.u32 $0x1C02, s25  }
0xf: {  	s26 =	sadd.s32 s9, s2;
	s21 =	simm.s32 $0xD80;
	s23 =	simm.s32 $0xE80  }
0x10: {  	s24 =	simm.s32 $0xF00;
	s4 =	sshrl.u32 s4, $0x3;
	s5 =	sshrl.u32 s5, $0x3  }
0x11: {  	s9 =	smax.u32 s0, $0x1;
	s10 =	sshrl.u32 s10, $0x3;
	s25 =	sshrl.u32 s26, $0x3  }
0x12: {  	s26 =	simm.s32 $0xF80;
	s0 =	simm.s32 $0x1280;
	s7 =	sadd.s32 s4, s1  }
0x13: {  	s4 =	sadd.s32 $0x30400, s1;
	s1 =	sadd.s32 s5, s1;
	s5 =	sadd.s32 $0x7C00, s8  }
0x14: {  	s7 =	sadd.s32 $0x2C00, s7;
	s8 =	sadd.s32 $0x30C00, s1;
	s1 =	simm.s32 $0x1200  }
.LBB2_1:
0x15: {  	[spmem:s10], [sflag:s6] =	dma.local [hbm:s5], $0x2880  }
0x16: {  	_ =	swait.ge [sflag:s11], $0x2880  }
0x17: {  	[sflag:s11] =	ssyncset.done $0x0  }
0x18: {  	[sflag:s11] =	ssyncadd.s32 $0xFFFFD780  }
0x19: {  	[tilespmem:s12], [sflag:$0x2] =	stream.linear.gather [hbm4b:s4+s3], $0x4000, $0x38;
	[tilespmem:$0x19800] =	vst v63  }
0x1a: {  	_ =	swait.ge [sflag:s11], $0x4000  }
0x1b: {  	[sflag:s11] =	ssyncset.done $0x0  }
0x1c: {  	[sflag:s11] =	ssyncadd.s32 $0xFFFFC000  }
0x1d: {  	[tilespmem:s3], [sflag:$0x2] =	stream.linear.gather [hbm4b:s7+s3], $0x1400, $0x38;
	[tilespmem:$0x19800] =	vst v63  }
0x1e: {  	_ =	swait.ge [sflag:s11], $0x1400  }
0x1f: {  	[sflag:s11] =	ssyncset.done $0x0  }
0x20: {  	[sflag:s11] =	ssyncadd.s32 $0xFFFFEC00  }
0x21: {  	[bflag:$0x0] =	sbarrier.arrive $0xFFFF  }
0x22: {  	[spmem:s2] =	stream.indirect.scatter.add.f32 [tilespmem:s12], [sflag:$0x1], $0x80, s3, s13, $0xb8;
	[tilespmem:$0x19800] =	vst v63  }
0x23: {  	_ = 	snop  }
0x24: {  	[spmem:s2] =	stream.indirect.scatter.add.f32 [tilespmem:s12], [sflag:$0x1], $0x80, s13, s13, $0xb8;
	[tilespmem:$0x19800] =	vst v63  }
0x25: {  	s18 =	simm.s32 $0x100  }
0x26: {  	[spmem:s2] =	stream.indirect.scatter.add.f32 [tilespmem:s12], [sflag:$0x1], $0x80, s18, s13, $0xb8;
	[tilespmem:$0x19800] =	vst v63  }
0x27: {  	s18 =	simm.s32 $0x180  }
0x28: {  	[spmem:s2] =	stream.indirect.scatter.add.f32 [tilespmem:s12], [sflag:$0x1], $0x80, s18, s13, $0xb8;
	[tilespmem:$0x19800] =	vst v63  }
0x29: {  	s18 =	simm.s32 $0x200  }
0x2a: {  	[spmem:s2] =	stream.indirect.scatter.add.f32 [tilespmem:s12], [sflag:$0x1], $0x80, s18, s13, $0xb8;
	[tilespmem:$0x19800] =	vst v63  }
0x2b: {  	s18 =	simm.s32 $0x280  }
0x2c: {  	[spmem:s2] =	stream.indirect.scatter.add.f32 [tilespmem:s12], [sflag:$0x1], $0x80, s18, s13, $0xb8;
	[tilespmem:$0x19800] =	vst v63  }
0x2d: {  	s18 =	simm.s32 $0x300  }
0x2e: {  	[spmem:s2] =	stream.indirect.scatter.add.f32 [tilespmem:s12], [sflag:$0x1], $0x80, s18, s13, $0xb8;
	[tilespmem:$0x19800] =	vst v63  }
0x2f: {  	s18 =	simm.s32 $0x380  }
0x30: {  	[spmem:s2] =	stream.indirect.scatter.add.f32 [tilespmem:s12], [sflag:$0x1], $0x80, s18, s13, $0xb8;
	[tilespmem:$0x19800] =	vst v63  }
0x31: {  	s18 =	simm.s32 $0x400  }
0x32: {  	[spmem:s2] =	stream.indirect.scatter.add.f32 [tilespmem:s12], [sflag:$0x1], $0x80, s18, s13, $0xb8;
	[tilespmem:$0x19800] =	vst v63  }
0x33: {  	s18 =	simm.s32 $0x480  }
0x34: {  	[spmem:s2] =	stream.indirect.scatter.add.f32 [tilespmem:s12], [sflag:$0x1], $0x80, s18, s13, $0xb8;
	[tilespmem:$0x19800] =	vst v63  }
0x35: {  	s18 =	simm.s32 $0x500  }
0x36: {  	[spmem:s2] =	stream.indirect.scatter.add.f32 [tilespmem:s12], [sflag:$0x1], $0x80, s18, s13, $0xb8;
	[tilespmem:$0x19800] =	vst v63  }
0x37: {  	s18 =	simm.s32 $0x580  }
0x38: {  	[spmem:s2] =	stream.indirect.scatter.add.f32 [tilespmem:s12], [sflag:$0x1], $0x80, s18, s13, $0xb8;
	[tilespmem:$0x19800] =	vst v63  }
0x39: {  	s18 =	simm.s32 $0x600  }
0x3a: {  	[spmem:s2] =	stream.indirect.scatter.add.f32 [tilespmem:s12], [sflag:$0x1], $0x80, s18, s13, $0xb8;
	[tilespmem:$0x19800] =	vst v63  }
0x3b: {  	s18 =	simm.s32 $0x680  }
0x3c: {  	[spmem:s2] =	stream.indirect.scatter.add.f32 [tilespmem:s12], [sflag:$0x1], $0x80, s18, s13, $0xb8;
	[tilespmem:$0x19800] =	vst v63  }
0x3d: {  	s18 =	simm.s32 $0x700  }
0x3e: {  	[spmem:s2] =	stream.indirect.scatter.add.f32 [tilespmem:s12], [sflag:$0x1], $0x80, s18, s13, $0xb8;
	[tilespmem:$0x19800] =	vst v63  }
0x3f: {  	s18 =	simm.s32 $0x780  }
0x40: {  	[spmem:s2] =	stream.indirect.scatter.add.f32 [tilespmem:s12], [sflag:$0x1], $0x80, s18, s13, $0xb8;
	[tilespmem:$0x19800] =	vst v63  }
0x41: {  	s18 =	simm.s32 $0x800  }
0x42: {  	[spmem:s2] =	stream.indirect.scatter.add.f32 [tilespmem:s12], [sflag:$0x1], $0x80, s18, s13, $0xb8;
	[tilespmem:$0x19800] =	vst v63  }
0x43: {  	s18 =	simm.s32 $0x880  }
0x44: {  	[spmem:s2] =	stream.indirect.scatter.add.f32 [tilespmem:s12], [sflag:$0x1], $0x80, s18, s13, $0xb8;
	[tilespmem:$0x19800] =	vst v63  }
0x45: {  	s18 =	simm.s32 $0x900  }
0x46: {  	[spmem:s2] =	stream.indirect.scatter.add.f32 [tilespmem:s12], [sflag:$0x1], $0x80, s18, s13, $0xb8;
	[tilespmem:$0x19800] =	vst v63  }
0x47: {  	s18 =	simm.s32 $0x980  }
0x48: {  	[spmem:s2] =	stream.indirect.scatter.add.f32 [tilespmem:s12], [sflag:$0x1], $0x80, s18, s13, $0xb8;
	[tilespmem:$0x19800] =	vst v63  }
0x49: {  	s18 =	simm.s32 $0xA00  }
0x4a: {  	[spmem:s2] =	stream.indirect.scatter.add.f32 [tilespmem:s12], [sflag:$0x1], $0x80, s18, s13, $0xb8;
	[tilespmem:$0x19800] =	vst v63  }
0x4b: {  	s18 =	simm.s32 $0xA80  }
0x4c: {  	[spmem:s2] =	stream.indirect.scatter.add.f32 [tilespmem:s12], [sflag:$0x1], $0x80, s18, s13, $0xb8;
	[tilespmem:$0x19800] =	vst v63  }
0x4d: {  	s18 =	simm.s32 $0xB00  }
0x4e: {  	[spmem:s2] =	stream.indirect.scatter.add.f32 [tilespmem:s12], [sflag:$0x1], $0x80, s18, s13, $0xb8;
	[tilespmem:$0x19800] =	vst v63  }
0x4f: {  	s18 =	simm.s32 $0xB80  }
0x50: {  	[spmem:s2] =	stream.indirect.scatter.add.f32 [tilespmem:s12], [sflag:$0x1], $0x80, s18, s13, $0xb8;
	[tilespmem:$0x19800] =	vst v63  }
0x51: {  	s18 =	simm.s32 $0xC00  }
0x52: {  	[spmem:s2] =	stream.indirect.scatter.add.f32 [tilespmem:s12], [sflag:$0x1], $0x80, s18, s13, $0xb8;
	[tilespmem:$0x19800] =	vst v63  }
0x53: {  	_ = 	snop  }
0x54: {  	[spmem:s2] =	stream.indirect.scatter.add.f32 [tilespmem:s12], [sflag:$0x1], $0x80, s19, s13, $0xb8;
	[tilespmem:$0x19800] =	vst v63  }
0x55: {  	_ = 	snop  }
0x56: {  	[spmem:s2] =	stream.indirect.scatter.add.f32 [tilespmem:s12], [sflag:$0x1], $0x80, s20, s13, $0xb8;
	[tilespmem:$0x19800] =	vst v63  }
0x57: {  	_ = 	snop  }
0x58: {  	[spmem:s2] =	stream.indirect.scatter.add.f32 [tilespmem:s12], [sflag:$0x1], $0x80, s21, s13, $0xb8;
	[tilespmem:$0x19800] =	vst v63  }
0x59: {  	_ = 	snop  }
0x5a: {  	[spmem:s2] =	stream.indirect.scatter.add.f32 [tilespmem:s12], [sflag:$0x1], $0x80, s22, s13, $0xb8;
	[tilespmem:$0x19800] =	vst v63  }
0x5b: {  	_ = 	snop  }
0x5c: {  	[spmem:s2] =	stream.indirect.scatter.add.f32 [tilespmem:s12], [sflag:$0x1], $0x80, s23, s13, $0xb8;
	[tilespmem:$0x19800] =	vst v63  }
0x5d: {  	_ = 	snop  }
0x5e: {  	[spmem:s2] =	stream.indirect.scatter.add.f32 [tilespmem:s12], [sflag:$0x1], $0x80, s24, s13, $0xb8;
	[tilespmem:$0x19800] =	vst v63  }
0x5f: {  	_ = 	snop  }
0x60: {  	[spmem:s2] =	stream.indirect.scatter.add.f32 [tilespmem:s12], [sflag:$0x1], $0x80, s26, s13, $0xb8;
	[tilespmem:$0x19800] =	vst v63  }
0x61: {  	_ = 	snop  }
0x62: {  	[spmem:s2] =	stream.indirect.scatter.add.f32 [tilespmem:s12], [sflag:$0x1], $0x80, s28, s13, $0xb8;
	[tilespmem:$0x19800] =	vst v63  }
0x63: {  	_ = 	snop  }
0x64: {  	[spmem:s2] =	stream.indirect.scatter.add.f32 [tilespmem:s12], [sflag:$0x1], $0x80, s29, s13, $0xb8;
	[tilespmem:$0x19800] =	vst v63  }
0x65: {  	_ = 	snop  }
0x66: {  	[spmem:s2] =	stream.indirect.scatter.add.f32 [tilespmem:s12], [sflag:$0x1], $0x80, s30, s13, $0xb8;
	[tilespmem:$0x19800] =	vst v63  }
0x67: {  	_ = 	snop  }
0x68: {  	[spmem:s2] =	stream.indirect.scatter.add.f32 [tilespmem:s12], [sflag:$0x1], $0x80, s31, s13, $0xb8;
	[tilespmem:$0x19800] =	vst v63  }
0x69: {  	_ = 	snop  }
0x6a: {  	[spmem:s2] =	stream.indirect.scatter.add.f32 [tilespmem:s12], [sflag:$0x1], $0x80, s1, s13, $0xb8;
	[tilespmem:$0x19800] =	vst v63  }
0x6b: {  	_ = 	snop  }
0x6c: {  	[spmem:s2] =	stream.indirect.scatter.add.f32 [tilespmem:s12], [sflag:$0x1], $0x80, s0, s13, $0xb8;
	[tilespmem:$0x19800] =	vst v63  }
0x6d: {  	_ = 	snop  }
0x6e: {  	[spmem:s2] =	stream.indirect.scatter.add.f32 [tilespmem:s12], [sflag:$0x1], $0x80, s14, s13, $0xb8;
	[tilespmem:$0x19800] =	vst v63  }
0x6f: {  	_ = 	snop  }
0x70: {  	[spmem:s2] =	stream.indirect.scatter.add.f32 [tilespmem:s12], [sflag:$0x1], $0x80, s15, s13, $0xb8;
	[tilespmem:$0x19800] =	vst v63  }
0x71: {  	_ =	swait.ge [sflag:s16], $0x4000  }
0x72: {  	s18 =	simm.s32 $0x27;
	[sflag:s16] =	ssyncset.done $0x0  }
.LBB2_2:
0x73: {  	p0 =	sne.s32 s18, $0x1;
	s18 =	sadd.s32 $0xFFFFFFFF, s18;
	[sflag:s16] =	ssyncadd.s32 $0xFFFFC000  }
.Ltmp0:
0x74: {  	(pc) =	sbr.rel @p0 .LBB2_2-.Ltmp0, $3  }
0x75: {  	_ =	sdelay $0x1  }
0x76: {  	_ =	swait.ge [sflag:s16], $0x4000  }
0x77: {  	[sflag:s16] =	ssyncset.done $0x0  }
0x78: {  	s17 =	sadd.s32 $0x1, s17  }
0x79: {  	[sflag:s16] =	ssyncadd.s32 $0xFFFFC000;
	p0 =	sne.s32 s17, s9  }
.Ltmp1:
0x7a: {  	[bflag:$0x0] =	sbarrier.arrive $0xFFFF;
	(pc) =	sbr.rel @p0 .LBB2_1-.Ltmp1, $4  }
0x7b: {  	[hbm:s8], [sflag:s6] =	dma.local [spmem:s25], $0x2800  }
0x7c: {  	_ =	swait.ge [sflag:s11], $0x2800  }
0x7d: {  	[sflag:s11] =	ssyncset.done $0x0  }
0x7e: {  	[sflag:s11] =	ssyncadd.s32 $0xFFFFD800  }
0x7f: {  	_ =	sfence.sel $0x180000  }
0x80: {  	[bflag:$0x0] =	sbarrier.arrive $0xFFFF  }
0x81: {  	_ =	strace $0x90000047  }
0x82: {  	s0 =	stileid.u32;
	[bflag:$0x2] =	sbarrier.arrive $0xFFFF  }
0x83: {  	p0 =	sne.s32 s0, $0x0;
	s0 =	rddreg [dreg:$0x2]  }
0x84: {  	s0 =	sadd.s32 @!p0 $0x100000, s0  }
0x85: {  	[sflag:s0] =	ssyncadd.tile.s32 @!p0 $0x1;
	_ =	shalt  }
.Lfunc_end2:
_tile_overlayer_lowered:
.L_overlay_start_2:
0x86: {  	(tag) =	ssettag $0x2  }
0x87: {  	s0 =	rddreg [dreg:$0x0];
	s2 =	stileid.u32  }
0x88: {  	s1 =	rddreg [dreg:$0x1];
	p0 =	sne.s32 s2, $0x0  }
0x89: {  	s3 =	rddreg [dreg:$0x2];
	[bflag:$0x3] =	sbarrier.arrive $0xFFFF;
	s2 =	simm.s32 @!p0 $0x1C02  }
0x8a: {  	[timem:s3], [sflag:s2] =	dma.local @!p0 [hbm:s0], s1  }
0x8b: {  	s0 =	simm.s32 @!p0 $0x2  }
0x8c: {  	_ =	swait.ge @!p0 [sflag:s0], s1  }
0x8d: {  	s1 =	ssub.s32 @!p0 $0x0, s1;
	[sflag:s0] =	ssyncset.done @!p0 $0x0  }
0x8e: {  	[sflag:s0] =	ssyncadd.s32 @!p0 s1  }
0x8f: {  	[bflag:$0x3] =	sbarrier.arrive $0xFFFF  }
0x90: {  	_ =	shalt  }

</sc_bundles>
